<compile_context>
chip_gen: v7x
topology: tpu7x:2x2x1
jax: 0.10.2.dev20260603
libtpu: 0.0.44.dev20260713+nightly
codegen_flags: <defaults>
</compile_context>

<pallas_src>
import functools

import jax
import jax.numpy as jnp
from jax import lax
from jax.experimental import pallas as pl
from jax.experimental.pallas import tpu as pltpu
from jax.experimental.pallas import tpu_sc as plsc

N = 50000
E = 800000
E2 = 802816
PAD = E2 - E
IN = 32
OUT = 32
K = 25
KS0 = 5

NC = 2
NS = 16
NW = NC * NS
C = 256
CQ = C // 128
EPS = E2 // NS
NCHUNK = EPS // C
HALF = 16
RCH = 400
NFULL = (N // RCH) // NS
NCHREM = (N // RCH) - NFULL * NS


def _mm_body(x_ref, wf_ref, wr_ref, b_ref, h_ref, root_ref):
    xb = x_ref[...]
    h_ref[...] = jnp.dot(xb, wf_ref[...], preferred_element_type=jnp.float32)
    root_ref[...] = (
        jnp.dot(xb, wr_ref[...], preferred_element_type=jnp.float32) + b_ref[...]
    )


def _matmul(x, wf, wr, bias2d):
    bn = 1000
    grid = (N // bn,)
    return pl.pallas_call(
        _mm_body,
        grid=grid,
        in_specs=[
            pl.BlockSpec((bn, IN), lambda i: (i, 0)),
            pl.BlockSpec((IN, K * OUT), lambda i: (0, 0)),
            pl.BlockSpec((IN, OUT), lambda i: (0, 0)),
            pl.BlockSpec((1, OUT), lambda i: (0, 0)),
        ],
        out_specs=[
            pl.BlockSpec((bn, K * OUT), lambda i: (i, 0)),
            pl.BlockSpec((bn, OUT), lambda i: (i, 0)),
        ],
        out_shape=[
            jax.ShapeDtypeStruct((N, K * OUT), jnp.float32),
            jax.ShapeDtypeStruct((N, OUT), jnp.float32),
        ],
    )(x, wf, wr, bias2d)


def _prep_body(ps_ref, ec_ref, basis_ref, gidxa_ref, gidxb_ref):
    p0 = ps_ref[0:1, :]
    p1 = ps_ref[1:2, :]
    v0 = p0 * jnp.float32(KS0 - 1)
    v1 = p1 * jnp.float32(KS0 - 1)
    l0 = jnp.floor(v0)
    l1 = jnp.floor(v1)
    f0 = v0 - l0
    f1 = v1 - l1
    l0i = l0.astype(jnp.int32)
    l1i = l1.astype(jnp.int32)
    i0a = jnp.clip(l0i, 0, KS0 - 1)
    i0b = jnp.clip(l0i + 1, 0, KS0 - 1)
    i1a = jnp.clip(l1i, 0, KS0 - 1)
    i1b = jnp.clip(l1i + 1, 0, KS0 - 1)
    base = ec_ref[1:2, :] * K
    basis_ref[0:1, :] = (1.0 - f0) * (1.0 - f1)
    basis_ref[1:2, :] = f0 * (1.0 - f1)
    basis_ref[2:3, :] = (1.0 - f0) * f1
    basis_ref[3:4, :] = f0 * f1
    ga0 = (base + i0a + KS0 * i1a) * 2
    ga1 = (base + i0b + KS0 * i1a) * 2
    ga2 = (base + i0a + KS0 * i1b) * 2
    ga3 = (base + i0b + KS0 * i1b) * 2
    gidxa_ref[0:1, :] = ga0
    gidxa_ref[1:2, :] = ga1
    gidxa_ref[2:3, :] = ga2
    gidxa_ref[3:4, :] = ga3
    gidxb_ref[0:1, :] = ga0 + 1
    gidxb_ref[1:2, :] = ga1 + 1
    gidxb_ref[2:3, :] = ga2 + 1
    gidxb_ref[3:4, :] = ga3 + 1


def _edge_prep(pseudo_t, edge_index):
    be = 6272
    grid = (E2 // be,)
    return pl.pallas_call(
        _prep_body,
        grid=grid,
        in_specs=[
            pl.BlockSpec((2, be), lambda i: (0, i)),
            pl.BlockSpec((2, be), lambda i: (0, i)),
        ],
        out_specs=[
            pl.BlockSpec((4, be), lambda i: (0, i)),
            pl.BlockSpec((4, be), lambda i: (0, i)),
            pl.BlockSpec((4, be), lambda i: (0, i)),
        ],
        out_shape=[
            jax.ShapeDtypeStruct((4, E2), jnp.float32),
            jax.ShapeDtypeStruct((4, E2), jnp.int32),
            jax.ShapeDtypeStruct((4, E2), jnp.int32),
        ],
    )(pseudo_t, edge_index)


def _sc_body(h_hbm, gidxa_hbm, gidxb_hbm, basis_hbm, row_hbm,
             acc_hbm, deg_hbm,
             gidx_v, basis_v, row_v, rows_v, msg_v, hist_v, zbuf,
             acc_sh, sem):
    cid = lax.axis_index("c")
    sid = lax.axis_index("s")

    zvec = jnp.zeros((16,), jnp.float32)
    ones16 = zvec + 1.0

    def _zb(i, carry):
        zbuf[i, :] = zvec
        return carry

    lax.fori_loop(0, RCH, _zb, 0)

    def _zh(i, carry):
        hist_v[pl.ds(i * 16, 16)] = zvec
        return carry

    lax.fori_loop(0, (EPS + 16) // 16, _zh, 0)

    def _zero_chunk(ch):
        r = pl.multiple_of(ch * RCH, 8)
        pltpu.sync_copy(zbuf, acc_sh.at[pl.ds(r, RCH), :])

    for t in range(NFULL):
        _zero_chunk(t * NS + sid)

    @pl.when(sid < NCHREM)
    def _():
        _zero_chunk(NFULL * NS + sid)

    plsc.subcore_barrier()

    ebase = sid * EPS

    def _chunk(b, carry):
        base = ebase + b * C

        @pl.when(cid == 0)
        def _():
            pltpu.sync_copy(gidxa_hbm.at[:, pl.ds(base, C)], gidx_v)

        @pl.when(cid == 1)
        def _():
            pltpu.sync_copy(gidxb_hbm.at[:, pl.ds(base, C)], gidx_v)

        pltpu.sync_copy(basis_hbm.at[:, pl.ds(base, C)], basis_v)
        rb = sid * (EPS // 128) + b * CQ
        pltpu.sync_copy(row_hbm.at[pl.ds(rb, CQ), :], row_v)
        cps = [pltpu.async_copy(
                   h_hbm.at[gidx_v.at[s, pl.ds(q * 128, 128)]],
                   rows_v.at[s, pl.ds(q * 128, 128), :], sem)
               for s in range(4) for q in range(CQ)]
        for cp in cps:
            cp.wait()

        def _grp(g, gcarry):
            e0 = g * 16
            bs = [basis_v[s, pl.ds(e0, 16)] for s in range(4)]
            ix = row_v[g // 8, pl.ds((g % 8) * 16, 16)]
            plsc.addupdate_scatter(hist_v, [ix], ones16)
            for j in range(16):
                e = e0 + j
                msg_v[e, :] = (bs[0][j] * rows_v[0, e, :]
                               + bs[1][j] * rows_v[1, e, :]
                               + bs[2][j] * rows_v[2, e, :]
                               + bs[3][j] * rows_v[3, e, :])
            return gcarry

        lax.fori_loop(0, C // 16, _grp, 0)

        for q in range(CQ):
            pltpu.sync_copy(msg_v.at[pl.ds(q * 128, 128), :],
                            acc_sh.at[row_v.at[q]], add=True)
        return carry

    lax.fori_loop(0, NCHUNK, _chunk, 0)

    plsc.subcore_barrier()

    def _out_chunk(ch):
        r = pl.multiple_of(ch * RCH, 8)
        pltpu.sync_copy(acc_sh.at[pl.ds(r, RCH), :], zbuf)
        pltpu.sync_copy(zbuf, acc_hbm.at[cid, pl.ds(r, RCH), :])

    for t in range(NFULL):
        _out_chunk(t * NS + sid)

    @pl.when(sid < NCHREM)
    def _():
        _out_chunk(NFULL * NS + sid)

    def _dout(i, carry):
        r = pl.multiple_of(i * RCH, 8)
        pltpu.sync_copy(hist_v.at[pl.ds(r, RCH)],
                        deg_hbm.at[cid, sid, pl.ds(r, RCH)])
        return carry

    lax.fori_loop(0, N // RCH, _dout, 0)


def _sc_scatter(h2, gidxa, gidxb, basis, row):
    mesh = plsc.VectorSubcoreMesh(core_axis_name="c", subcore_axis_name="s")
    fn = pl.kernel(
        _sc_body,
        out_type=[
            jax.ShapeDtypeStruct((NC, N, HALF), jnp.float32),
            jax.ShapeDtypeStruct((NC, NS, N), jnp.float32),
        ],
        mesh=mesh,
        compiler_params=pltpu.CompilerParams(use_tc_tiling_on_sc=False,
                                             needs_layout_passes=False),
        scratch_types=[
            pltpu.VMEM((4, C), jnp.int32),
            pltpu.VMEM((4, C), jnp.float32),
            pltpu.VMEM((CQ, 128), jnp.int32),
            pltpu.VMEM((4, C, HALF), jnp.float32),
            pltpu.VMEM((C, HALF), jnp.float32),
            pltpu.VMEM((EPS + 16,), jnp.float32),
            pltpu.VMEM((RCH, HALF), jnp.float32),
            pltpu.VMEM_SHARED((N + 8, HALF), jnp.float32),
            pltpu.SemaphoreType.DMA,
        ],
    )
    return fn(h2, gidxa, gidxb, basis, row)


def _comb_body(acc_ref, deg_ref, root_ref, o_ref):
    a = jnp.concatenate([acc_ref[0], acc_ref[1]], axis=1)
    d = 0.5 * jnp.sum(deg_ref[...], axis=1, keepdims=True)
    o_ref[...] = a / jnp.maximum(d, 1.0) + root_ref[...]


def _combine(acc, degt, root):
    bn = 2000
    grid = (N // bn,)
    return pl.pallas_call(
        _comb_body,
        grid=grid,
        in_specs=[
            pl.BlockSpec((NC, bn, HALF), lambda i: (0, i, 0)),
            pl.BlockSpec((bn, NW), lambda i: (i, 0)),
            pl.BlockSpec((bn, OUT), lambda i: (i, 0)),
        ],
        out_specs=pl.BlockSpec((bn, OUT), lambda i: (i, 0)),
        out_shape=jax.ShapeDtypeStruct((N, OUT), jnp.float32),
    )(acc, degt, root)


@jax.jit
def kernel(x, edge_index, pseudo, weight, bias):
    wf = jnp.transpose(weight[:K], (1, 0, 2)).reshape(IN, K * OUT)
    wr = weight[K]
    h, root = _matmul(x, wf, wr, bias.reshape(1, OUT))
    h2 = h.reshape(N * K * 2, HALF)
    ec2 = jnp.pad(edge_index, ((0, 0), (0, PAD)))
    ps2 = jnp.pad(jnp.transpose(pseudo), ((0, 0), (0, PAD)))
    basis, gidxa, gidxb = _edge_prep(ps2, ec2)
    row = jnp.concatenate(
        [edge_index[0], jnp.full((PAD,), N, jnp.int32)]).reshape(E2 // 128, 128)
    acc, deg = _sc_scatter(h2, gidxa, gidxb, basis, row)
    out = _combine(acc, jnp.transpose(deg.reshape(NW, N)), root)
    return out

# --- scband reference (transcript-rebuilt; emitter-appended) ---
"""Pipeline reference for scband-spline-conv-41953240547637 (READ-ONLY COPY).

The authoritative reference and input builder live on the scoring server;
editing this copy changes nothing except your own understanding.
"""

import jax, jax.numpy as jnp
import numpy as np

N = 50000
E = 800000
IN = 32
OUT = 32
DIM = 2
KS = (5, 5)
K = 25  # prod(KS)
S = 2 ** DIM  # number of degree-1 basis products per edge


def setup_inputs(seed: int = 0) -> dict:
    key = jax.random.key(seed)
    k1, k2, k3, k4, k5 = jax.random.split(key, 5)
    x = jax.random.normal(k1, (N, IN), dtype=jnp.float32)
    edge_index = jax.random.randint(k2, (2, E), 0, N, dtype=jnp.int32)
    pseudo = jax.random.uniform(k3, (E, DIM), dtype=jnp.float32)
    bound = 1.0 / np.sqrt(IN * (K + 1))
    weight = jax.random.uniform(k4, (K + 1, IN, OUT), minval=-bound, maxval=bound, dtype=jnp.float32)
    bias = jax.random.uniform(k5, (OUT,), minval=-bound, maxval=bound, dtype=jnp.float32)
    return {"x": x, "edge_index": edge_index, "pseudo": pseudo, "weight": weight, "bias": bias}


def _spline_basis(pseudo):
    # degree-1 open B-spline tensor-product basis
    ks = jnp.array(KS, dtype=pseudo.dtype)
    is_open = jnp.array([1.0] * DIM, dtype=pseudo.dtype)
    v = pseudo * (ks - is_open)            # [E, DIM], v in [0, k-1]
    lo = jnp.floor(v)
    frac = v - lo                           # [E, DIM]
    lo_i = lo.astype(jnp.int32)
    offsets = np.ones(DIM, dtype=np.int64)
    for d in range(1, DIM):
        offsets[d] = offsets[d - 1] * KS[d - 1]
    basis_list, index_list = [], []
    for s in range(S):
        b = jnp.ones((pseudo.shape[0],), dtype=pseudo.dtype)
        idx = jnp.zeros((pseudo.shape[0],), dtype=jnp.int32)
        for d in range(DIM):
            bit = (s >> d) & 1
            fd = frac[:, d]
            b = b * (fd if bit else (1.0 - fd))
            id_d = jnp.clip(lo_i[:, d] + bit, 0, KS[d] - 1)  # open spline: clamp (b==1 edge has zero weight)
            idx = idx + id_d * int(offsets[d])
        basis_list.append(b)
        index_list.append(idx)
    return jnp.stack(basis_list, axis=1), jnp.stack(index_list, axis=1)  # [E,S] float, [E,S] int


def reference(x, edge_index, pseudo, weight, bias):
    row, col = edge_index[0], edge_index[1]
    basis, wi = _spline_basis(pseudo)
    # precompute per-kernel-slice transformed features: h[n,k,:] = x[n] @ weight[k]
    h = jnp.einsum('ni,kio->nko', x, weight[:K])   # [N, K, OUT]
    msg = jnp.zeros((E, OUT), dtype=x.dtype)
    for s in range(S):
        msg = msg + basis[:, s:s + 1] * h[col, wi[:, s]]   # edgewise spline weighting
    out = jax.ops.segment_sum(msg, row, num_segments=N)
    deg = jax.ops.segment_sum(jnp.ones((E,), dtype=x.dtype), row, num_segments=N)
    out = out / jnp.maximum(deg, 1.0)[:, None]
    out = out + x @ weight[K]                      # root weight (last slice)
    out = out + bias
    return out

if __name__ == "__main__":
    import jax
    _d = setup_inputs()
    print(jax.jit(kernel)(*tuple(_d.values())))

</pallas_src>

<mosaic_0001>
#map = affine_map<(d0, d1) -> (0, 0)>
#map1 = affine_map<(d0, d1) -> (0, 0, 0)>
module attributes {stable_mosaic.version = 14 : i64} {
  func.func @_sc_body(%arg0: i32, %arg1: i32, %arg2: memref<2500000x16xf32, #tpu.memory_space<hbm>>, %arg3: memref<4x802816xi32, #tpu.memory_space<hbm>>, %arg4: memref<4x802816xi32, #tpu.memory_space<hbm>>, %arg5: memref<4x802816xf32, #tpu.memory_space<hbm>>, %arg6: memref<6272x128xi32, #tpu.memory_space<hbm>>, %arg7: memref<2x50000x16xf32, #tpu.memory_space<hbm>>, %arg8: memref<2x16x50000xf32, #tpu.memory_space<hbm>>, %arg9: memref<4x256xi32, #tpu.memory_space<vmem>>, %arg10: memref<4x256xf32, #tpu.memory_space<vmem>>, %arg11: memref<2x128xi32, #tpu.memory_space<vmem>>, %arg12: memref<4x256x16xf32, #tpu.memory_space<vmem>>, %arg13: memref<256x16xf32, #tpu.memory_space<vmem>>, %arg14: memref<50192xf32, #tpu.memory_space<vmem>>, %arg15: memref<400x16xf32, #tpu.memory_space<vmem>>, %arg16: memref<50008x16xf32, #tpu.memory_space<vmem_shared>>, %arg17: memref<!tpu.dma_semaphore, #tpu.memory_space<semaphore_mem>>) attributes {dimension_semantics = [#tpu.dimension_semantics<core_parallel>, #tpu.dimension_semantics<subcore_parallel>], iteration_bounds = array<i64: 2, 16>, scalar_prefetch = 0 : i64, scratch_operands = 9 : i64, tpu.core_type = #tpu.core_type<sc_vector_subcore>, window_params = [{transform_indices = #map}, {transform_indices = #map}, {transform_indices = #map}, {transform_indices = #map}, {transform_indices = #map}, {transform_indices = #map1}, {transform_indices = #map1}]} {
    %broadcast_in_dim3A = arith.constant 0.000000e+00 : f32
    %broadcast_in_dim3A_0 = vector.broadcast %broadcast_in_dim3A : f32 to vector<16xf32>
    %add3A = arith.constant 1.000000e+00 : f32
    %add3A_1 = vector.broadcast %add3A : f32 to vector<16xf32>
    %add3A_2 = arith.addf %broadcast_in_dim3A_0, %add3A_1 : vector<16xf32>
    %scan3A = arith.constant 0 : i32
    %scan3A_3 = arith.constant 0 : i32
    %scan3A_4 = arith.constant 400 : i32
    %scan3A_5 = arith.addi %scan3A_3, %scan3A_4 : i32
    %scan3A_6 = arith.constant 1 : i32
    scf.for %scan3A_104 = %scan3A_3 to %scan3A_5 step %scan3A_6  : i32 {
      %swap3A = arith.index_cast %scan3A_104 : i32 to index
      %swap3A_105 = arith.constant 0 : index
      %swap3A_106 = tpu.vector_load %arg15[%swap3A, %swap3A_105] {strides = array<i32>} : memref<400x16xf32, #tpu.memory_space<vmem>>, vector<16xf32>,
      tpu.vector_store %arg15[%swap3A, %swap3A_105], %broadcast_in_dim3A_0 {strides = array<i32>} : memref<400x16xf32, #tpu.memory_space<vmem>>, vector<16xf32>,
    }
    %scan3A_7 = arith.constant 400 : i32
    %scan3A_8 = arith.constant 0 : i32
    %scan3A_9 = arith.constant 0 : i32
    %scan3A_10 = arith.constant 3137 : i32
    %scan3A_11 = arith.addi %scan3A_9, %scan3A_10 : i32
    %scan3A_12 = arith.constant 1 : i32
    scf.for %scan3A_104 = %scan3A_9 to %scan3A_11 step %scan3A_12  : i32 {
      %mul3A_105 = arith.constant 16 : i32
      %mul3A_106 = arith.muli %scan3A_104, %mul3A_105 : i32
      %swap3A = arith.index_cast %mul3A_106 : i32 to index
      %swap3A_107 = tpu.vector_load %arg14[%swap3A] {strides = array<i32>} : memref<50192xf32, #tpu.memory_space<vmem>>, vector<16xf32>,
      tpu.vector_store %arg14[%swap3A], %broadcast_in_dim3A_0 {strides = array<i32>} : memref<50192xf32, #tpu.memory_space<vmem>>, vector<16xf32>,
    }
    %scan3A_13 = arith.constant 3137 : i32
    %add3A_14 = arith.constant 0 : i32
    %add3A_15 = arith.addi %add3A_14, %arg1 : i32
    %mul3A = arith.constant 400 : i32
    %mul3A_16 = arith.muli %add3A_15, %mul3A : i32
    %multiple_of3A = tpu.assume_multiple %mul3A_16, 8 : i32
    "tpu.region"() ({
      %run_scoped3A = tpu.sem_alloc : memref<!tpu.dma_semaphore, #tpu.memory_space<semaphore_mem>>
      %dma_start3A = arith.constant 0 : i32
      %dma_start3A_104 = tpu.memref_slice %arg16[%multiple_of3A, %dma_start3A] : memref<50008x16xf32, #tpu.memory_space<vmem_shared>> -> memref<400x16xf32, #tpu.memory_space<vmem_shared>>
      %dma_start3A_105 = arith.constant 0 : i32
      %dma_start3A_106 = tpu.memref_slice %arg16[%multiple_of3A, %dma_start3A_105] : memref<50008x16xf32, #tpu.memory_space<vmem_shared>> -> memref<400x16xf32, #tpu.memory_space<vmem_shared>>
      tpu.enqueue_dma source(%arg15 : memref<400x16xf32, #tpu.memory_space<vmem>>) target(%dma_start3A_106 : memref<400x16xf32, #tpu.memory_space<vmem_shared>>) target_semaphore(%run_scoped3A : memref<!tpu.dma_semaphore, #tpu.memory_space<semaphore_mem>>)
      %dma_wait3A = arith.constant 0 : i32
      %dma_wait3A_107 = tpu.memref_slice %arg16[%multiple_of3A, %dma_wait3A] : memref<50008x16xf32, #tpu.memory_space<vmem_shared>> -> memref<400x16xf32, #tpu.memory_space<vmem_shared>>
      %dma_wait3A_108 = arith.constant 0 : i32
      %dma_wait3A_109 = tpu.memref_slice %arg16[%multiple_of3A, %dma_wait3A_108] : memref<50008x16xf32, #tpu.memory_space<vmem_shared>> -> memref<400x16xf32, #tpu.memory_space<vmem_shared>>
      tpu.wait_dma2 semaphore(%run_scoped3A : memref<!tpu.dma_semaphore, #tpu.memory_space<semaphore_mem>>) src(%arg15 : memref<400x16xf32, #tpu.memory_space<vmem>>) dst(%dma_wait3A_109 : memref<400x16xf32, #tpu.memory_space<vmem_shared>>)
      tpu.yield
    }) : () -> ()
    %add3A_17 = arith.constant 16 : i32
    %add3A_18 = arith.addi %add3A_17, %arg1 : i32
    %mul3A_19 = arith.constant 400 : i32
    %mul3A_20 = arith.muli %add3A_18, %mul3A_19 : i32
    %multiple_of3A_21 = tpu.assume_multiple %mul3A_20, 8 : i32
    "tpu.region"() ({
      %run_scoped3A = tpu.sem_alloc : memref<!tpu.dma_semaphore, #tpu.memory_space<semaphore_mem>>
      %dma_start3A = arith.constant 0 : i32
      %dma_start3A_104 = tpu.memref_slice %arg16[%multiple_of3A_21, %dma_start3A] : memref<50008x16xf32, #tpu.memory_space<vmem_shared>> -> memref<400x16xf32, #tpu.memory_space<vmem_shared>>
      %dma_start3A_105 = arith.constant 0 : i32
      %dma_start3A_106 = tpu.memref_slice %arg16[%multiple_of3A_21, %dma_start3A_105] : memref<50008x16xf32, #tpu.memory_space<vmem_shared>> -> memref<400x16xf32, #tpu.memory_space<vmem_shared>>
      tpu.enqueue_dma source(%arg15 : memref<400x16xf32, #tpu.memory_space<vmem>>) target(%dma_start3A_106 : memref<400x16xf32, #tpu.memory_space<vmem_shared>>) target_semaphore(%run_scoped3A : memref<!tpu.dma_semaphore, #tpu.memory_space<semaphore_mem>>)
      %dma_wait3A = arith.constant 0 : i32
      %dma_wait3A_107 = tpu.memref_slice %arg16[%multiple_of3A_21, %dma_wait3A] : memref<50008x16xf32, #tpu.memory_space<vmem_shared>> -> memref<400x16xf32, #tpu.memory_space<vmem_shared>>
      %dma_wait3A_108 = arith.constant 0 : i32
      %dma_wait3A_109 = tpu.memref_slice %arg16[%multiple_of3A_21, %dma_wait3A_108] : memref<50008x16xf32, #tpu.memory_space<vmem_shared>> -> memref<400x16xf32, #tpu.memory_space<vmem_shared>>
      tpu.wait_dma2 semaphore(%run_scoped3A : memref<!tpu.dma_semaphore, #tpu.memory_space<semaphore_mem>>) src(%arg15 : memref<400x16xf32, #tpu.memory_space<vmem>>) dst(%dma_wait3A_109 : memref<400x16xf32, #tpu.memory_space<vmem_shared>>)
      tpu.yield
    }) : () -> ()
    %add3A_22 = arith.constant 32 : i32
    %add3A_23 = arith.addi %add3A_22, %arg1 : i32
    %mul3A_24 = arith.constant 400 : i32
    %mul3A_25 = arith.muli %add3A_23, %mul3A_24 : i32
    %multiple_of3A_26 = tpu.assume_multiple %mul3A_25, 8 : i32
    "tpu.region"() ({
      %run_scoped3A = tpu.sem_alloc : memref<!tpu.dma_semaphore, #tpu.memory_space<semaphore_mem>>
      %dma_start3A = arith.constant 0 : i32
      %dma_start3A_104 = tpu.memref_slice %arg16[%multiple_of3A_26, %dma_start3A] : memref<50008x16xf32, #tpu.memory_space<vmem_shared>> -> memref<400x16xf32, #tpu.memory_space<vmem_shared>>
      %dma_start3A_105 = arith.constant 0 : i32
      %dma_start3A_106 = tpu.memref_slice %arg16[%multiple_of3A_26, %dma_start3A_105] : memref<50008x16xf32, #tpu.memory_space<vmem_shared>> -> memref<400x16xf32, #tpu.memory_space<vmem_shared>>
      tpu.enqueue_dma source(%arg15 : memref<400x16xf32, #tpu.memory_space<vmem>>) target(%dma_start3A_106 : memref<400x16xf32, #tpu.memory_space<vmem_shared>>) target_semaphore(%run_scoped3A : memref<!tpu.dma_semaphore, #tpu.memory_space<semaphore_mem>>)
      %dma_wait3A = arith.constant 0 : i32
      %dma_wait3A_107 = tpu.memref_slice %arg16[%multiple_of3A_26, %dma_wait3A] : memref<50008x16xf32, #tpu.memory_space<vmem_shared>> -> memref<400x16xf32, #tpu.memory_space<vmem_shared>>
      %dma_wait3A_108 = arith.constant 0 : i32
      %dma_wait3A_109 = tpu.memref_slice %arg16[%multiple_of3A_26, %dma_wait3A_108] : memref<50008x16xf32, #tpu.memory_space<vmem_shared>> -> memref<400x16xf32, #tpu.memory_space<vmem_shared>>
      tpu.wait_dma2 semaphore(%run_scoped3A : memref<!tpu.dma_semaphore, #tpu.memory_space<semaphore_mem>>) src(%arg15 : memref<400x16xf32, #tpu.memory_space<vmem>>) dst(%dma_wait3A_109 : memref<400x16xf32, #tpu.memory_space<vmem_shared>>)
      tpu.yield
    }) : () -> ()
    %add3A_27 = arith.constant 48 : i32
    %add3A_28 = arith.addi %add3A_27, %arg1 : i32
    %mul3A_29 = arith.constant 400 : i32
    %mul3A_30 = arith.muli %add3A_28, %mul3A_29 : i32
    %multiple_of3A_31 = tpu.assume_multiple %mul3A_30, 8 : i32
    "tpu.region"() ({
      %run_scoped3A = tpu.sem_alloc : memref<!tpu.dma_semaphore, #tpu.memory_space<semaphore_mem>>
      %dma_start3A = arith.constant 0 : i32
      %dma_start3A_104 = tpu.memref_slice %arg16[%multiple_of3A_31, %dma_start3A] : memref<50008x16xf32, #tpu.memory_space<vmem_shared>> -> memref<400x16xf32, #tpu.memory_space<vmem_shared>>
      %dma_start3A_105 = arith.constant 0 : i32
      %dma_start3A_106 = tpu.memref_slice %arg16[%multiple_of3A_31, %dma_start3A_105] : memref<50008x16xf32, #tpu.memory_space<vmem_shared>> -> memref<400x16xf32, #tpu.memory_space<vmem_shared>>
      tpu.enqueue_dma source(%arg15 : memref<400x16xf32, #tpu.memory_space<vmem>>) target(%dma_start3A_106 : memref<400x16xf32, #tpu.memory_space<vmem_shared>>) target_semaphore(%run_scoped3A : memref<!tpu.dma_semaphore, #tpu.memory_space<semaphore_mem>>)
      %dma_wait3A = arith.constant 0 : i32
      %dma_wait3A_107 = tpu.memref_slice %arg16[%multiple_of3A_31, %dma_wait3A] : memref<50008x16xf32, #tpu.memory_space<vmem_shared>> -> memref<400x16xf32, #tpu.memory_space<vmem_shared>>
      %dma_wait3A_108 = arith.constant 0 : i32
      %dma_wait3A_109 = tpu.memref_slice %arg16[%multiple_of3A_31, %dma_wait3A_108] : memref<50008x16xf32, #tpu.memory_space<vmem_shared>> -> memref<400x16xf32, #tpu.memory_space<vmem_shared>>
      tpu.wait_dma2 semaphore(%run_scoped3A : memref<!tpu.dma_semaphore, #tpu.memory_space<semaphore_mem>>) src(%arg15 : memref<400x16xf32, #tpu.memory_space<vmem>>) dst(%dma_wait3A_109 : memref<400x16xf32, #tpu.memory_space<vmem_shared>>)
      tpu.yield
    }) : () -> ()
    %add3A_32 = arith.constant 64 : i32
    %add3A_33 = arith.addi %add3A_32, %arg1 : i32
    %mul3A_34 = arith.constant 400 : i32
    %mul3A_35 = arith.muli %add3A_33, %mul3A_34 : i32
    %multiple_of3A_36 = tpu.assume_multiple %mul3A_35, 8 : i32
    "tpu.region"() ({
      %run_scoped3A = tpu.sem_alloc : memref<!tpu.dma_semaphore, #tpu.memory_space<semaphore_mem>>
      %dma_start3A = arith.constant 0 : i32
      %dma_start3A_104 = tpu.memref_slice %arg16[%multiple_of3A_36, %dma_start3A] : memref<50008x16xf32, #tpu.memory_space<vmem_shared>> -> memref<400x16xf32, #tpu.memory_space<vmem_shared>>
      %dma_start3A_105 = arith.constant 0 : i32
      %dma_start3A_106 = tpu.memref_slice %arg16[%multiple_of3A_36, %dma_start3A_105] : memref<50008x16xf32, #tpu.memory_space<vmem_shared>> -> memref<400x16xf32, #tpu.memory_space<vmem_shared>>
      tpu.enqueue_dma source(%arg15 : memref<400x16xf32, #tpu.memory_space<vmem>>) target(%dma_start3A_106 : memref<400x16xf32, #tpu.memory_space<vmem_shared>>) target_semaphore(%run_scoped3A : memref<!tpu.dma_semaphore, #tpu.memory_space<semaphore_mem>>)
      %dma_wait3A = arith.constant 0 : i32
      %dma_wait3A_107 = tpu.memref_slice %arg16[%multiple_of3A_36, %dma_wait3A] : memref<50008x16xf32, #tpu.memory_space<vmem_shared>> -> memref<400x16xf32, #tpu.memory_space<vmem_shared>>
      %dma_wait3A_108 = arith.constant 0 : i32
      %dma_wait3A_109 = tpu.memref_slice %arg16[%multiple_of3A_36, %dma_wait3A_108] : memref<50008x16xf32, #tpu.memory_space<vmem_shared>> -> memref<400x16xf32, #tpu.memory_space<vmem_shared>>
      tpu.wait_dma2 semaphore(%run_scoped3A : memref<!tpu.dma_semaphore, #tpu.memory_space<semaphore_mem>>) src(%arg15 : memref<400x16xf32, #tpu.memory_space<vmem>>) dst(%dma_wait3A_109 : memref<400x16xf32, #tpu.memory_space<vmem_shared>>)
      tpu.yield
    }) : () -> ()
    %add3A_37 = arith.constant 80 : i32
    %add3A_38 = arith.addi %add3A_37, %arg1 : i32
    %mul3A_39 = arith.constant 400 : i32
    %mul3A_40 = arith.muli %add3A_38, %mul3A_39 : i32
    %multiple_of3A_41 = tpu.assume_multiple %mul3A_40, 8 : i32
    "tpu.region"() ({
      %run_scoped3A = tpu.sem_alloc : memref<!tpu.dma_semaphore, #tpu.memory_space<semaphore_mem>>
      %dma_start3A = arith.constant 0 : i32
      %dma_start3A_104 = tpu.memref_slice %arg16[%multiple_of3A_41, %dma_start3A] : memref<50008x16xf32, #tpu.memory_space<vmem_shared>> -> memref<400x16xf32, #tpu.memory_space<vmem_shared>>
      %dma_start3A_105 = arith.constant 0 : i32
      %dma_start3A_106 = tpu.memref_slice %arg16[%multiple_of3A_41, %dma_start3A_105] : memref<50008x16xf32, #tpu.memory_space<vmem_shared>> -> memref<400x16xf32, #tpu.memory_space<vmem_shared>>
      tpu.enqueue_dma source(%arg15 : memref<400x16xf32, #tpu.memory_space<vmem>>) target(%dma_start3A_106 : memref<400x16xf32, #tpu.memory_space<vmem_shared>>) target_semaphore(%run_scoped3A : memref<!tpu.dma_semaphore, #tpu.memory_space<semaphore_mem>>)
      %dma_wait3A = arith.constant 0 : i32
      %dma_wait3A_107 = tpu.memref_slice %arg16[%multiple_of3A_41, %dma_wait3A] : memref<50008x16xf32, #tpu.memory_space<vmem_shared>> -> memref<400x16xf32, #tpu.memory_space<vmem_shared>>
      %dma_wait3A_108 = arith.constant 0 : i32
      %dma_wait3A_109 = tpu.memref_slice %arg16[%multiple_of3A_41, %dma_wait3A_108] : memref<50008x16xf32, #tpu.memory_space<vmem_shared>> -> memref<400x16xf32, #tpu.memory_space<vmem_shared>>
      tpu.wait_dma2 semaphore(%run_scoped3A : memref<!tpu.dma_semaphore, #tpu.memory_space<semaphore_mem>>) src(%arg15 : memref<400x16xf32, #tpu.memory_space<vmem>>) dst(%dma_wait3A_109 : memref<400x16xf32, #tpu.memory_space<vmem_shared>>)
      tpu.yield
    }) : () -> ()
    %add3A_42 = arith.constant 96 : i32
    %add3A_43 = arith.addi %add3A_42, %arg1 : i32
    %mul3A_44 = arith.constant 400 : i32
    %mul3A_45 = arith.muli %add3A_43, %mul3A_44 : i32
    %multiple_of3A_46 = tpu.assume_multiple %mul3A_45, 8 : i32
    "tpu.region"() ({
      %run_scoped3A = tpu.sem_alloc : memref<!tpu.dma_semaphore, #tpu.memory_space<semaphore_mem>>
      %dma_start3A = arith.constant 0 : i32
      %dma_start3A_104 = tpu.memref_slice %arg16[%multiple_of3A_46, %dma_start3A] : memref<50008x16xf32, #tpu.memory_space<vmem_shared>> -> memref<400x16xf32, #tpu.memory_space<vmem_shared>>
      %dma_start3A_105 = arith.constant 0 : i32
      %dma_start3A_106 = tpu.memref_slice %arg16[%multiple_of3A_46, %dma_start3A_105] : memref<50008x16xf32, #tpu.memory_space<vmem_shared>> -> memref<400x16xf32, #tpu.memory_space<vmem_shared>>
      tpu.enqueue_dma source(%arg15 : memref<400x16xf32, #tpu.memory_space<vmem>>) target(%dma_start3A_106 : memref<400x16xf32, #tpu.memory_space<vmem_shared>>) target_semaphore(%run_scoped3A : memref<!tpu.dma_semaphore, #tpu.memory_space<semaphore_mem>>)
      %dma_wait3A = arith.constant 0 : i32
      %dma_wait3A_107 = tpu.memref_slice %arg16[%multiple_of3A_46, %dma_wait3A] : memref<50008x16xf32, #tpu.memory_space<vmem_shared>> -> memref<400x16xf32, #tpu.memory_space<vmem_shared>>
      %dma_wait3A_108 = arith.constant 0 : i32
      %dma_wait3A_109 = tpu.memref_slice %arg16[%multiple_of3A_46, %dma_wait3A_108] : memref<50008x16xf32, #tpu.memory_space<vmem_shared>> -> memref<400x16xf32, #tpu.memory_space<vmem_shared>>
      tpu.wait_dma2 semaphore(%run_scoped3A : memref<!tpu.dma_semaphore, #tpu.memory_space<semaphore_mem>>) src(%arg15 : memref<400x16xf32, #tpu.memory_space<vmem>>) dst(%dma_wait3A_109 : memref<400x16xf32, #tpu.memory_space<vmem_shared>>)
      tpu.yield
    }) : () -> ()
    %lt3A = arith.constant 13 : i32
    %lt3A_47 = arith.cmpi slt, %arg1, %lt3A : i32
    %convert_element_type3A = arith.extui %lt3A_47 : i1 to i32
    %cond3A = arith.constant 0 : i32
    %cond3A_48 = arith.cmpi ne, %convert_element_type3A, %cond3A : i32
    scf.if %cond3A_48 {
      %add3A_104 = arith.constant 112 : i32
      %add3A_105 = arith.addi %add3A_104, %arg1 : i32
      %mul3A_106 = arith.constant 400 : i32
      %mul3A_107 = arith.muli %add3A_105, %mul3A_106 : i32
      %multiple_of3A_108 = tpu.assume_multiple %mul3A_107, 8 : i32
      "tpu.region"() ({
        %run_scoped3A = tpu.sem_alloc : memref<!tpu.dma_semaphore, #tpu.memory_space<semaphore_mem>>
        %dma_start3A = arith.constant 0 : i32
        %dma_start3A_109 = tpu.memref_slice %arg16[%multiple_of3A_108, %dma_start3A] : memref<50008x16xf32, #tpu.memory_space<vmem_shared>> -> memref<400x16xf32, #tpu.memory_space<vmem_shared>>
        %dma_start3A_110 = arith.constant 0 : i32
        %dma_start3A_111 = tpu.memref_slice %arg16[%multiple_of3A_108, %dma_start3A_110] : memref<50008x16xf32, #tpu.memory_space<vmem_shared>> -> memref<400x16xf32, #tpu.memory_space<vmem_shared>>
        tpu.enqueue_dma source(%arg15 : memref<400x16xf32, #tpu.memory_space<vmem>>) target(%dma_start3A_111 : memref<400x16xf32, #tpu.memory_space<vmem_shared>>) target_semaphore(%run_scoped3A : memref<!tpu.dma_semaphore, #tpu.memory_space<semaphore_mem>>)
        %dma_wait3A = arith.constant 0 : i32
        %dma_wait3A_112 = tpu.memref_slice %arg16[%multiple_of3A_108, %dma_wait3A] : memref<50008x16xf32, #tpu.memory_space<vmem_shared>> -> memref<400x16xf32, #tpu.memory_space<vmem_shared>>
        %dma_wait3A_113 = arith.constant 0 : i32
        %dma_wait3A_114 = tpu.memref_slice %arg16[%multiple_of3A_108, %dma_wait3A_113] : memref<50008x16xf32, #tpu.memory_space<vmem_shared>> -> memref<400x16xf32, #tpu.memory_space<vmem_shared>>
        tpu.wait_dma2 semaphore(%run_scoped3A : memref<!tpu.dma_semaphore, #tpu.memory_space<semaphore_mem>>) src(%arg15 : memref<400x16xf32, #tpu.memory_space<vmem>>) dst(%dma_wait3A_114 : memref<400x16xf32, #tpu.memory_space<vmem_shared>>)
        tpu.yield
      }) : () -> ()
    } else {
    }
    %barrier3A = arith.constant 0 : index
    tpu.barrier barrier_id(%barrier3A)
    %mul3A_49 = arith.constant 50176 : i32
    %mul3A_50 = arith.muli %arg1, %mul3A_49 : i32
    %scan3A_51 = arith.constant 0 : i32
    %scan3A_52 = arith.constant 0 : i32
    %scan3A_53 = arith.constant 196 : i32
    %scan3A_54 = arith.addi %scan3A_52, %scan3A_53 : i32
    %scan3A_55 = arith.constant 1 : i32
    scf.for %scan3A_104 = %scan3A_52 to %scan3A_54 step %scan3A_55  : i32 {
      %mul3A_105 = arith.constant 256 : i32
      %mul3A_106 = arith.muli %scan3A_104, %mul3A_105 : i32
      %add3A_107 = arith.addi %mul3A_50, %mul3A_106 : i32
      %eq3A = arith.constant 0 : i32
      %eq3A_108 = arith.cmpi eq, %arg0, %eq3A : i32
      %convert_element_type3A_109 = arith.extui %eq3A_108 : i1 to i32
      %cond3A_110 = arith.constant 0 : i32
      %cond3A_111 = arith.cmpi ne, %convert_element_type3A_109, %cond3A_110 : i32
      scf.if %cond3A_111 {
        "tpu.region"() ({
          %run_scoped3A_319 = tpu.sem_alloc : memref<!tpu.dma_semaphore, #tpu.memory_space<semaphore_mem>>
          %dma_start3A_320 = arith.constant 0 : i32
          %dma_start3A_321 = tpu.memref_slice %arg3[%dma_start3A_320, %add3A_107] : memref<4x802816xi32, #tpu.memory_space<hbm>> -> memref<4x256xi32, #tpu.memory_space<hbm>>
          %dma_start3A_322 = arith.constant 0 : i32
          %dma_start3A_323 = tpu.memref_slice %arg3[%dma_start3A_322, %add3A_107] : memref<4x802816xi32, #tpu.memory_space<hbm>> -> memref<4x256xi32, #tpu.memory_space<hbm>>
          tpu.enqueue_dma source(%dma_start3A_323 : memref<4x256xi32, #tpu.memory_space<hbm>>) target(%arg9 : memref<4x256xi32, #tpu.memory_space<vmem>>) target_semaphore(%run_scoped3A_319 : memref<!tpu.dma_semaphore, #tpu.memory_space<semaphore_mem>>)
          %dma_wait3A_324 = arith.constant 0 : i32
          %dma_wait3A_325 = tpu.memref_slice %arg3[%dma_wait3A_324, %add3A_107] : memref<4x802816xi32, #tpu.memory_space<hbm>> -> memref<4x256xi32, #tpu.memory_space<hbm>>
          %dma_wait3A_326 = arith.constant 0 : i32
          %dma_wait3A_327 = tpu.memref_slice %arg3[%dma_wait3A_326, %add3A_107] : memref<4x802816xi32, #tpu.memory_space<hbm>> -> memref<4x256xi32, #tpu.memory_space<hbm>>
          tpu.wait_dma2 semaphore(%run_scoped3A_319 : memref<!tpu.dma_semaphore, #tpu.memory_space<semaphore_mem>>) src(%dma_wait3A_327 : memref<4x256xi32, #tpu.memory_space<hbm>>) dst(%arg9 : memref<4x256xi32, #tpu.memory_space<vmem>>)
          tpu.yield
        }) : () -> ()
      } else {
      }
      %eq3A_112 = arith.constant 1 : i32
      %eq3A_113 = arith.cmpi eq, %arg0, %eq3A_112 : i32
      %convert_element_type3A_114 = arith.extui %eq3A_113 : i1 to i32
      %cond3A_115 = arith.constant 0 : i32
      %cond3A_116 = arith.cmpi ne, %convert_element_type3A_114, %cond3A_115 : i32
      scf.if %cond3A_116 {
        "tpu.region"() ({
          %run_scoped3A_319 = tpu.sem_alloc : memref<!tpu.dma_semaphore, #tpu.memory_space<semaphore_mem>>
          %dma_start3A_320 = arith.constant 0 : i32
          %dma_start3A_321 = tpu.memref_slice %arg4[%dma_start3A_320, %add3A_107] : memref<4x802816xi32, #tpu.memory_space<hbm>> -> memref<4x256xi32, #tpu.memory_space<hbm>>
          %dma_start3A_322 = arith.constant 0 : i32
          %dma_start3A_323 = tpu.memref_slice %arg4[%dma_start3A_322, %add3A_107] : memref<4x802816xi32, #tpu.memory_space<hbm>> -> memref<4x256xi32, #tpu.memory_space<hbm>>
          tpu.enqueue_dma source(%dma_start3A_323 : memref<4x256xi32, #tpu.memory_space<hbm>>) target(%arg9 : memref<4x256xi32, #tpu.memory_space<vmem>>) target_semaphore(%run_scoped3A_319 : memref<!tpu.dma_semaphore, #tpu.memory_space<semaphore_mem>>)
          %dma_wait3A_324 = arith.constant 0 : i32
          %dma_wait3A_325 = tpu.memref_slice %arg4[%dma_wait3A_324, %add3A_107] : memref<4x802816xi32, #tpu.memory_space<hbm>> -> memref<4x256xi32, #tpu.memory_space<hbm>>
          %dma_wait3A_326 = arith.constant 0 : i32
          %dma_wait3A_327 = tpu.memref_slice %arg4[%dma_wait3A_326, %add3A_107] : memref<4x802816xi32, #tpu.memory_space<hbm>> -> memref<4x256xi32, #tpu.memory_space<hbm>>
          tpu.wait_dma2 semaphore(%run_scoped3A_319 : memref<!tpu.dma_semaphore, #tpu.memory_space<semaphore_mem>>) src(%dma_wait3A_327 : memref<4x256xi32, #tpu.memory_space<hbm>>) dst(%arg9 : memref<4x256xi32, #tpu.memory_space<vmem>>)
          tpu.yield
        }) : () -> ()
      } else {
      }
      "tpu.region"() ({
        %run_scoped3A_319 = tpu.sem_alloc : memref<!tpu.dma_semaphore, #tpu.memory_space<semaphore_mem>>
        %dma_start3A_320 = arith.constant 0 : i32
        %dma_start3A_321 = tpu.memref_slice %arg5[%dma_start3A_320, %add3A_107] : memref<4x802816xf32, #tpu.memory_space<hbm>> -> memref<4x256xf32, #tpu.memory_space<hbm>>
        %dma_start3A_322 = arith.constant 0 : i32
        %dma_start3A_323 = tpu.memref_slice %arg5[%dma_start3A_322, %add3A_107] : memref<4x802816xf32, #tpu.memory_space<hbm>> -> memref<4x256xf32, #tpu.memory_space<hbm>>
        tpu.enqueue_dma source(%dma_start3A_323 : memref<4x256xf32, #tpu.memory_space<hbm>>) target(%arg10 : memref<4x256xf32, #tpu.memory_space<vmem>>) target_semaphore(%run_scoped3A_319 : memref<!tpu.dma_semaphore, #tpu.memory_space<semaphore_mem>>)
        %dma_wait3A_324 = arith.constant 0 : i32
        %dma_wait3A_325 = tpu.memref_slice %arg5[%dma_wait3A_324, %add3A_107] : memref<4x802816xf32, #tpu.memory_space<hbm>> -> memref<4x256xf32, #tpu.memory_space<hbm>>
        %dma_wait3A_326 = arith.constant 0 : i32
        %dma_wait3A_327 = tpu.memref_slice %arg5[%dma_wait3A_326, %add3A_107] : memref<4x802816xf32, #tpu.memory_space<hbm>> -> memref<4x256xf32, #tpu.memory_space<hbm>>
        tpu.wait_dma2 semaphore(%run_scoped3A_319 : memref<!tpu.dma_semaphore, #tpu.memory_space<semaphore_mem>>) src(%dma_wait3A_327 : memref<4x256xf32, #tpu.memory_space<hbm>>) dst(%arg10 : memref<4x256xf32, #tpu.memory_space<vmem>>)
        tpu.yield
      }) : () -> ()
      %mul3A_117 = arith.constant 392 : i32
      %mul3A_118 = arith.muli %arg1, %mul3A_117 : i32
      %mul3A_119 = arith.constant 2 : i32
      %mul3A_120 = arith.muli %scan3A_104, %mul3A_119 : i32
      %add3A_121 = arith.addi %mul3A_118, %mul3A_120 : i32
      "tpu.region"() ({
        %run_scoped3A_319 = tpu.sem_alloc : memref<!tpu.dma_semaphore, #tpu.memory_space<semaphore_mem>>
        %dma_start3A_320 = arith.constant 0 : i32
        %dma_start3A_321 = tpu.memref_slice %arg6[%add3A_121, %dma_start3A_320] : memref<6272x128xi32, #tpu.memory_space<hbm>> -> memref<2x128xi32, #tpu.memory_space<hbm>>
        %dma_start3A_322 = arith.constant 0 : i32
        %dma_start3A_323 = tpu.memref_slice %arg6[%add3A_121, %dma_start3A_322] : memref<6272x128xi32, #tpu.memory_space<hbm>> -> memref<2x128xi32, #tpu.memory_space<hbm>>
        tpu.enqueue_dma source(%dma_start3A_323 : memref<2x128xi32, #tpu.memory_space<hbm>>) target(%arg11 : memref<2x128xi32, #tpu.memory_space<vmem>>) target_semaphore(%run_scoped3A_319 : memref<!tpu.dma_semaphore, #tpu.memory_space<semaphore_mem>>)
        %dma_wait3A_324 = arith.constant 0 : i32
        %dma_wait3A_325 = tpu.memref_slice %arg6[%add3A_121, %dma_wait3A_324] : memref<6272x128xi32, #tpu.memory_space<hbm>> -> memref<2x128xi32, #tpu.memory_space<hbm>>
        %dma_wait3A_326 = arith.constant 0 : i32
        %dma_wait3A_327 = tpu.memref_slice %arg6[%add3A_121, %dma_wait3A_326] : memref<6272x128xi32, #tpu.memory_space<hbm>> -> memref<2x128xi32, #tpu.memory_space<hbm>>
        tpu.wait_dma2 semaphore(%run_scoped3A_319 : memref<!tpu.dma_semaphore, #tpu.memory_space<semaphore_mem>>) src(%dma_wait3A_327 : memref<2x128xi32, #tpu.memory_space<hbm>>) dst(%arg11 : memref<2x128xi32, #tpu.memory_space<vmem>>)
        tpu.yield
      }) : () -> ()
      %dma_start3A = arith.constant 0 : i32
      %dma_start3A_122 = arith.constant 0 : i32
      %dma_start3A_123 = arith.constant 0 : i32
      %dma_start3A_124 = arith.constant 0 : i32
      %dma_start3A_125 = tpu.memref_slice %arg12[%dma_start3A_122, %dma_start3A_123, %dma_start3A_124] : memref<4x256x16xf32, #tpu.memory_space<vmem>> -> memref<1x128x16xf32, #tpu.memory_space<vmem>>
      %dma_start3A_126 = tpu.memref_squeeze %dma_start3A_125 : memref<1x128x16xf32, #tpu.memory_space<vmem>> -> memref<128x16xf32, #tpu.memory_space<vmem>>
      %dma_start3A_127 = arith.constant 0 : i32
      %dma_start3A_128 = tpu.memref_slice %arg9[%dma_start3A, %dma_start3A_127] : memref<4x256xi32, #tpu.memory_space<vmem>> -> memref<1x128xi32, #tpu.memory_space<vmem>>
      %dma_start3A_129 = tpu.memref_squeeze %dma_start3A_128 : memref<1x128xi32, #tpu.memory_space<vmem>> -> memref<128xi32, #tpu.memory_space<vmem>>
      %dma_start3A_130 = arith.constant 0 : i32
      %dma_start3A_131 = arith.constant 0 : i32
      %dma_start3A_132 = tpu.memref_slice %arg2[%dma_start3A_130, %dma_start3A_131] : memref<2500000x16xf32, #tpu.memory_space<hbm>> -> memref<2500000x16xf32, #tpu.memory_space<hbm>>
      tpu.enqueue_indirect_dma source(%dma_start3A_132 : memref<2500000x16xf32, #tpu.memory_space<hbm>>) target(%dma_start3A_126 : memref<128x16xf32, #tpu.memory_space<vmem>>) offsets(%dma_start3A_129 : memref<128xi32, #tpu.memory_space<vmem>>) semaphore(%arg17 : memref<!tpu.dma_semaphore, #tpu.memory_space<semaphore_mem>>)
      %dma_start3A_133 = arith.constant 0 : i32
      %dma_start3A_134 = arith.constant 0 : i32
      %dma_start3A_135 = arith.constant 128 : i32
      %dma_start3A_136 = arith.constant 0 : i32
      %dma_start3A_137 = tpu.memref_slice %arg12[%dma_start3A_134, %dma_start3A_135, %dma_start3A_136] : memref<4x256x16xf32, #tpu.memory_space<vmem>> -> memref<1x128x16xf32, #tpu.memory_space<vmem>>
      %dma_start3A_138 = tpu.memref_squeeze %dma_start3A_137 : memref<1x128x16xf32, #tpu.memory_space<vmem>> -> memref<128x16xf32, #tpu.memory_space<vmem>>
      %dma_start3A_139 = arith.constant 128 : i32
      %dma_start3A_140 = tpu.memref_slice %arg9[%dma_start3A_133, %dma_start3A_139] : memref<4x256xi32, #tpu.memory_space<vmem>> -> memref<1x128xi32, #tpu.memory_space<vmem>>
      %dma_start3A_141 = tpu.memref_squeeze %dma_start3A_140 : memref<1x128xi32, #tpu.memory_space<vmem>> -> memref<128xi32, #tpu.memory_space<vmem>>
      %dma_start3A_142 = arith.constant 0 : i32
      %dma_start3A_143 = arith.constant 0 : i32
      %dma_start3A_144 = tpu.memref_slice %arg2[%dma_start3A_142, %dma_start3A_143] : memref<2500000x16xf32, #tpu.memory_space<hbm>> -> memref<2500000x16xf32, #tpu.memory_space<hbm>>
      tpu.enqueue_indirect_dma source(%dma_start3A_144 : memref<2500000x16xf32, #tpu.memory_space<hbm>>) target(%dma_start3A_138 : memref<128x16xf32, #tpu.memory_space<vmem>>) offsets(%dma_start3A_141 : memref<128xi32, #tpu.memory_space<vmem>>) semaphore(%arg17 : memref<!tpu.dma_semaphore, #tpu.memory_space<semaphore_mem>>)
      %dma_start3A_145 = arith.constant 1 : i32
      %dma_start3A_146 = arith.constant 1 : i32
      %dma_start3A_147 = arith.constant 0 : i32
      %dma_start3A_148 = arith.constant 0 : i32
      %dma_start3A_149 = tpu.memref_slice %arg12[%dma_start3A_146, %dma_start3A_147, %dma_start3A_148] : memref<4x256x16xf32, #tpu.memory_space<vmem>> -> memref<1x128x16xf32, #tpu.memory_space<vmem>>
      %dma_start3A_150 = tpu.memref_squeeze %dma_start3A_149 : memref<1x128x16xf32, #tpu.memory_space<vmem>> -> memref<128x16xf32, #tpu.memory_space<vmem>>
      %dma_start3A_151 = arith.constant 0 : i32
      %dma_start3A_152 = tpu.memref_slice %arg9[%dma_start3A_145, %dma_start3A_151] : memref<4x256xi32, #tpu.memory_space<vmem>> -> memref<1x128xi32, #tpu.memory_space<vmem>>
      %dma_start3A_153 = tpu.memref_squeeze %dma_start3A_152 : memref<1x128xi32, #tpu.memory_space<vmem>> -> memref<128xi32, #tpu.memory_space<vmem>>
      %dma_start3A_154 = arith.constant 0 : i32
      %dma_start3A_155 = arith.constant 0 : i32
      %dma_start3A_156 = tpu.memref_slice %arg2[%dma_start3A_154, %dma_start3A_155] : memref<2500000x16xf32, #tpu.memory_space<hbm>> -> memref<2500000x16xf32, #tpu.memory_space<hbm>>
      tpu.enqueue_indirect_dma source(%dma_start3A_156 : memref<2500000x16xf32, #tpu.memory_space<hbm>>) target(%dma_start3A_150 : memref<128x16xf32, #tpu.memory_space<vmem>>) offsets(%dma_start3A_153 : memref<128xi32, #tpu.memory_space<vmem>>) semaphore(%arg17 : memref<!tpu.dma_semaphore, #tpu.memory_space<semaphore_mem>>)
      %dma_start3A_157 = arith.constant 1 : i32
      %dma_start3A_158 = arith.constant 1 : i32
      %dma_start3A_159 = arith.constant 128 : i32
      %dma_start3A_160 = arith.constant 0 : i32
      %dma_start3A_161 = tpu.memref_slice %arg12[%dma_start3A_158, %dma_start3A_159, %dma_start3A_160] : memref<4x256x16xf32, #tpu.memory_space<vmem>> -> memref<1x128x16xf32, #tpu.memory_space<vmem>>
      %dma_start3A_162 = tpu.memref_squeeze %dma_start3A_161 : memref<1x128x16xf32, #tpu.memory_space<vmem>> -> memref<128x16xf32, #tpu.memory_space<vmem>>
      %dma_start3A_163 = arith.constant 128 : i32
      %dma_start3A_164 = tpu.memref_slice %arg9[%dma_start3A_157, %dma_start3A_163] : memref<4x256xi32, #tpu.memory_space<vmem>> -> memref<1x128xi32, #tpu.memory_space<vmem>>
      %dma_start3A_165 = tpu.memref_squeeze %dma_start3A_164 : memref<1x128xi32, #tpu.memory_space<vmem>> -> memref<128xi32, #tpu.memory_space<vmem>>
      %dma_start3A_166 = arith.constant 0 : i32
      %dma_start3A_167 = arith.constant 0 : i32
      %dma_start3A_168 = tpu.memref_slice %arg2[%dma_start3A_166, %dma_start3A_167] : memref<2500000x16xf32, #tpu.memory_space<hbm>> -> memref<2500000x16xf32, #tpu.memory_space<hbm>>
      tpu.enqueue_indirect_dma source(%dma_start3A_168 : memref<2500000x16xf32, #tpu.memory_space<hbm>>) target(%dma_start3A_162 : memref<128x16xf32, #tpu.memory_space<vmem>>) offsets(%dma_start3A_165 : memref<128xi32, #tpu.memory_space<vmem>>) semaphore(%arg17 : memref<!tpu.dma_semaphore, #tpu.memory_space<semaphore_mem>>)
      %dma_start3A_169 = arith.constant 2 : i32
      %dma_start3A_170 = arith.constant 2 : i32
      %dma_start3A_171 = arith.constant 0 : i32
      %dma_start3A_172 = arith.constant 0 : i32
      %dma_start3A_173 = tpu.memref_slice %arg12[%dma_start3A_170, %dma_start3A_171, %dma_start3A_172] : memref<4x256x16xf32, #tpu.memory_space<vmem>> -> memref<1x128x16xf32, #tpu.memory_space<vmem>>
      %dma_start3A_174 = tpu.memref_squeeze %dma_start3A_173 : memref<1x128x16xf32, #tpu.memory_space<vmem>> -> memref<128x16xf32, #tpu.memory_space<vmem>>
      %dma_start3A_175 = arith.constant 0 : i32
      %dma_start3A_176 = tpu.memref_slice %arg9[%dma_start3A_169, %dma_start3A_175] : memref<4x256xi32, #tpu.memory_space<vmem>> -> memref<1x128xi32, #tpu.memory_space<vmem>>
      %dma_start3A_177 = tpu.memref_squeeze %dma_start3A_176 : memref<1x128xi32, #tpu.memory_space<vmem>> -> memref<128xi32, #tpu.memory_space<vmem>>
      %dma_start3A_178 = arith.constant 0 : i32
      %dma_start3A_179 = arith.constant 0 : i32
      %dma_start3A_180 = tpu.memref_slice %arg2[%dma_start3A_178, %dma_start3A_179] : memref<2500000x16xf32, #tpu.memory_space<hbm>> -> memref<2500000x16xf32, #tpu.memory_space<hbm>>
      tpu.enqueue_indirect_dma source(%dma_start3A_180 : memref<2500000x16xf32, #tpu.memory_space<hbm>>) target(%dma_start3A_174 : memref<128x16xf32, #tpu.memory_space<vmem>>) offsets(%dma_start3A_177 : memref<128xi32, #tpu.memory_space<vmem>>) semaphore(%arg17 : memref<!tpu.dma_semaphore, #tpu.memory_space<semaphore_mem>>)
      %dma_start3A_181 = arith.constant 2 : i32
      %dma_start3A_182 = arith.constant 2 : i32
      %dma_start3A_183 = arith.constant 128 : i32
      %dma_start3A_184 = arith.constant 0 : i32
      %dma_start3A_185 = tpu.memref_slice %arg12[%dma_start3A_182, %dma_start3A_183, %dma_start3A_184] : memref<4x256x16xf32, #tpu.memory_space<vmem>> -> memref<1x128x16xf32, #tpu.memory_space<vmem>>
      %dma_start3A_186 = tpu.memref_squeeze %dma_start3A_185 : memref<1x128x16xf32, #tpu.memory_space<vmem>> -> memref<128x16xf32, #tpu.memory_space<vmem>>
      %dma_start3A_187 = arith.constant 128 : i32
      %dma_start3A_188 = tpu.memref_slice %arg9[%dma_start3A_181, %dma_start3A_187] : memref<4x256xi32, #tpu.memory_space<vmem>> -> memref<1x128xi32, #tpu.memory_space<vmem>>
      %dma_start3A_189 = tpu.memref_squeeze %dma_start3A_188 : memref<1x128xi32, #tpu.memory_space<vmem>> -> memref<128xi32, #tpu.memory_space<vmem>>
      %dma_start3A_190 = arith.constant 0 : i32
      %dma_start3A_191 = arith.constant 0 : i32
      %dma_start3A_192 = tpu.memref_slice %arg2[%dma_start3A_190, %dma_start3A_191] : memref<2500000x16xf32, #tpu.memory_space<hbm>> -> memref<2500000x16xf32, #tpu.memory_space<hbm>>
      tpu.enqueue_indirect_dma source(%dma_start3A_192 : memref<2500000x16xf32, #tpu.memory_space<hbm>>) target(%dma_start3A_186 : memref<128x16xf32, #tpu.memory_space<vmem>>) offsets(%dma_start3A_189 : memref<128xi32, #tpu.memory_space<vmem>>) semaphore(%arg17 : memref<!tpu.dma_semaphore, #tpu.memory_space<semaphore_mem>>)
      %dma_start3A_193 = arith.constant 3 : i32
      %dma_start3A_194 = arith.constant 3 : i32
      %dma_start3A_195 = arith.constant 0 : i32
      %dma_start3A_196 = arith.constant 0 : i32
      %dma_start3A_197 = tpu.memref_slice %arg12[%dma_start3A_194, %dma_start3A_195, %dma_start3A_196] : memref<4x256x16xf32, #tpu.memory_space<vmem>> -> memref<1x128x16xf32, #tpu.memory_space<vmem>>
      %dma_start3A_198 = tpu.memref_squeeze %dma_start3A_197 : memref<1x128x16xf32, #tpu.memory_space<vmem>> -> memref<128x16xf32, #tpu.memory_space<vmem>>
      %dma_start3A_199 = arith.constant 0 : i32
      %dma_start3A_200 = tpu.memref_slice %arg9[%dma_start3A_193, %dma_start3A_199] : memref<4x256xi32, #tpu.memory_space<vmem>> -> memref<1x128xi32, #tpu.memory_space<vmem>>
      %dma_start3A_201 = tpu.memref_squeeze %dma_start3A_200 : memref<1x128xi32, #tpu.memory_space<vmem>> -> memref<128xi32, #tpu.memory_space<vmem>>
      %dma_start3A_202 = arith.constant 0 : i32
      %dma_start3A_203 = arith.constant 0 : i32
      %dma_start3A_204 = tpu.memref_slice %arg2[%dma_start3A_202, %dma_start3A_203] : memref<2500000x16xf32, #tpu.memory_space<hbm>> -> memref<2500000x16xf32, #tpu.memory_space<hbm>>
      tpu.enqueue_indirect_dma source(%dma_start3A_204 : memref<2500000x16xf32, #tpu.memory_space<hbm>>) target(%dma_start3A_198 : memref<128x16xf32, #tpu.memory_space<vmem>>) offsets(%dma_start3A_201 : memref<128xi32, #tpu.memory_space<vmem>>) semaphore(%arg17 : memref<!tpu.dma_semaphore, #tpu.memory_space<semaphore_mem>>)
      %dma_start3A_205 = arith.constant 3 : i32
      %dma_start3A_206 = arith.constant 3 : i32
      %dma_start3A_207 = arith.constant 128 : i32
      %dma_start3A_208 = arith.constant 0 : i32
      %dma_start3A_209 = tpu.memref_slice %arg12[%dma_start3A_206, %dma_start3A_207, %dma_start3A_208] : memref<4x256x16xf32, #tpu.memory_space<vmem>> -> memref<1x128x16xf32, #tpu.memory_space<vmem>>
      %dma_start3A_210 = tpu.memref_squeeze %dma_start3A_209 : memref<1x128x16xf32, #tpu.memory_space<vmem>> -> memref<128x16xf32, #tpu.memory_space<vmem>>
      %dma_start3A_211 = arith.constant 128 : i32
      %dma_start3A_212 = tpu.memref_slice %arg9[%dma_start3A_205, %dma_start3A_211] : memref<4x256xi32, #tpu.memory_space<vmem>> -> memref<1x128xi32, #tpu.memory_space<vmem>>
      %dma_start3A_213 = tpu.memref_squeeze %dma_start3A_212 : memref<1x128xi32, #tpu.memory_space<vmem>> -> memref<128xi32, #tpu.memory_space<vmem>>
      %dma_start3A_214 = arith.constant 0 : i32
      %dma_start3A_215 = arith.constant 0 : i32
      %dma_start3A_216 = tpu.memref_slice %arg2[%dma_start3A_214, %dma_start3A_215] : memref<2500000x16xf32, #tpu.memory_space<hbm>> -> memref<2500000x16xf32, #tpu.memory_space<hbm>>
      tpu.enqueue_indirect_dma source(%dma_start3A_216 : memref<2500000x16xf32, #tpu.memory_space<hbm>>) target(%dma_start3A_210 : memref<128x16xf32, #tpu.memory_space<vmem>>) offsets(%dma_start3A_213 : memref<128xi32, #tpu.memory_space<vmem>>) semaphore(%arg17 : memref<!tpu.dma_semaphore, #tpu.memory_space<semaphore_mem>>)
      %dma_wait3A = arith.constant 0 : i32
      %dma_wait3A_217 = arith.constant 0 : i32
      %dma_wait3A_218 = arith.constant 0 : i32
      %dma_wait3A_219 = arith.constant 0 : i32
      %dma_wait3A_220 = tpu.memref_slice %arg12[%dma_wait3A_217, %dma_wait3A_218, %dma_wait3A_219] : memref<4x256x16xf32, #tpu.memory_space<vmem>> -> memref<1x128x16xf32, #tpu.memory_space<vmem>>
      %dma_wait3A_221 = tpu.memref_squeeze %dma_wait3A_220 : memref<1x128x16xf32, #tpu.memory_space<vmem>> -> memref<128x16xf32, #tpu.memory_space<vmem>>
      %dma_wait3A_222 = arith.constant 0 : i32
      %dma_wait3A_223 = tpu.memref_slice %arg9[%dma_wait3A, %dma_wait3A_222] : memref<4x256xi32, #tpu.memory_space<vmem>> -> memref<1x128xi32, #tpu.memory_space<vmem>>
      %dma_wait3A_224 = tpu.memref_squeeze %dma_wait3A_223 : memref<1x128xi32, #tpu.memory_space<vmem>> -> memref<128xi32, #tpu.memory_space<vmem>>
      %dma_wait3A_225 = arith.constant 0 : i32
      %dma_wait3A_226 = arith.constant 0 : i32
      %dma_wait3A_227 = tpu.memref_slice %arg2[%dma_wait3A_225, %dma_wait3A_226] : memref<2500000x16xf32, #tpu.memory_space<hbm>> -> memref<2500000x16xf32, #tpu.memory_space<hbm>>
      tpu.wait_indirect_dma semaphore(%arg17 : memref<!tpu.dma_semaphore, #tpu.memory_space<semaphore_mem>>) src(%dma_wait3A_227 : memref<2500000x16xf32, #tpu.memory_space<hbm>>) dst(%dma_wait3A_221 : memref<128x16xf32, #tpu.memory_space<vmem>>)
      %dma_wait3A_228 = arith.constant 0 : i32
      %dma_wait3A_229 = arith.constant 0 : i32
      %dma_wait3A_230 = arith.constant 128 : i32
      %dma_wait3A_231 = arith.constant 0 : i32
      %dma_wait3A_232 = tpu.memref_slice %arg12[%dma_wait3A_229, %dma_wait3A_230, %dma_wait3A_231] : memref<4x256x16xf32, #tpu.memory_space<vmem>> -> memref<1x128x16xf32, #tpu.memory_space<vmem>>
      %dma_wait3A_233 = tpu.memref_squeeze %dma_wait3A_232 : memref<1x128x16xf32, #tpu.memory_space<vmem>> -> memref<128x16xf32, #tpu.memory_space<vmem>>
      %dma_wait3A_234 = arith.constant 128 : i32
      %dma_wait3A_235 = tpu.memref_slice %arg9[%dma_wait3A_228, %dma_wait3A_234] : memref<4x256xi32, #tpu.memory_space<vmem>> -> memref<1x128xi32, #tpu.memory_space<vmem>>
      %dma_wait3A_236 = tpu.memref_squeeze %dma_wait3A_235 : memref<1x128xi32, #tpu.memory_space<vmem>> -> memref<128xi32, #tpu.memory_space<vmem>>
      %dma_wait3A_237 = arith.constant 0 : i32
      %dma_wait3A_238 = arith.constant 0 : i32
      %dma_wait3A_239 = tpu.memref_slice %arg2[%dma_wait3A_237, %dma_wait3A_238] : memref<2500000x16xf32, #tpu.memory_space<hbm>> -> memref<2500000x16xf32, #tpu.memory_space<hbm>>
      tpu.wait_indirect_dma semaphore(%arg17 : memref<!tpu.dma_semaphore, #tpu.memory_space<semaphore_mem>>) src(%dma_wait3A_239 : memref<2500000x16xf32, #tpu.memory_space<hbm>>) dst(%dma_wait3A_233 : memref<128x16xf32, #tpu.memory_space<vmem>>)
      %dma_wait3A_240 = arith.constant 1 : i32
      %dma_wait3A_241 = arith.constant 1 : i32
      %dma_wait3A_242 = arith.constant 0 : i32
      %dma_wait3A_243 = arith.constant 0 : i32
      %dma_wait3A_244 = tpu.memref_slice %arg12[%dma_wait3A_241, %dma_wait3A_242, %dma_wait3A_243] : memref<4x256x16xf32, #tpu.memory_space<vmem>> -> memref<1x128x16xf32, #tpu.memory_space<vmem>>
      %dma_wait3A_245 = tpu.memref_squeeze %dma_wait3A_244 : memref<1x128x16xf32, #tpu.memory_space<vmem>> -> memref<128x16xf32, #tpu.memory_space<vmem>>
      %dma_wait3A_246 = arith.constant 0 : i32
      %dma_wait3A_247 = tpu.memref_slice %arg9[%dma_wait3A_240, %dma_wait3A_246] : memref<4x256xi32, #tpu.memory_space<vmem>> -> memref<1x128xi32, #tpu.memory_space<vmem>>
      %dma_wait3A_248 = tpu.memref_squeeze %dma_wait3A_247 : memref<1x128xi32, #tpu.memory_space<vmem>> -> memref<128xi32, #tpu.memory_space<vmem>>
      %dma_wait3A_249 = arith.constant 0 : i32
      %dma_wait3A_250 = arith.constant 0 : i32
      %dma_wait3A_251 = tpu.memref_slice %arg2[%dma_wait3A_249, %dma_wait3A_250] : memref<2500000x16xf32, #tpu.memory_space<hbm>> -> memref<2500000x16xf32, #tpu.memory_space<hbm>>
      tpu.wait_indirect_dma semaphore(%arg17 : memref<!tpu.dma_semaphore, #tpu.memory_space<semaphore_mem>>) src(%dma_wait3A_251 : memref<2500000x16xf32, #tpu.memory_space<hbm>>) dst(%dma_wait3A_245 : memref<128x16xf32, #tpu.memory_space<vmem>>)
      %dma_wait3A_252 = arith.constant 1 : i32
      %dma_wait3A_253 = arith.constant 1 : i32
      %dma_wait3A_254 = arith.constant 128 : i32
      %dma_wait3A_255 = arith.constant 0 : i32
      %dma_wait3A_256 = tpu.memref_slice %arg12[%dma_wait3A_253, %dma_wait3A_254, %dma_wait3A_255] : memref<4x256x16xf32, #tpu.memory_space<vmem>> -> memref<1x128x16xf32, #tpu.memory_space<vmem>>
      %dma_wait3A_257 = tpu.memref_squeeze %dma_wait3A_256 : memref<1x128x16xf32, #tpu.memory_space<vmem>> -> memref<128x16xf32, #tpu.memory_space<vmem>>
      %dma_wait3A_258 = arith.constant 128 : i32
      %dma_wait3A_259 = tpu.memref_slice %arg9[%dma_wait3A_252, %dma_wait3A_258] : memref<4x256xi32, #tpu.memory_space<vmem>> -> memref<1x128xi32, #tpu.memory_space<vmem>>
      %dma_wait3A_260 = tpu.memref_squeeze %dma_wait3A_259 : memref<1x128xi32, #tpu.memory_space<vmem>> -> memref<128xi32, #tpu.memory_space<vmem>>
      %dma_wait3A_261 = arith.constant 0 : i32
      %dma_wait3A_262 = arith.constant 0 : i32
      %dma_wait3A_263 = tpu.memref_slice %arg2[%dma_wait3A_261, %dma_wait3A_262] : memref<2500000x16xf32, #tpu.memory_space<hbm>> -> memref<2500000x16xf32, #tpu.memory_space<hbm>>
      tpu.wait_indirect_dma semaphore(%arg17 : memref<!tpu.dma_semaphore, #tpu.memory_space<semaphore_mem>>) src(%dma_wait3A_263 : memref<2500000x16xf32, #tpu.memory_space<hbm>>) dst(%dma_wait3A_257 : memref<128x16xf32, #tpu.memory_space<vmem>>)
      %dma_wait3A_264 = arith.constant 2 : i32
      %dma_wait3A_265 = arith.constant 2 : i32
      %dma_wait3A_266 = arith.constant 0 : i32
      %dma_wait3A_267 = arith.constant 0 : i32
      %dma_wait3A_268 = tpu.memref_slice %arg12[%dma_wait3A_265, %dma_wait3A_266, %dma_wait3A_267] : memref<4x256x16xf32, #tpu.memory_space<vmem>> -> memref<1x128x16xf32, #tpu.memory_space<vmem>>
      %dma_wait3A_269 = tpu.memref_squeeze %dma_wait3A_268 : memref<1x128x16xf32, #tpu.memory_space<vmem>> -> memref<128x16xf32, #tpu.memory_space<vmem>>
      %dma_wait3A_270 = arith.constant 0 : i32
      %dma_wait3A_271 = tpu.memref_slice %arg9[%dma_wait3A_264, %dma_wait3A_270] : memref<4x256xi32, #tpu.memory_space<vmem>> -> memref<1x128xi32, #tpu.memory_space<vmem>>
      %dma_wait3A_272 = tpu.memref_squeeze %dma_wait3A_271 : memref<1x128xi32, #tpu.memory_space<vmem>> -> memref<128xi32, #tpu.memory_space<vmem>>
      %dma_wait3A_273 = arith.constant 0 : i32
      %dma_wait3A_274 = arith.constant 0 : i32
      %dma_wait3A_275 = tpu.memref_slice %arg2[%dma_wait3A_273, %dma_wait3A_274] : memref<2500000x16xf32, #tpu.memory_space<hbm>> -> memref<2500000x16xf32, #tpu.memory_space<hbm>>
      tpu.wait_indirect_dma semaphore(%arg17 : memref<!tpu.dma_semaphore, #tpu.memory_space<semaphore_mem>>) src(%dma_wait3A_275 : memref<2500000x16xf32, #tpu.memory_space<hbm>>) dst(%dma_wait3A_269 : memref<128x16xf32, #tpu.memory_space<vmem>>)
      %dma_wait3A_276 = arith.constant 2 : i32
      %dma_wait3A_277 = arith.constant 2 : i32
      %dma_wait3A_278 = arith.constant 128 : i32
      %dma_wait3A_279 = arith.constant 0 : i32
      %dma_wait3A_280 = tpu.memref_slice %arg12[%dma_wait3A_277, %dma_wait3A_278, %dma_wait3A_279] : memref<4x256x16xf32, #tpu.memory_space<vmem>> -> memref<1x128x16xf32, #tpu.memory_space<vmem>>
      %dma_wait3A_281 = tpu.memref_squeeze %dma_wait3A_280 : memref<1x128x16xf32, #tpu.memory_space<vmem>> -> memref<128x16xf32, #tpu.memory_space<vmem>>
      %dma_wait3A_282 = arith.constant 128 : i32
      %dma_wait3A_283 = tpu.memref_slice %arg9[%dma_wait3A_276, %dma_wait3A_282] : memref<4x256xi32, #tpu.memory_space<vmem>> -> memref<1x128xi32, #tpu.memory_space<vmem>>
      %dma_wait3A_284 = tpu.memref_squeeze %dma_wait3A_283 : memref<1x128xi32, #tpu.memory_space<vmem>> -> memref<128xi32, #tpu.memory_space<vmem>>
      %dma_wait3A_285 = arith.constant 0 : i32
      %dma_wait3A_286 = arith.constant 0 : i32
      %dma_wait3A_287 = tpu.memref_slice %arg2[%dma_wait3A_285, %dma_wait3A_286] : memref<2500000x16xf32, #tpu.memory_space<hbm>> -> memref<2500000x16xf32, #tpu.memory_space<hbm>>
      tpu.wait_indirect_dma semaphore(%arg17 : memref<!tpu.dma_semaphore, #tpu.memory_space<semaphore_mem>>) src(%dma_wait3A_287 : memref<2500000x16xf32, #tpu.memory_space<hbm>>) dst(%dma_wait3A_281 : memref<128x16xf32, #tpu.memory_space<vmem>>)
      %dma_wait3A_288 = arith.constant 3 : i32
      %dma_wait3A_289 = arith.constant 3 : i32
      %dma_wait3A_290 = arith.constant 0 : i32
      %dma_wait3A_291 = arith.constant 0 : i32
      %dma_wait3A_292 = tpu.memref_slice %arg12[%dma_wait3A_289, %dma_wait3A_290, %dma_wait3A_291] : memref<4x256x16xf32, #tpu.memory_space<vmem>> -> memref<1x128x16xf32, #tpu.memory_space<vmem>>
      %dma_wait3A_293 = tpu.memref_squeeze %dma_wait3A_292 : memref<1x128x16xf32, #tpu.memory_space<vmem>> -> memref<128x16xf32, #tpu.memory_space<vmem>>
      %dma_wait3A_294 = arith.constant 0 : i32
      %dma_wait3A_295 = tpu.memref_slice %arg9[%dma_wait3A_288, %dma_wait3A_294] : memref<4x256xi32, #tpu.memory_space<vmem>> -> memref<1x128xi32, #tpu.memory_space<vmem>>
      %dma_wait3A_296 = tpu.memref_squeeze %dma_wait3A_295 : memref<1x128xi32, #tpu.memory_space<vmem>> -> memref<128xi32, #tpu.memory_space<vmem>>
      %dma_wait3A_297 = arith.constant 0 : i32
      %dma_wait3A_298 = arith.constant 0 : i32
      %dma_wait3A_299 = tpu.memref_slice %arg2[%dma_wait3A_297, %dma_wait3A_298] : memref<2500000x16xf32, #tpu.memory_space<hbm>> -> memref<2500000x16xf32, #tpu.memory_space<hbm>>
      tpu.wait_indirect_dma semaphore(%arg17 : memref<!tpu.dma_semaphore, #tpu.memory_space<semaphore_mem>>) src(%dma_wait3A_299 : memref<2500000x16xf32, #tpu.memory_space<hbm>>) dst(%dma_wait3A_293 : memref<128x16xf32, #tpu.memory_space<vmem>>)
      %dma_wait3A_300 = arith.constant 3 : i32
      %dma_wait3A_301 = arith.constant 3 : i32
      %dma_wait3A_302 = arith.constant 128 : i32
      %dma_wait3A_303 = arith.constant 0 : i32
      %dma_wait3A_304 = tpu.memref_slice %arg12[%dma_wait3A_301, %dma_wait3A_302, %dma_wait3A_303] : memref<4x256x16xf32, #tpu.memory_space<vmem>> -> memref<1x128x16xf32, #tpu.memory_space<vmem>>
      %dma_wait3A_305 = tpu.memref_squeeze %dma_wait3A_304 : memref<1x128x16xf32, #tpu.memory_space<vmem>> -> memref<128x16xf32, #tpu.memory_space<vmem>>
      %dma_wait3A_306 = arith.constant 128 : i32
      %dma_wait3A_307 = tpu.memref_slice %arg9[%dma_wait3A_300, %dma_wait3A_306] : memref<4x256xi32, #tpu.memory_space<vmem>> -> memref<1x128xi32, #tpu.memory_space<vmem>>
      %dma_wait3A_308 = tpu.memref_squeeze %dma_wait3A_307 : memref<1x128xi32, #tpu.memory_space<vmem>> -> memref<128xi32, #tpu.memory_space<vmem>>
      %dma_wait3A_309 = arith.constant 0 : i32
      %dma_wait3A_310 = arith.constant 0 : i32
      %dma_wait3A_311 = tpu.memref_slice %arg2[%dma_wait3A_309, %dma_wait3A_310] : memref<2500000x16xf32, #tpu.memory_space<hbm>> -> memref<2500000x16xf32, #tpu.memory_space<hbm>>
      tpu.wait_indirect_dma semaphore(%arg17 : memref<!tpu.dma_semaphore, #tpu.memory_space<semaphore_mem>>) src(%dma_wait3A_311 : memref<2500000x16xf32, #tpu.memory_space<hbm>>) dst(%dma_wait3A_305 : memref<128x16xf32, #tpu.memory_space<vmem>>)
      %scan3A_312 = arith.constant 0 : i32
      %scan3A_313 = arith.constant 0 : i32
      %scan3A_314 = arith.constant 16 : i32
      %scan3A_315 = arith.addi %scan3A_313, %scan3A_314 : i32
      %scan3A_316 = arith.constant 1 : i32
      scf.for %scan3A_319 = %scan3A_313 to %scan3A_315 step %scan3A_316  : i32 {
        %mul3A_320 = arith.constant 16 : i32
        %mul3A_321 = arith.muli %scan3A_319, %mul3A_320 : i32
        %get3A = arith.constant 0 : i32
        %get3A_322 = arith.index_cast %get3A : i32 to index
        %get3A_323 = arith.index_cast %mul3A_321 : i32 to index
        %get3A_324 = tpu.vector_load %arg10[%get3A_322, %get3A_323] {strides = array<i32>} : memref<4x256xf32, #tpu.memory_space<vmem>>, vector<16xf32>,
        %get3A_325 = arith.constant 1 : i32
        %get3A_326 = arith.index_cast %get3A_325 : i32 to index
        %get3A_327 = arith.index_cast %mul3A_321 : i32 to index
        %get3A_328 = tpu.vector_load %arg10[%get3A_326, %get3A_327] {strides = array<i32>} : memref<4x256xf32, #tpu.memory_space<vmem>>, vector<16xf32>,
        %get3A_329 = arith.constant 2 : i32
        %get3A_330 = arith.index_cast %get3A_329 : i32 to index
        %get3A_331 = arith.index_cast %mul3A_321 : i32 to index
        %get3A_332 = tpu.vector_load %arg10[%get3A_330, %get3A_331] {strides = array<i32>} : memref<4x256xf32, #tpu.memory_space<vmem>>, vector<16xf32>,
        %get3A_333 = arith.constant 3 : i32
        %get3A_334 = arith.index_cast %get3A_333 : i32 to index
        %get3A_335 = arith.index_cast %mul3A_321 : i32 to index
        %get3A_336 = tpu.vector_load %arg10[%get3A_334, %get3A_335] {strides = array<i32>} : memref<4x256xf32, #tpu.memory_space<vmem>>, vector<16xf32>,
        %jit3A = arith.constant 8 : i32
        %div3A = arith.divsi %scan3A_319, %jit3A : i32
        %sign3A = arith.constant 0 : i32
        %sign3A_337 = arith.cmpi sgt, %scan3A_319, %sign3A : i32
        %sign3A_338 = arith.extui %sign3A_337 : i1 to i32
        %sign3A_339 = arith.constant 0 : i32
        %sign3A_340 = arith.cmpi slt, %scan3A_319, %sign3A_339 : i32
        %sign3A_341 = arith.extui %sign3A_340 : i1 to i32
        %sign3A_342 = arith.subi %sign3A_338, %sign3A_341 : i32
        %sign3A_343 = arith.constant 0 : i32
        %sign3A_344 = arith.cmpi sgt, %jit3A, %sign3A_343 : i32
        %sign3A_345 = arith.extui %sign3A_344 : i1 to i32
        %sign3A_346 = arith.constant 0 : i32
        %sign3A_347 = arith.cmpi slt, %jit3A, %sign3A_346 : i32
        %sign3A_348 = arith.extui %sign3A_347 : i1 to i32
        %sign3A_349 = arith.subi %sign3A_345, %sign3A_348 : i32
        %ne3A = arith.cmpi ne, %sign3A_342, %sign3A_349 : i32
        %rem3A = arith.remsi %scan3A_319, %jit3A : i32
        %ne3A_350 = arith.constant 0 : i32
        %ne3A_351 = arith.cmpi ne, %rem3A, %ne3A_350 : i32
        %and3A = arith.andi %ne3A, %ne3A_351 : i1
        %sub3A = arith.constant 1 : i32
        %sub3A_352 = arith.subi %div3A, %sub3A : i32
        %select_n3A = arith.select %and3A, %sub3A_352, %div3A : i32
        %jit3A_353 = arith.constant 8 : i32
        %eq3A_354 = arith.constant 0 : i32
        %eq3A_355 = arith.cmpi eq, %jit3A_353, %eq3A_354 : i32
        %jit3A_356 = arith.constant 1 : i32
        %select_n3A_357 = arith.select %eq3A_355, %jit3A_356, %jit3A_353 : i32
        %rem3A_358 = arith.remsi %scan3A_319, %select_n3A_357 : i32
        %ne3A_359 = arith.constant 0 : i32
        %ne3A_360 = arith.cmpi ne, %rem3A_358, %ne3A_359 : i32
        %lt3A_361 = arith.constant 0 : i32
        %lt3A_362 = arith.cmpi slt, %rem3A_358, %lt3A_361 : i32
        %lt3A_363 = arith.constant 0 : i32
        %lt3A_364 = arith.cmpi slt, %select_n3A_357, %lt3A_363 : i32
        %ne3A_365 = arith.xori %lt3A_362, %lt3A_364 : i1
        %and3A_366 = arith.andi %ne3A_365, %ne3A_360 : i1
        %add3A_367 = arith.addi %rem3A_358, %select_n3A_357 : i32
        %select_n3A_368 = arith.select %and3A_366, %add3A_367, %rem3A_358 : i32
        %mul3A_369 = arith.constant 16 : i32
        %mul3A_370 = arith.muli %select_n3A_368, %mul3A_369 : i32
        %get3A_371 = arith.index_cast %select_n3A : i32 to index
        %get3A_372 = arith.index_cast %mul3A_370 : i32 to index
        %get3A_373 = tpu.vector_load %arg11[%get3A_371, %get3A_372] {strides = array<i32>} : memref<2x128xi32, #tpu.memory_space<vmem>>, vector<16xi32>,
        tpu.vector_store_idx %arg14[%get3A_373], %add3A_2 {add = true} : memref<50192xf32, #tpu.memory_space<vmem>>[vector<16xi32>], vector<16xf32>,
        %add3A_374 = arith.constant 0 : i32
        %add3A_375 = arith.addi %mul3A_321, %add3A_374 : i32
        %slice3A = vector.extract_strided_slice %get3A_324 {offsets = [0], sizes = [1], strides = [1]} : vector<16xf32> to vector<1xf32>
        %squeeze3A = vector.extract %slice3A[0] : f32 from vector<1xf32>
        %get3A_376 = arith.constant 0 : i32
        %get3A_377 = arith.index_cast %get3A_376 : i32 to index
        %get3A_378 = arith.index_cast %add3A_375 : i32 to index
        %get3A_379 = arith.constant 0 : index
        %get3A_380 = tpu.vector_load %arg12[%get3A_377, %get3A_378, %get3A_379] {strides = array<i32>} : memref<4x256x16xf32, #tpu.memory_space<vmem>>, vector<16xf32>,
        %mul3A_381 = vector.broadcast %squeeze3A : f32 to vector<16xf32>
        %mul3A_382 = arith.mulf %mul3A_381, %get3A_380 : vector<16xf32>
        %slice3A_383 = vector.extract_strided_slice %get3A_328 {offsets = [0], sizes = [1], strides = [1]} : vector<16xf32> to vector<1xf32>
        %squeeze3A_384 = vector.extract %slice3A_383[0] : f32 from vector<1xf32>
        %get3A_385 = arith.constant 1 : i32
        %get3A_386 = arith.index_cast %get3A_385 : i32 to index
        %get3A_387 = arith.index_cast %add3A_375 : i32 to index
        %get3A_388 = arith.constant 0 : index
        %get3A_389 = tpu.vector_load %arg12[%get3A_386, %get3A_387, %get3A_388] {strides = array<i32>} : memref<4x256x16xf32, #tpu.memory_space<vmem>>, vector<16xf32>,
        %mul3A_390 = vector.broadcast %squeeze3A_384 : f32 to vector<16xf32>
        %mul3A_391 = arith.mulf %mul3A_390, %get3A_389 : vector<16xf32>
        %add3A_392 = arith.addf %mul3A_382, %mul3A_391 : vector<16xf32>
        %slice3A_393 = vector.extract_strided_slice %get3A_332 {offsets = [0], sizes = [1], strides = [1]} : vector<16xf32> to vector<1xf32>
        %squeeze3A_394 = vector.extract %slice3A_393[0] : f32 from vector<1xf32>
        %get3A_395 = arith.constant 2 : i32
        %get3A_396 = arith.index_cast %get3A_395 : i32 to index
        %get3A_397 = arith.index_cast %add3A_375 : i32 to index
        %get3A_398 = arith.constant 0 : index
        %get3A_399 = tpu.vector_load %arg12[%get3A_396, %get3A_397, %get3A_398] {strides = array<i32>} : memref<4x256x16xf32, #tpu.memory_space<vmem>>, vector<16xf32>,
        %mul3A_400 = vector.broadcast %squeeze3A_394 : f32 to vector<16xf32>
        %mul3A_401 = arith.mulf %mul3A_400, %get3A_399 : vector<16xf32>
        %add3A_402 = arith.addf %add3A_392, %mul3A_401 : vector<16xf32>
        %slice3A_403 = vector.extract_strided_slice %get3A_336 {offsets = [0], sizes = [1], strides = [1]} : vector<16xf32> to vector<1xf32>
        %squeeze3A_404 = vector.extract %slice3A_403[0] : f32 from vector<1xf32>
        %get3A_405 = arith.constant 3 : i32
        %get3A_406 = arith.index_cast %get3A_405 : i32 to index
        %get3A_407 = arith.index_cast %add3A_375 : i32 to index
        %get3A_408 = arith.constant 0 : index
        %get3A_409 = tpu.vector_load %arg12[%get3A_406, %get3A_407, %get3A_408] {strides = array<i32>} : memref<4x256x16xf32, #tpu.memory_space<vmem>>, vector<16xf32>,
        %mul3A_410 = vector.broadcast %squeeze3A_404 : f32 to vector<16xf32>
        %mul3A_411 = arith.mulf %mul3A_410, %get3A_409 : vector<16xf32>
        %add3A_412 = arith.addf %add3A_402, %mul3A_411 : vector<16xf32>
        %swap3A = arith.index_cast %add3A_375 : i32 to index
        %swap3A_413 = arith.constant 0 : index
        %swap3A_414 = tpu.vector_load %arg13[%swap3A, %swap3A_413] {strides = array<i32>} : memref<256x16xf32, #tpu.memory_space<vmem>>, vector<16xf32>,
        tpu.vector_store %arg13[%swap3A, %swap3A_413], %add3A_412 {strides = array<i32>} : memref<256x16xf32, #tpu.memory_space<vmem>>, vector<16xf32>,
        %add3A_415 = arith.constant 1 : i32
        %add3A_416 = arith.addi %mul3A_321, %add3A_415 : i32
        %slice3A_417 = vector.extract_strided_slice %get3A_324 {offsets = [1], sizes = [1], strides = [1]} : vector<16xf32> to vector<1xf32>
        %squeeze3A_418 = vector.extract %slice3A_417[0] : f32 from vector<1xf32>
        %get3A_419 = arith.constant 0 : i32
        %get3A_420 = arith.index_cast %get3A_419 : i32 to index
        %get3A_421 = arith.index_cast %add3A_416 : i32 to index
        %get3A_422 = arith.constant 0 : index
        %get3A_423 = tpu.vector_load %arg12[%get3A_420, %get3A_421, %get3A_422] {strides = array<i32>} : memref<4x256x16xf32, #tpu.memory_space<vmem>>, vector<16xf32>,
        %mul3A_424 = vector.broadcast %squeeze3A_418 : f32 to vector<16xf32>
        %mul3A_425 = arith.mulf %mul3A_424, %get3A_423 : vector<16xf32>
        %slice3A_426 = vector.extract_strided_slice %get3A_328 {offsets = [1], sizes = [1], strides = [1]} : vector<16xf32> to vector<1xf32>
        %squeeze3A_427 = vector.extract %slice3A_426[0] : f32 from vector<1xf32>
        %get3A_428 = arith.constant 1 : i32
        %get3A_429 = arith.index_cast %get3A_428 : i32 to index
        %get3A_430 = arith.index_cast %add3A_416 : i32 to index
        %get3A_431 = arith.constant 0 : index
        %get3A_432 = tpu.vector_load %arg12[%get3A_429, %get3A_430, %get3A_431] {strides = array<i32>} : memref<4x256x16xf32, #tpu.memory_space<vmem>>, vector<16xf32>,
        %mul3A_433 = vector.broadcast %squeeze3A_427 : f32 to vector<16xf32>
        %mul3A_434 = arith.mulf %mul3A_433, %get3A_432 : vector<16xf32>
        %add3A_435 = arith.addf %mul3A_425, %mul3A_434 : vector<16xf32>
        %slice3A_436 = vector.extract_strided_slice %get3A_332 {offsets = [1], sizes = [1], strides = [1]} : vector<16xf32> to vector<1xf32>
        %squeeze3A_437 = vector.extract %slice3A_436[0] : f32 from vector<1xf32>
        %get3A_438 = arith.constant 2 : i32
        %get3A_439 = arith.index_cast %get3A_438 : i32 to index
        %get3A_440 = arith.index_cast %add3A_416 : i32 to index
        %get3A_441 = arith.constant 0 : index
        %get3A_442 = tpu.vector_load %arg12[%get3A_439, %get3A_440, %get3A_441] {strides = array<i32>} : memref<4x256x16xf32, #tpu.memory_space<vmem>>, vector<16xf32>,
        %mul3A_443 = vector.broadcast %squeeze3A_437 : f32 to vector<16xf32>
        %mul3A_444 = arith.mulf %mul3A_443, %get3A_442 : vector<16xf32>
        %add3A_445 = arith.addf %add3A_435, %mul3A_444 : vector<16xf32>
        %slice3A_446 = vector.extract_strided_slice %get3A_336 {offsets = [1], sizes = [1], strides = [1]} : vector<16xf32> to vector<1xf32>
        %squeeze3A_447 = vector.extract %slice3A_446[0] : f32 from vector<1xf32>
        %get3A_448 = arith.constant 3 : i32
        %get3A_449 = arith.index_cast %get3A_448 : i32 to index
        %get3A_450 = arith.index_cast %add3A_416 : i32 to index
        %get3A_451 = arith.constant 0 : index
        %get3A_452 = tpu.vector_load %arg12[%get3A_449, %get3A_450, %get3A_451] {strides = array<i32>} : memref<4x256x16xf32, #tpu.memory_space<vmem>>, vector<16xf32>,
        %mul3A_453 = vector.broadcast %squeeze3A_447 : f32 to vector<16xf32>
        %mul3A_454 = arith.mulf %mul3A_453, %get3A_452 : vector<16xf32>
        %add3A_455 = arith.addf %add3A_445, %mul3A_454 : vector<16xf32>
        %swap3A_456 = arith.index_cast %add3A_416 : i32 to index
        %swap3A_457 = arith.constant 0 : index
        %swap3A_458 = tpu.vector_load %arg13[%swap3A_456, %swap3A_457] {strides = array<i32>} : memref<256x16xf32, #tpu.memory_space<vmem>>, vector<16xf32>,
        tpu.vector_store %arg13[%swap3A_456, %swap3A_457], %add3A_455 {strides = array<i32>} : memref<256x16xf32, #tpu.memory_space<vmem>>, vector<16xf32>,
        %add3A_459 = arith.constant 2 : i32
        %add3A_460 = arith.addi %mul3A_321, %add3A_459 : i32
        %slice3A_461 = vector.extract_strided_slice %get3A_324 {offsets = [2], sizes = [1], strides = [1]} : vector<16xf32> to vector<1xf32>
        %squeeze3A_462 = vector.extract %slice3A_461[0] : f32 from vector<1xf32>
        %get3A_463 = arith.constant 0 : i32
        %get3A_464 = arith.index_cast %get3A_463 : i32 to index
        %get3A_465 = arith.index_cast %add3A_460 : i32 to index
        %get3A_466 = arith.constant 0 : index
        %get3A_467 = tpu.vector_load %arg12[%get3A_464, %get3A_465, %get3A_466] {strides = array<i32>} : memref<4x256x16xf32, #tpu.memory_space<vmem>>, vector<16xf32>,
        %mul3A_468 = vector.broadcast %squeeze3A_462 : f32 to vector<16xf32>
        %mul3A_469 = arith.mulf %mul3A_468, %get3A_467 : vector<16xf32>
        %slice3A_470 = vector.extract_strided_slice %get3A_328 {offsets = [2], sizes = [1], strides = [1]} : vector<16xf32> to vector<1xf32>
        %squeeze3A_471 = vector.extract %slice3A_470[0] : f32 from vector<1xf32>
        %get3A_472 = arith.constant 1 : i32
        %get3A_473 = arith.index_cast %get3A_472 : i32 to index
        %get3A_474 = arith.index_cast %add3A_460 : i32 to index
        %get3A_475 = arith.constant 0 : index
        %get3A_476 = tpu.vector_load %arg12[%get3A_473, %get3A_474, %get3A_475] {strides = array<i32>} : memref<4x256x16xf32, #tpu.memory_space<vmem>>, vector<16xf32>,
        %mul3A_477 = vector.broadcast %squeeze3A_471 : f32 to vector<16xf32>
        %mul3A_478 = arith.mulf %mul3A_477, %get3A_476 : vector<16xf32>
        %add3A_479 = arith.addf %mul3A_469, %mul3A_478 : vector<16xf32>
        %slice3A_480 = vector.extract_strided_slice %get3A_332 {offsets = [2], sizes = [1], strides = [1]} : vector<16xf32> to vector<1xf32>
        %squeeze3A_481 = vector.extract %slice3A_480[0] : f32 from vector<1xf32>
        %get3A_482 = arith.constant 2 : i32
        %get3A_483 = arith.index_cast %get3A_482 : i32 to index
        %get3A_484 = arith.index_cast %add3A_460 : i32 to index
        %get3A_485 = arith.constant 0 : index
        %get3A_486 = tpu.vector_load %arg12[%get3A_483, %get3A_484, %get3A_485] {strides = array<i32>} : memref<4x256x16xf32, #tpu.memory_space<vmem>>, vector<16xf32>,
        %mul3A_487 = vector.broadcast %squeeze3A_481 : f32 to vector<16xf32>
        %mul3A_488 = arith.mulf %mul3A_487, %get3A_486 : vector<16xf32>
        %add3A_489 = arith.addf %add3A_479, %mul3A_488 : vector<16xf32>
        %slice3A_490 = vector.extract_strided_slice %get3A_336 {offsets = [2], sizes = [1], strides = [1]} : vector<16xf32> to vector<1xf32>
        %squeeze3A_491 = vector.extract %slice3A_490[0] : f32 from vector<1xf32>
        %get3A_492 = arith.constant 3 : i32
        %get3A_493 = arith.index_cast %get3A_492 : i32 to index
        %get3A_494 = arith.index_cast %add3A_460 : i32 to index
        %get3A_495 = arith.constant 0 : index
        %get3A_496 = tpu.vector_load %arg12[%get3A_493, %get3A_494, %get3A_495] {strides = array<i32>} : memref<4x256x16xf32, #tpu.memory_space<vmem>>, vector<16xf32>,
        %mul3A_497 = vector.broadcast %squeeze3A_491 : f32 to vector<16xf32>
        %mul3A_498 = arith.mulf %mul3A_497, %get3A_496 : vector<16xf32>
        %add3A_499 = arith.addf %add3A_489, %mul3A_498 : vector<16xf32>
        %swap3A_500 = arith.index_cast %add3A_460 : i32 to index
        %swap3A_501 = arith.constant 0 : index
        %swap3A_502 = tpu.vector_load %arg13[%swap3A_500, %swap3A_501] {strides = array<i32>} : memref<256x16xf32, #tpu.memory_space<vmem>>, vector<16xf32>,
        tpu.vector_store %arg13[%swap3A_500, %swap3A_501], %add3A_499 {strides = array<i32>} : memref<256x16xf32, #tpu.memory_space<vmem>>, vector<16xf32>,
        %add3A_503 = arith.constant 3 : i32
        %add3A_504 = arith.addi %mul3A_321, %add3A_503 : i32
        %slice3A_505 = vector.extract_strided_slice %get3A_324 {offsets = [3], sizes = [1], strides = [1]} : vector<16xf32> to vector<1xf32>
        %squeeze3A_506 = vector.extract %slice3A_505[0] : f32 from vector<1xf32>
        %get3A_507 = arith.constant 0 : i32
        %get3A_508 = arith.index_cast %get3A_507 : i32 to index
        %get3A_509 = arith.index_cast %add3A_504 : i32 to index
        %get3A_510 = arith.constant 0 : index
        %get3A_511 = tpu.vector_load %arg12[%get3A_508, %get3A_509, %get3A_510] {strides = array<i32>} : memref<4x256x16xf32, #tpu.memory_space<vmem>>, vector<16xf32>,
        %mul3A_512 = vector.broadcast %squeeze3A_506 : f32 to vector<16xf32>
        %mul3A_513 = arith.mulf %mul3A_512, %get3A_511 : vector<16xf32>
        %slice3A_514 = vector.extract_strided_slice %get3A_328 {offsets = [3], sizes = [1], strides = [1]} : vector<16xf32> to vector<1xf32>
        %squeeze3A_515 = vector.extract %slice3A_514[0] : f32 from vector<1xf32>
        %get3A_516 = arith.constant 1 : i32
        %get3A_517 = arith.index_cast %get3A_516 : i32 to index
        %get3A_518 = arith.index_cast %add3A_504 : i32 to index
        %get3A_519 = arith.constant 0 : index
        %get3A_520 = tpu.vector_load %arg12[%get3A_517, %get3A_518, %get3A_519] {strides = array<i32>} : memref<4x256x16xf32, #tpu.memory_space<vmem>>, vector<16xf32>,
        %mul3A_521 = vector.broadcast %squeeze3A_515 : f32 to vector<16xf32>
        %mul3A_522 = arith.mulf %mul3A_521, %get3A_520 : vector<16xf32>
        %add3A_523 = arith.addf %mul3A_513, %mul3A_522 : vector<16xf32>
        %slice3A_524 = vector.extract_strided_slice %get3A_332 {offsets = [3], sizes = [1], strides = [1]} : vector<16xf32> to vector<1xf32>
        %squeeze3A_525 = vector.extract %slice3A_524[0] : f32 from vector<1xf32>
        %get3A_526 = arith.constant 2 : i32
        %get3A_527 = arith.index_cast %get3A_526 : i32 to index
        %get3A_528 = arith.index_cast %add3A_504 : i32 to index
        %get3A_529 = arith.constant 0 : index
        %get3A_530 = tpu.vector_load %arg12[%get3A_527, %get3A_528, %get3A_529] {strides = array<i32>} : memref<4x256x16xf32, #tpu.memory_space<vmem>>, vector<16xf32>,
        %mul3A_531 = vector.broadcast %squeeze3A_525 : f32 to vector<16xf32>
        %mul3A_532 = arith.mulf %mul3A_531, %get3A_530 : vector<16xf32>
        %add3A_533 = arith.addf %add3A_523, %mul3A_532 : vector<16xf32>
        %slice3A_534 = vector.extract_strided_slice %get3A_336 {offsets = [3], sizes = [1], strides = [1]} : vector<16xf32> to vector<1xf32>
        %squeeze3A_535 = vector.extract %slice3A_534[0] : f32 from vector<1xf32>
        %get3A_536 = arith.constant 3 : i32
        %get3A_537 = arith.index_cast %get3A_536 : i32 to index
        %get3A_538 = arith.index_cast %add3A_504 : i32 to index
        %get3A_539 = arith.constant 0 : index
        %get3A_540 = tpu.vector_load %arg12[%get3A_537, %get3A_538, %get3A_539] {strides = array<i32>} : memref<4x256x16xf32, #tpu.memory_space<vmem>>, vector<16xf32>,
        %mul3A_541 = vector.broadcast %squeeze3A_535 : f32 to vector<16xf32>
        %mul3A_542 = arith.mulf %mul3A_541, %get3A_540 : vector<16xf32>
        %add3A_543 = arith.addf %add3A_533, %mul3A_542 : vector<16xf32>
        %swap3A_544 = arith.index_cast %add3A_504 : i32 to index
        %swap3A_545 = arith.constant 0 : index
        %swap3A_546 = tpu.vector_load %arg13[%swap3A_544, %swap3A_545] {strides = array<i32>} : memref<256x16xf32, #tpu.memory_space<vmem>>, vector<16xf32>,
        tpu.vector_store %arg13[%swap3A_544, %swap3A_545], %add3A_543 {strides = array<i32>} : memref<256x16xf32, #tpu.memory_space<vmem>>, vector<16xf32>,
        %add3A_547 = arith.constant 4 : i32
        %add3A_548 = arith.addi %mul3A_321, %add3A_547 : i32
        %slice3A_549 = vector.extract_strided_slice %get3A_324 {offsets = [4], sizes = [1], strides = [1]} : vector<16xf32> to vector<1xf32>
        %squeeze3A_550 = vector.extract %slice3A_549[0] : f32 from vector<1xf32>
        %get3A_551 = arith.constant 0 : i32
        %get3A_552 = arith.index_cast %get3A_551 : i32 to index
        %get3A_553 = arith.index_cast %add3A_548 : i32 to index
        %get3A_554 = arith.constant 0 : index
        %get3A_555 = tpu.vector_load %arg12[%get3A_552, %get3A_553, %get3A_554] {strides = array<i32>} : memref<4x256x16xf32, #tpu.memory_space<vmem>>, vector<16xf32>,
        %mul3A_556 = vector.broadcast %squeeze3A_550 : f32 to vector<16xf32>
        %mul3A_557 = arith.mulf %mul3A_556, %get3A_555 : vector<16xf32>
        %slice3A_558 = vector.extract_strided_slice %get3A_328 {offsets = [4], sizes = [1], strides = [1]} : vector<16xf32> to vector<1xf32>
        %squeeze3A_559 = vector.extract %slice3A_558[0] : f32 from vector<1xf32>
        %get3A_560 = arith.constant 1 : i32
        %get3A_561 = arith.index_cast %get3A_560 : i32 to index
        %get3A_562 = arith.index_cast %add3A_548 : i32 to index
        %get3A_563 = arith.constant 0 : index
        %get3A_564 = tpu.vector_load %arg12[%get3A_561, %get3A_562, %get3A_563] {strides = array<i32>} : memref<4x256x16xf32, #tpu.memory_space<vmem>>, vector<16xf32>,
        %mul3A_565 = vector.broadcast %squeeze3A_559 : f32 to vector<16xf32>
        %mul3A_566 = arith.mulf %mul3A_565, %get3A_564 : vector<16xf32>
        %add3A_567 = arith.addf %mul3A_557, %mul3A_566 : vector<16xf32>
        %slice3A_568 = vector.extract_strided_slice %get3A_332 {offsets = [4], sizes = [1], strides = [1]} : vector<16xf32> to vector<1xf32>
        %squeeze3A_569 = vector.extract %slice3A_568[0] : f32 from vector<1xf32>
        %get3A_570 = arith.constant 2 : i32
        %get3A_571 = arith.index_cast %get3A_570 : i32 to index
        %get3A_572 = arith.index_cast %add3A_548 : i32 to index
        %get3A_573 = arith.constant 0 : index
        %get3A_574 = tpu.vector_load %arg12[%get3A_571, %get3A_572, %get3A_573] {strides = array<i32>} : memref<4x256x16xf32, #tpu.memory_space<vmem>>, vector<16xf32>,
        %mul3A_575 = vector.broadcast %squeeze3A_569 : f32 to vector<16xf32>
        %mul3A_576 = arith.mulf %mul3A_575, %get3A_574 : vector<16xf32>
        %add3A_577 = arith.addf %add3A_567, %mul3A_576 : vector<16xf32>
        %slice3A_578 = vector.extract_strided_slice %get3A_336 {offsets = [4], sizes = [1], strides = [1]} : vector<16xf32> to vector<1xf32>
        %squeeze3A_579 = vector.extract %slice3A_578[0] : f32 from vector<1xf32>
        %get3A_580 = arith.constant 3 : i32
        %get3A_581 = arith.index_cast %get3A_580 : i32 to index
        %get3A_582 = arith.index_cast %add3A_548 : i32 to index
        %get3A_583 = arith.constant 0 : index
        %get3A_584 = tpu.vector_load %arg12[%get3A_581, %get3A_582, %get3A_583] {strides = array<i32>} : memref<4x256x16xf32, #tpu.memory_space<vmem>>, vector<16xf32>,
        %mul3A_585 = vector.broadcast %squeeze3A_579 : f32 to vector<16xf32>
        %mul3A_586 = arith.mulf %mul3A_585, %get3A_584 : vector<16xf32>
        %add3A_587 = arith.addf %add3A_577, %mul3A_586 : vector<16xf32>
        %swap3A_588 = arith.index_cast %add3A_548 : i32 to index
        %swap3A_589 = arith.constant 0 : index
        %swap3A_590 = tpu.vector_load %arg13[%swap3A_588, %swap3A_589] {strides = array<i32>} : memref<256x16xf32, #tpu.memory_space<vmem>>, vector<16xf32>,
        tpu.vector_store %arg13[%swap3A_588, %swap3A_589], %add3A_587 {strides = array<i32>} : memref<256x16xf32, #tpu.memory_space<vmem>>, vector<16xf32>,
        %add3A_591 = arith.constant 5 : i32
        %add3A_592 = arith.addi %mul3A_321, %add3A_591 : i32
        %slice3A_593 = vector.extract_strided_slice %get3A_324 {offsets = [5], sizes = [1], strides = [1]} : vector<16xf32> to vector<1xf32>
        %squeeze3A_594 = vector.extract %slice3A_593[0] : f32 from vector<1xf32>
        %get3A_595 = arith.constant 0 : i32
        %get3A_596 = arith.index_cast %get3A_595 : i32 to index
        %get3A_597 = arith.index_cast %add3A_592 : i32 to index
        %get3A_598 = arith.constant 0 : index
        %get3A_599 = tpu.vector_load %arg12[%get3A_596, %get3A_597, %get3A_598] {strides = array<i32>} : memref<4x256x16xf32, #tpu.memory_space<vmem>>, vector<16xf32>,
        %mul3A_600 = vector.broadcast %squeeze3A_594 : f32 to vector<16xf32>
        %mul3A_601 = arith.mulf %mul3A_600, %get3A_599 : vector<16xf32>
        %slice3A_602 = vector.extract_strided_slice %get3A_328 {offsets = [5], sizes = [1], strides = [1]} : vector<16xf32> to vector<1xf32>
        %squeeze3A_603 = vector.extract %slice3A_602[0] : f32 from vector<1xf32>
        %get3A_604 = arith.constant 1 : i32
        %get3A_605 = arith.index_cast %get3A_604 : i32 to index
        %get3A_606 = arith.index_cast %add3A_592 : i32 to index
        %get3A_607 = arith.constant 0 : index
        %get3A_608 = tpu.vector_load %arg12[%get3A_605, %get3A_606, %get3A_607] {strides = array<i32>} : memref<4x256x16xf32, #tpu.memory_space<vmem>>, vector<16xf32>,
        %mul3A_609 = vector.broadcast %squeeze3A_603 : f32 to vector<16xf32>
        %mul3A_610 = arith.mulf %mul3A_609, %get3A_608 : vector<16xf32>
        %add3A_611 = arith.addf %mul3A_601, %mul3A_610 : vector<16xf32>
        %slice3A_612 = vector.extract_strided_slice %get3A_332 {offsets = [5], sizes = [1], strides = [1]} : vector<16xf32> to vector<1xf32>
        %squeeze3A_613 = vector.extract %slice3A_612[0] : f32 from vector<1xf32>
        %get3A_614 = arith.constant 2 : i32
        %get3A_615 = arith.index_cast %get3A_614 : i32 to index
        %get3A_616 = arith.index_cast %add3A_592 : i32 to index
        %get3A_617 = arith.constant 0 : index
        %get3A_618 = tpu.vector_load %arg12[%get3A_615, %get3A_616, %get3A_617] {strides = array<i32>} : memref<4x256x16xf32, #tpu.memory_space<vmem>>, vector<16xf32>,
        %mul3A_619 = vector.broadcast %squeeze3A_613 : f32 to vector<16xf32>
        %mul3A_620 = arith.mulf %mul3A_619, %get3A_618 : vector<16xf32>
        %add3A_621 = arith.addf %add3A_611, %mul3A_620 : vector<16xf32>
        %slice3A_622 = vector.extract_strided_slice %get3A_336 {offsets = [5], sizes = [1], strides = [1]} : vector<16xf32> to vector<1xf32>
        %squeeze3A_623 = vector.extract %slice3A_622[0] : f32 from vector<1xf32>
        %get3A_624 = arith.constant 3 : i32
        %get3A_625 = arith.index_cast %get3A_624 : i32 to index
        %get3A_626 = arith.index_cast %add3A_592 : i32 to index
        %get3A_627 = arith.constant 0 : index
        %get3A_628 = tpu.vector_load %arg12[%get3A_625, %get3A_626, %get3A_627] {strides = array<i32>} : memref<4x256x16xf32, #tpu.memory_space<vmem>>, vector<16xf32>,
        %mul3A_629 = vector.broadcast %squeeze3A_623 : f32 to vector<16xf32>
        %mul3A_630 = arith.mulf %mul3A_629, %get3A_628 : vector<16xf32>
        %add3A_631 = arith.addf %add3A_621, %mul3A_630 : vector<16xf32>
        %swap3A_632 = arith.index_cast %add3A_592 : i32 to index
        %swap3A_633 = arith.constant 0 : index
        %swap3A_634 = tpu.vector_load %arg13[%swap3A_632, %swap3A_633] {strides = array<i32>} : memref<256x16xf32, #tpu.memory_space<vmem>>, vector<16xf32>,
        tpu.vector_store %arg13[%swap3A_632, %swap3A_633], %add3A_631 {strides = array<i32>} : memref<256x16xf32, #tpu.memory_space<vmem>>, vector<16xf32>,
        %add3A_635 = arith.constant 6 : i32
        %add3A_636 = arith.addi %mul3A_321, %add3A_635 : i32
        %slice3A_637 = vector.extract_strided_slice %get3A_324 {offsets = [6], sizes = [1], strides = [1]} : vector<16xf32> to vector<1xf32>
        %squeeze3A_638 = vector.extract %slice3A_637[0] : f32 from vector<1xf32>
        %get3A_639 = arith.constant 0 : i32
        %get3A_640 = arith.index_cast %get3A_639 : i32 to index
        %get3A_641 = arith.index_cast %add3A_636 : i32 to index
        %get3A_642 = arith.constant 0 : index
        %get3A_643 = tpu.vector_load %arg12[%get3A_640, %get3A_641, %get3A_642] {strides = array<i32>} : memref<4x256x16xf32, #tpu.memory_space<vmem>>, vector<16xf32>,
        %mul3A_644 = vector.broadcast %squeeze3A_638 : f32 to vector<16xf32>
        %mul3A_645 = arith.mulf %mul3A_644, %get3A_643 : vector<16xf32>
        %slice3A_646 = vector.extract_strided_slice %get3A_328 {offsets = [6], sizes = [1], strides = [1]} : vector<16xf32> to vector<1xf32>
        %squeeze3A_647 = vector.extract %slice3A_646[0] : f32 from vector<1xf32>
        %get3A_648 = arith.constant 1 : i32
        %get3A_649 = arith.index_cast %get3A_648 : i32 to index
        %get3A_650 = arith.index_cast %add3A_636 : i32 to index
        %get3A_651 = arith.constant 0 : index
        %get3A_652 = tpu.vector_load %arg12[%get3A_649, %get3A_650, %get3A_651] {strides = array<i32>} : memref<4x256x16xf32, #tpu.memory_space<vmem>>, vector<16xf32>,
        %mul3A_653 = vector.broadcast %squeeze3A_647 : f32 to vector<16xf32>
        %mul3A_654 = arith.mulf %mul3A_653, %get3A_652 : vector<16xf32>
        %add3A_655 = arith.addf %mul3A_645, %mul3A_654 : vector<16xf32>
        %slice3A_656 = vector.extract_strided_slice %get3A_332 {offsets = [6], sizes = [1], strides = [1]} : vector<16xf32> to vector<1xf32>
        %squeeze3A_657 = vector.extract %slice3A_656[0] : f32 from vector<1xf32>
        %get3A_658 = arith.constant 2 : i32
        %get3A_659 = arith.index_cast %get3A_658 : i32 to index
        %get3A_660 = arith.index_cast %add3A_636 : i32 to index
        %get3A_661 = arith.constant 0 : index
        %get3A_662 = tpu.vector_load %arg12[%get3A_659, %get3A_660, %get3A_661] {strides = array<i32>} : memref<4x256x16xf32, #tpu.memory_space<vmem>>, vector<16xf32>,
        %mul3A_663 = vector.broadcast %squeeze3A_657 : f32 to vector<16xf32>
        %mul3A_664 = arith.mulf %mul3A_663, %get3A_662 : vector<16xf32>
        %add3A_665 = arith.addf %add3A_655, %mul3A_664 : vector<16xf32>
        %slice3A_666 = vector.extract_strided_slice %get3A_336 {offsets = [6], sizes = [1], strides = [1]} : vector<16xf32> to vector<1xf32>
        %squeeze3A_667 = vector.extract %slice3A_666[0] : f32 from vector<1xf32>
        %get3A_668 = arith.constant 3 : i32
        %get3A_669 = arith.index_cast %get3A_668 : i32 to index
        %get3A_670 = arith.index_cast %add3A_636 : i32 to index
        %get3A_671 = arith.constant 0 : index
        %get3A_672 = tpu.vector_load %arg12[%get3A_669, %get3A_670, %get3A_671] {strides = array<i32>} : memref<4x256x16xf32, #tpu.memory_space<vmem>>, vector<16xf32>,
        %mul3A_673 = vector.broadcast %squeeze3A_667 : f32 to vector<16xf32>
        %mul3A_674 = arith.mulf %mul3A_673, %get3A_672 : vector<16xf32>
        %add3A_675 = arith.addf %add3A_665, %mul3A_674 : vector<16xf32>
        %swap3A_676 = arith.index_cast %add3A_636 : i32 to index
        %swap3A_677 = arith.constant 0 : index
        %swap3A_678 = tpu.vector_load %arg13[%swap3A_676, %swap3A_677] {strides = array<i32>} : memref<256x16xf32, #tpu.memory_space<vmem>>, vector<16xf32>,
        tpu.vector_store %arg13[%swap3A_676, %swap3A_677], %add3A_675 {strides = array<i32>} : memref<256x16xf32, #tpu.memory_space<vmem>>, vector<16xf32>,
        %add3A_679 = arith.constant 7 : i32
        %add3A_680 = arith.addi %mul3A_321, %add3A_679 : i32
        %slice3A_681 = vector.extract_strided_slice %get3A_324 {offsets = [7], sizes = [1], strides = [1]} : vector<16xf32> to vector<1xf32>
        %squeeze3A_682 = vector.extract %slice3A_681[0] : f32 from vector<1xf32>
        %get3A_683 = arith.constant 0 : i32
        %get3A_684 = arith.index_cast %get3A_683 : i32 to index
        %get3A_685 = arith.index_cast %add3A_680 : i32 to index
        %get3A_686 = arith.constant 0 : index
        %get3A_687 = tpu.vector_load %arg12[%get3A_684, %get3A_685, %get3A_686] {strides = array<i32>} : memref<4x256x16xf32, #tpu.memory_space<vmem>>, vector<16xf32>,
        %mul3A_688 = vector.broadcast %squeeze3A_682 : f32 to vector<16xf32>
        %mul3A_689 = arith.mulf %mul3A_688, %get3A_687 : vector<16xf32>
        %slice3A_690 = vector.extract_strided_slice %get3A_328 {offsets = [7], sizes = [1], strides = [1]} : vector<16xf32> to vector<1xf32>
        %squeeze3A_691 = vector.extract %slice3A_690[0] : f32 from vector<1xf32>
        %get3A_692 = arith.constant 1 : i32
        %get3A_693 = arith.index_cast %get3A_692 : i32 to index
        %get3A_694 = arith.index_cast %add3A_680 : i32 to index
        %get3A_695 = arith.constant 0 : index
        %get3A_696 = tpu.vector_load %arg12[%get3A_693, %get3A_694, %get3A_695] {strides = array<i32>} : memref<4x256x16xf32, #tpu.memory_space<vmem>>, vector<16xf32>,
        %mul3A_697 = vector.broadcast %squeeze3A_691 : f32 to vector<16xf32>
        %mul3A_698 = arith.mulf %mul3A_697, %get3A_696 : vector<16xf32>
        %add3A_699 = arith.addf %mul3A_689, %mul3A_698 : vector<16xf32>
        %slice3A_700 = vector.extract_strided_slice %get3A_332 {offsets = [7], sizes = [1], strides = [1]} : vector<16xf32> to vector<1xf32>
        %squeeze3A_701 = vector.extract %slice3A_700[0] : f32 from vector<1xf32>
        %get3A_702 = arith.constant 2 : i32
        %get3A_703 = arith.index_cast %get3A_702 : i32 to index
        %get3A_704 = arith.index_cast %add3A_680 : i32 to index
        %get3A_705 = arith.constant 0 : index
        %get3A_706 = tpu.vector_load %arg12[%get3A_703, %get3A_704, %get3A_705] {strides = array<i32>} : memref<4x256x16xf32, #tpu.memory_space<vmem>>, vector<16xf32>,
        %mul3A_707 = vector.broadcast %squeeze3A_701 : f32 to vector<16xf32>
        %mul3A_708 = arith.mulf %mul3A_707, %get3A_706 : vector<16xf32>
        %add3A_709 = arith.addf %add3A_699, %mul3A_708 : vector<16xf32>
        %slice3A_710 = vector.extract_strided_slice %get3A_336 {offsets = [7], sizes = [1], strides = [1]} : vector<16xf32> to vector<1xf32>
        %squeeze3A_711 = vector.extract %slice3A_710[0] : f32 from vector<1xf32>
        %get3A_712 = arith.constant 3 : i32
        %get3A_713 = arith.index_cast %get3A_712 : i32 to index
        %get3A_714 = arith.index_cast %add3A_680 : i32 to index
        %get3A_715 = arith.constant 0 : index
        %get3A_716 = tpu.vector_load %arg12[%get3A_713, %get3A_714, %get3A_715] {strides = array<i32>} : memref<4x256x16xf32, #tpu.memory_space<vmem>>, vector<16xf32>,
        %mul3A_717 = vector.broadcast %squeeze3A_711 : f32 to vector<16xf32>
        %mul3A_718 = arith.mulf %mul3A_717, %get3A_716 : vector<16xf32>
        %add3A_719 = arith.addf %add3A_709, %mul3A_718 : vector<16xf32>
        %swap3A_720 = arith.index_cast %add3A_680 : i32 to index
        %swap3A_721 = arith.constant 0 : index
        %swap3A_722 = tpu.vector_load %arg13[%swap3A_720, %swap3A_721] {strides = array<i32>} : memref<256x16xf32, #tpu.memory_space<vmem>>, vector<16xf32>,
        tpu.vector_store %arg13[%swap3A_720, %swap3A_721], %add3A_719 {strides = array<i32>} : memref<256x16xf32, #tpu.memory_space<vmem>>, vector<16xf32>,
        %add3A_723 = arith.constant 8 : i32
        %add3A_724 = arith.addi %mul3A_321, %add3A_723 : i32
        %slice3A_725 = vector.extract_strided_slice %get3A_324 {offsets = [8], sizes = [1], strides = [1]} : vector<16xf32> to vector<1xf32>
        %squeeze3A_726 = vector.extract %slice3A_725[0] : f32 from vector<1xf32>
        %get3A_727 = arith.constant 0 : i32
        %get3A_728 = arith.index_cast %get3A_727 : i32 to index
        %get3A_729 = arith.index_cast %add3A_724 : i32 to index
        %get3A_730 = arith.constant 0 : index
        %get3A_731 = tpu.vector_load %arg12[%get3A_728, %get3A_729, %get3A_730] {strides = array<i32>} : memref<4x256x16xf32, #tpu.memory_space<vmem>>, vector<16xf32>,
        %mul3A_732 = vector.broadcast %squeeze3A_726 : f32 to vector<16xf32>
        %mul3A_733 = arith.mulf %mul3A_732, %get3A_731 : vector<16xf32>
        %slice3A_734 = vector.extract_strided_slice %get3A_328 {offsets = [8], sizes = [1], strides = [1]} : vector<16xf32> to vector<1xf32>
        %squeeze3A_735 = vector.extract %slice3A_734[0] : f32 from vector<1xf32>
        %get3A_736 = arith.constant 1 : i32
        %get3A_737 = arith.index_cast %get3A_736 : i32 to index
        %get3A_738 = arith.index_cast %add3A_724 : i32 to index
        %get3A_739 = arith.constant 0 : index
        %get3A_740 = tpu.vector_load %arg12[%get3A_737, %get3A_738, %get3A_739] {strides = array<i32>} : memref<4x256x16xf32, #tpu.memory_space<vmem>>, vector<16xf32>,
        %mul3A_741 = vector.broadcast %squeeze3A_735 : f32 to vector<16xf32>
        %mul3A_742 = arith.mulf %mul3A_741, %get3A_740 : vector<16xf32>
        %add3A_743 = arith.addf %mul3A_733, %mul3A_742 : vector<16xf32>
        %slice3A_744 = vector.extract_strided_slice %get3A_332 {offsets = [8], sizes = [1], strides = [1]} : vector<16xf32> to vector<1xf32>
        %squeeze3A_745 = vector.extract %slice3A_744[0] : f32 from vector<1xf32>
        %get3A_746 = arith.constant 2 : i32
        %get3A_747 = arith.index_cast %get3A_746 : i32 to index
        %get3A_748 = arith.index_cast %add3A_724 : i32 to index
        %get3A_749 = arith.constant 0 : index
        %get3A_750 = tpu.vector_load %arg12[%get3A_747, %get3A_748, %get3A_749] {strides = array<i32>} : memref<4x256x16xf32, #tpu.memory_space<vmem>>, vector<16xf32>,
        %mul3A_751 = vector.broadcast %squeeze3A_745 : f32 to vector<16xf32>
        %mul3A_752 = arith.mulf %mul3A_751, %get3A_750 : vector<16xf32>
        %add3A_753 = arith.addf %add3A_743, %mul3A_752 : vector<16xf32>
        %slice3A_754 = vector.extract_strided_slice %get3A_336 {offsets = [8], sizes = [1], strides = [1]} : vector<16xf32> to vector<1xf32>
        %squeeze3A_755 = vector.extract %slice3A_754[0] : f32 from vector<1xf32>
        %get3A_756 = arith.constant 3 : i32
        %get3A_757 = arith.index_cast %get3A_756 : i32 to index
        %get3A_758 = arith.index_cast %add3A_724 : i32 to index
        %get3A_759 = arith.constant 0 : index
        %get3A_760 = tpu.vector_load %arg12[%get3A_757, %get3A_758, %get3A_759] {strides = array<i32>} : memref<4x256x16xf32, #tpu.memory_space<vmem>>, vector<16xf32>,
        %mul3A_761 = vector.broadcast %squeeze3A_755 : f32 to vector<16xf32>
        %mul3A_762 = arith.mulf %mul3A_761, %get3A_760 : vector<16xf32>
        %add3A_763 = arith.addf %add3A_753, %mul3A_762 : vector<16xf32>
        %swap3A_764 = arith.index_cast %add3A_724 : i32 to index
        %swap3A_765 = arith.constant 0 : index
        %swap3A_766 = tpu.vector_load %arg13[%swap3A_764, %swap3A_765] {strides = array<i32>} : memref<256x16xf32, #tpu.memory_space<vmem>>, vector<16xf32>,
        tpu.vector_store %arg13[%swap3A_764, %swap3A_765], %add3A_763 {strides = array<i32>} : memref<256x16xf32, #tpu.memory_space<vmem>>, vector<16xf32>,
        %add3A_767 = arith.constant 9 : i32
        %add3A_768 = arith.addi %mul3A_321, %add3A_767 : i32
        %slice3A_769 = vector.extract_strided_slice %get3A_324 {offsets = [9], sizes = [1], strides = [1]} : vector<16xf32> to vector<1xf32>
        %squeeze3A_770 = vector.extract %slice3A_769[0] : f32 from vector<1xf32>
        %get3A_771 = arith.constant 0 : i32
        %get3A_772 = arith.index_cast %get3A_771 : i32 to index
        %get3A_773 = arith.index_cast %add3A_768 : i32 to index
        %get3A_774 = arith.constant 0 : index
        %get3A_775 = tpu.vector_load %arg12[%get3A_772, %get3A_773, %get3A_774] {strides = array<i32>} : memref<4x256x16xf32, #tpu.memory_space<vmem>>, vector<16xf32>,
        %mul3A_776 = vector.broadcast %squeeze3A_770 : f32 to vector<16xf32>
        %mul3A_777 = arith.mulf %mul3A_776, %get3A_775 : vector<16xf32>
        %slice3A_778 = vector.extract_strided_slice %get3A_328 {offsets = [9], sizes = [1], strides = [1]} : vector<16xf32> to vector<1xf32>
        %squeeze3A_779 = vector.extract %slice3A_778[0] : f32 from vector<1xf32>
        %get3A_780 = arith.constant 1 : i32
        %get3A_781 = arith.index_cast %get3A_780 : i32 to index
        %get3A_782 = arith.index_cast %add3A_768 : i32 to index
        %get3A_783 = arith.constant 0 : index
        %get3A_784 = tpu.vector_load %arg12[%get3A_781, %get3A_782, %get3A_783] {strides = array<i32>} : memref<4x256x16xf32, #tpu.memory_space<vmem>>, vector<16xf32>,
        %mul3A_785 = vector.broadcast %squeeze3A_779 : f32 to vector<16xf32>
        %mul3A_786 = arith.mulf %mul3A_785, %get3A_784 : vector<16xf32>
        %add3A_787 = arith.addf %mul3A_777, %mul3A_786 : vector<16xf32>
        %slice3A_788 = vector.extract_strided_slice %get3A_332 {offsets = [9], sizes = [1], strides = [1]} : vector<16xf32> to vector<1xf32>
        %squeeze3A_789 = vector.extract %slice3A_788[0] : f32 from vector<1xf32>
        %get3A_790 = arith.constant 2 : i32
        %get3A_791 = arith.index_cast %get3A_790 : i32 to index
        %get3A_792 = arith.index_cast %add3A_768 : i32 to index
        %get3A_793 = arith.constant 0 : index
        %get3A_794 = tpu.vector_load %arg12[%get3A_791, %get3A_792, %get3A_793] {strides = array<i32>} : memref<4x256x16xf32, #tpu.memory_space<vmem>>, vector<16xf32>,
        %mul3A_795 = vector.broadcast %squeeze3A_789 : f32 to vector<16xf32>
        %mul3A_796 = arith.mulf %mul3A_795, %get3A_794 : vector<16xf32>
        %add3A_797 = arith.addf %add3A_787, %mul3A_796 : vector<16xf32>
        %slice3A_798 = vector.extract_strided_slice %get3A_336 {offsets = [9], sizes = [1], strides = [1]} : vector<16xf32> to vector<1xf32>
        %squeeze3A_799 = vector.extract %slice3A_798[0] : f32 from vector<1xf32>
        %get3A_800 = arith.constant 3 : i32
        %get3A_801 = arith.index_cast %get3A_800 : i32 to index
        %get3A_802 = arith.index_cast %add3A_768 : i32 to index
        %get3A_803 = arith.constant 0 : index
        %get3A_804 = tpu.vector_load %arg12[%get3A_801, %get3A_802, %get3A_803] {strides = array<i32>} : memref<4x256x16xf32, #tpu.memory_space<vmem>>, vector<16xf32>,
        %mul3A_805 = vector.broadcast %squeeze3A_799 : f32 to vector<16xf32>
        %mul3A_806 = arith.mulf %mul3A_805, %get3A_804 : vector<16xf32>
        %add3A_807 = arith.addf %add3A_797, %mul3A_806 : vector<16xf32>
        %swap3A_808 = arith.index_cast %add3A_768 : i32 to index
        %swap3A_809 = arith.constant 0 : index
        %swap3A_810 = tpu.vector_load %arg13[%swap3A_808, %swap3A_809] {strides = array<i32>} : memref<256x16xf32, #tpu.memory_space<vmem>>, vector<16xf32>,
        tpu.vector_store %arg13[%swap3A_808, %swap3A_809], %add3A_807 {strides = array<i32>} : memref<256x16xf32, #tpu.memory_space<vmem>>, vector<16xf32>,
        %add3A_811 = arith.constant 10 : i32
        %add3A_812 = arith.addi %mul3A_321, %add3A_811 : i32
        %slice3A_813 = vector.extract_strided_slice %get3A_324 {offsets = [10], sizes = [1], strides = [1]} : vector<16xf32> to vector<1xf32>
        %squeeze3A_814 = vector.extract %slice3A_813[0] : f32 from vector<1xf32>
        %get3A_815 = arith.constant 0 : i32
        %get3A_816 = arith.index_cast %get3A_815 : i32 to index
        %get3A_817 = arith.index_cast %add3A_812 : i32 to index
        %get3A_818 = arith.constant 0 : index
        %get3A_819 = tpu.vector_load %arg12[%get3A_816, %get3A_817, %get3A_818] {strides = array<i32>} : memref<4x256x16xf32, #tpu.memory_space<vmem>>, vector<16xf32>,
        %mul3A_820 = vector.broadcast %squeeze3A_814 : f32 to vector<16xf32>
        %mul3A_821 = arith.mulf %mul3A_820, %get3A_819 : vector<16xf32>
        %slice3A_822 = vector.extract_strided_slice %get3A_328 {offsets = [10], sizes = [1], strides = [1]} : vector<16xf32> to vector<1xf32>
        %squeeze3A_823 = vector.extract %slice3A_822[0] : f32 from vector<1xf32>
        %get3A_824 = arith.constant 1 : i32
        %get3A_825 = arith.index_cast %get3A_824 : i32 to index
        %get3A_826 = arith.index_cast %add3A_812 : i32 to index
        %get3A_827 = arith.constant 0 : index
        %get3A_828 = tpu.vector_load %arg12[%get3A_825, %get3A_826, %get3A_827] {strides = array<i32>} : memref<4x256x16xf32, #tpu.memory_space<vmem>>, vector<16xf32>,
        %mul3A_829 = vector.broadcast %squeeze3A_823 : f32 to vector<16xf32>
        %mul3A_830 = arith.mulf %mul3A_829, %get3A_828 : vector<16xf32>
        %add3A_831 = arith.addf %mul3A_821, %mul3A_830 : vector<16xf32>
        %slice3A_832 = vector.extract_strided_slice %get3A_332 {offsets = [10], sizes = [1], strides = [1]} : vector<16xf32> to vector<1xf32>
        %squeeze3A_833 = vector.extract %slice3A_832[0] : f32 from vector<1xf32>
        %get3A_834 = arith.constant 2 : i32
        %get3A_835 = arith.index_cast %get3A_834 : i32 to index
        %get3A_836 = arith.index_cast %add3A_812 : i32 to index
        %get3A_837 = arith.constant 0 : index
        %get3A_838 = tpu.vector_load %arg12[%get3A_835, %get3A_836, %get3A_837] {strides = array<i32>} : memref<4x256x16xf32, #tpu.memory_space<vmem>>, vector<16xf32>,
        %mul3A_839 = vector.broadcast %squeeze3A_833 : f32 to vector<16xf32>
        %mul3A_840 = arith.mulf %mul3A_839, %get3A_838 : vector<16xf32>
        %add3A_841 = arith.addf %add3A_831, %mul3A_840 : vector<16xf32>
        %slice3A_842 = vector.extract_strided_slice %get3A_336 {offsets = [10], sizes = [1], strides = [1]} : vector<16xf32> to vector<1xf32>
        %squeeze3A_843 = vector.extract %slice3A_842[0] : f32 from vector<1xf32>
        %get3A_844 = arith.constant 3 : i32
        %get3A_845 = arith.index_cast %get3A_844 : i32 to index
        %get3A_846 = arith.index_cast %add3A_812 : i32 to index
        %get3A_847 = arith.constant 0 : index
        %get3A_848 = tpu.vector_load %arg12[%get3A_845, %get3A_846, %get3A_847] {strides = array<i32>} : memref<4x256x16xf32, #tpu.memory_space<vmem>>, vector<16xf32>,
        %mul3A_849 = vector.broadcast %squeeze3A_843 : f32 to vector<16xf32>
        %mul3A_850 = arith.mulf %mul3A_849, %get3A_848 : vector<16xf32>
        %add3A_851 = arith.addf %add3A_841, %mul3A_850 : vector<16xf32>
        %swap3A_852 = arith.index_cast %add3A_812 : i32 to index
        %swap3A_853 = arith.constant 0 : index
        %swap3A_854 = tpu.vector_load %arg13[%swap3A_852, %swap3A_853] {strides = array<i32>} : memref<256x16xf32, #tpu.memory_space<vmem>>, vector<16xf32>,
        tpu.vector_store %arg13[%swap3A_852, %swap3A_853], %add3A_851 {strides = array<i32>} : memref<256x16xf32, #tpu.memory_space<vmem>>, vector<16xf32>,
        %add3A_855 = arith.constant 11 : i32
        %add3A_856 = arith.addi %mul3A_321, %add3A_855 : i32
        %slice3A_857 = vector.extract_strided_slice %get3A_324 {offsets = [11], sizes = [1], strides = [1]} : vector<16xf32> to vector<1xf32>
        %squeeze3A_858 = vector.extract %slice3A_857[0] : f32 from vector<1xf32>
        %get3A_859 = arith.constant 0 : i32
        %get3A_860 = arith.index_cast %get3A_859 : i32 to index
        %get3A_861 = arith.index_cast %add3A_856 : i32 to index
        %get3A_862 = arith.constant 0 : index
        %get3A_863 = tpu.vector_load %arg12[%get3A_860, %get3A_861, %get3A_862] {strides = array<i32>} : memref<4x256x16xf32, #tpu.memory_space<vmem>>, vector<16xf32>,
        %mul3A_864 = vector.broadcast %squeeze3A_858 : f32 to vector<16xf32>
        %mul3A_865 = arith.mulf %mul3A_864, %get3A_863 : vector<16xf32>
        %slice3A_866 = vector.extract_strided_slice %get3A_328 {offsets = [11], sizes = [1], strides = [1]} : vector<16xf32> to vector<1xf32>
        %squeeze3A_867 = vector.extract %slice3A_866[0] : f32 from vector<1xf32>
        %get3A_868 = arith.constant 1 : i32
        %get3A_869 = arith.index_cast %get3A_868 : i32 to index
        %get3A_870 = arith.index_cast %add3A_856 : i32 to index
        %get3A_871 = arith.constant 0 : index
        %get3A_872 = tpu.vector_load %arg12[%get3A_869, %get3A_870, %get3A_871] {strides = array<i32>} : memref<4x256x16xf32, #tpu.memory_space<vmem>>, vector<16xf32>,
        %mul3A_873 = vector.broadcast %squeeze3A_867 : f32 to vector<16xf32>
        %mul3A_874 = arith.mulf %mul3A_873, %get3A_872 : vector<16xf32>
        %add3A_875 = arith.addf %mul3A_865, %mul3A_874 : vector<16xf32>
        %slice3A_876 = vector.extract_strided_slice %get3A_332 {offsets = [11], sizes = [1], strides = [1]} : vector<16xf32> to vector<1xf32>
        %squeeze3A_877 = vector.extract %slice3A_876[0] : f32 from vector<1xf32>
        %get3A_878 = arith.constant 2 : i32
        %get3A_879 = arith.index_cast %get3A_878 : i32 to index
        %get3A_880 = arith.index_cast %add3A_856 : i32 to index
        %get3A_881 = arith.constant 0 : index
        %get3A_882 = tpu.vector_load %arg12[%get3A_879, %get3A_880, %get3A_881] {strides = array<i32>} : memref<4x256x16xf32, #tpu.memory_space<vmem>>, vector<16xf32>,
        %mul3A_883 = vector.broadcast %squeeze3A_877 : f32 to vector<16xf32>
        %mul3A_884 = arith.mulf %mul3A_883, %get3A_882 : vector<16xf32>
        %add3A_885 = arith.addf %add3A_875, %mul3A_884 : vector<16xf32>
        %slice3A_886 = vector.extract_strided_slice %get3A_336 {offsets = [11], sizes = [1], strides = [1]} : vector<16xf32> to vector<1xf32>
        %squeeze3A_887 = vector.extract %slice3A_886[0] : f32 from vector<1xf32>
        %get3A_888 = arith.constant 3 : i32
        %get3A_889 = arith.index_cast %get3A_888 : i32 to index
        %get3A_890 = arith.index_cast %add3A_856 : i32 to index
        %get3A_891 = arith.constant 0 : index
        %get3A_892 = tpu.vector_load %arg12[%get3A_889, %get3A_890, %get3A_891] {strides = array<i32>} : memref<4x256x16xf32, #tpu.memory_space<vmem>>, vector<16xf32>,
        %mul3A_893 = vector.broadcast %squeeze3A_887 : f32 to vector<16xf32>
        %mul3A_894 = arith.mulf %mul3A_893, %get3A_892 : vector<16xf32>
        %add3A_895 = arith.addf %add3A_885, %mul3A_894 : vector<16xf32>
        %swap3A_896 = arith.index_cast %add3A_856 : i32 to index
        %swap3A_897 = arith.constant 0 : index
        %swap3A_898 = tpu.vector_load %arg13[%swap3A_896, %swap3A_897] {strides = array<i32>} : memref<256x16xf32, #tpu.memory_space<vmem>>, vector<16xf32>,
        tpu.vector_store %arg13[%swap3A_896, %swap3A_897], %add3A_895 {strides = array<i32>} : memref<256x16xf32, #tpu.memory_space<vmem>>, vector<16xf32>,
        %add3A_899 = arith.constant 12 : i32
        %add3A_900 = arith.addi %mul3A_321, %add3A_899 : i32
        %slice3A_901 = vector.extract_strided_slice %get3A_324 {offsets = [12], sizes = [1], strides = [1]} : vector<16xf32> to vector<1xf32>
        %squeeze3A_902 = vector.extract %slice3A_901[0] : f32 from vector<1xf32>
        %get3A_903 = arith.constant 0 : i32
        %get3A_904 = arith.index_cast %get3A_903 : i32 to index
        %get3A_905 = arith.index_cast %add3A_900 : i32 to index
        %get3A_906 = arith.constant 0 : index
        %get3A_907 = tpu.vector_load %arg12[%get3A_904, %get3A_905, %get3A_906] {strides = array<i32>} : memref<4x256x16xf32, #tpu.memory_space<vmem>>, vector<16xf32>,
        %mul3A_908 = vector.broadcast %squeeze3A_902 : f32 to vector<16xf32>
        %mul3A_909 = arith.mulf %mul3A_908, %get3A_907 : vector<16xf32>
        %slice3A_910 = vector.extract_strided_slice %get3A_328 {offsets = [12], sizes = [1], strides = [1]} : vector<16xf32> to vector<1xf32>
        %squeeze3A_911 = vector.extract %slice3A_910[0] : f32 from vector<1xf32>
        %get3A_912 = arith.constant 1 : i32
        %get3A_913 = arith.index_cast %get3A_912 : i32 to index
        %get3A_914 = arith.index_cast %add3A_900 : i32 to index
        %get3A_915 = arith.constant 0 : index
        %get3A_916 = tpu.vector_load %arg12[%get3A_913, %get3A_914, %get3A_915] {strides = array<i32>} : memref<4x256x16xf32, #tpu.memory_space<vmem>>, vector<16xf32>,
        %mul3A_917 = vector.broadcast %squeeze3A_911 : f32 to vector<16xf32>
        %mul3A_918 = arith.mulf %mul3A_917, %get3A_916 : vector<16xf32>
        %add3A_919 = arith.addf %mul3A_909, %mul3A_918 : vector<16xf32>
        %slice3A_920 = vector.extract_strided_slice %get3A_332 {offsets = [12], sizes = [1], strides = [1]} : vector<16xf32> to vector<1xf32>
        %squeeze3A_921 = vector.extract %slice3A_920[0] : f32 from vector<1xf32>
        %get3A_922 = arith.constant 2 : i32
        %get3A_923 = arith.index_cast %get3A_922 : i32 to index
        %get3A_924 = arith.index_cast %add3A_900 : i32 to index
        %get3A_925 = arith.constant 0 : index
        %get3A_926 = tpu.vector_load %arg12[%get3A_923, %get3A_924, %get3A_925] {strides = array<i32>} : memref<4x256x16xf32, #tpu.memory_space<vmem>>, vector<16xf32>,
        %mul3A_927 = vector.broadcast %squeeze3A_921 : f32 to vector<16xf32>
        %mul3A_928 = arith.mulf %mul3A_927, %get3A_926 : vector<16xf32>
        %add3A_929 = arith.addf %add3A_919, %mul3A_928 : vector<16xf32>
        %slice3A_930 = vector.extract_strided_slice %get3A_336 {offsets = [12], sizes = [1], strides = [1]} : vector<16xf32> to vector<1xf32>
        %squeeze3A_931 = vector.extract %slice3A_930[0] : f32 from vector<1xf32>
        %get3A_932 = arith.constant 3 : i32
        %get3A_933 = arith.index_cast %get3A_932 : i32 to index
        %get3A_934 = arith.index_cast %add3A_900 : i32 to index
        %get3A_935 = arith.constant 0 : index
        %get3A_936 = tpu.vector_load %arg12[%get3A_933, %get3A_934, %get3A_935] {strides = array<i32>} : memref<4x256x16xf32, #tpu.memory_space<vmem>>, vector<16xf32>,
        %mul3A_937 = vector.broadcast %squeeze3A_931 : f32 to vector<16xf32>
        %mul3A_938 = arith.mulf %mul3A_937, %get3A_936 : vector<16xf32>
        %add3A_939 = arith.addf %add3A_929, %mul3A_938 : vector<16xf32>
        %swap3A_940 = arith.index_cast %add3A_900 : i32 to index
        %swap3A_941 = arith.constant 0 : index
        %swap3A_942 = tpu.vector_load %arg13[%swap3A_940, %swap3A_941] {strides = array<i32>} : memref<256x16xf32, #tpu.memory_space<vmem>>, vector<16xf32>,
        tpu.vector_store %arg13[%swap3A_940, %swap3A_941], %add3A_939 {strides = array<i32>} : memref<256x16xf32, #tpu.memory_space<vmem>>, vector<16xf32>,
        %add3A_943 = arith.constant 13 : i32
        %add3A_944 = arith.addi %mul3A_321, %add3A_943 : i32
        %slice3A_945 = vector.extract_strided_slice %get3A_324 {offsets = [13], sizes = [1], strides = [1]} : vector<16xf32> to vector<1xf32>
        %squeeze3A_946 = vector.extract %slice3A_945[0] : f32 from vector<1xf32>
        %get3A_947 = arith.constant 0 : i32
        %get3A_948 = arith.index_cast %get3A_947 : i32 to index
        %get3A_949 = arith.index_cast %add3A_944 : i32 to index
        %get3A_950 = arith.constant 0 : index
        %get3A_951 = tpu.vector_load %arg12[%get3A_948, %get3A_949, %get3A_950] {strides = array<i32>} : memref<4x256x16xf32, #tpu.memory_space<vmem>>, vector<16xf32>,
        %mul3A_952 = vector.broadcast %squeeze3A_946 : f32 to vector<16xf32>
        %mul3A_953 = arith.mulf %mul3A_952, %get3A_951 : vector<16xf32>
        %slice3A_954 = vector.extract_strided_slice %get3A_328 {offsets = [13], sizes = [1], strides = [1]} : vector<16xf32> to vector<1xf32>
        %squeeze3A_955 = vector.extract %slice3A_954[0] : f32 from vector<1xf32>
        %get3A_956 = arith.constant 1 : i32
        %get3A_957 = arith.index_cast %get3A_956 : i32 to index
        %get3A_958 = arith.index_cast %add3A_944 : i32 to index
        %get3A_959 = arith.constant 0 : index
        %get3A_960 = tpu.vector_load %arg12[%get3A_957, %get3A_958, %get3A_959] {strides = array<i32>} : memref<4x256x16xf32, #tpu.memory_space<vmem>>, vector<16xf32>,
        %mul3A_961 = vector.broadcast %squeeze3A_955 : f32 to vector<16xf32>
        %mul3A_962 = arith.mulf %mul3A_961, %get3A_960 : vector<16xf32>
        %add3A_963 = arith.addf %mul3A_953, %mul3A_962 : vector<16xf32>
        %slice3A_964 = vector.extract_strided_slice %get3A_332 {offsets = [13], sizes = [1], strides = [1]} : vector<16xf32> to vector<1xf32>
        %squeeze3A_965 = vector.extract %slice3A_964[0] : f32 from vector<1xf32>
        %get3A_966 = arith.constant 2 : i32
        %get3A_967 = arith.index_cast %get3A_966 : i32 to index
        %get3A_968 = arith.index_cast %add3A_944 : i32 to index
        %get3A_969 = arith.constant 0 : index
        %get3A_970 = tpu.vector_load %arg12[%get3A_967, %get3A_968, %get3A_969] {strides = array<i32>} : memref<4x256x16xf32, #tpu.memory_space<vmem>>, vector<16xf32>,
        %mul3A_971 = vector.broadcast %squeeze3A_965 : f32 to vector<16xf32>
        %mul3A_972 = arith.mulf %mul3A_971, %get3A_970 : vector<16xf32>
        %add3A_973 = arith.addf %add3A_963, %mul3A_972 : vector<16xf32>
        %slice3A_974 = vector.extract_strided_slice %get3A_336 {offsets = [13], sizes = [1], strides = [1]} : vector<16xf32> to vector<1xf32>
        %squeeze3A_975 = vector.extract %slice3A_974[0] : f32 from vector<1xf32>
        %get3A_976 = arith.constant 3 : i32
        %get3A_977 = arith.index_cast %get3A_976 : i32 to index
        %get3A_978 = arith.index_cast %add3A_944 : i32 to index
        %get3A_979 = arith.constant 0 : index
        %get3A_980 = tpu.vector_load %arg12[%get3A_977, %get3A_978, %get3A_979] {strides = array<i32>} : memref<4x256x16xf32, #tpu.memory_space<vmem>>, vector<16xf32>,
        %mul3A_981 = vector.broadcast %squeeze3A_975 : f32 to vector<16xf32>
        %mul3A_982 = arith.mulf %mul3A_981, %get3A_980 : vector<16xf32>
        %add3A_983 = arith.addf %add3A_973, %mul3A_982 : vector<16xf32>
        %swap3A_984 = arith.index_cast %add3A_944 : i32 to index
        %swap3A_985 = arith.constant 0 : index
        %swap3A_986 = tpu.vector_load %arg13[%swap3A_984, %swap3A_985] {strides = array<i32>} : memref<256x16xf32, #tpu.memory_space<vmem>>, vector<16xf32>,
        tpu.vector_store %arg13[%swap3A_984, %swap3A_985], %add3A_983 {strides = array<i32>} : memref<256x16xf32, #tpu.memory_space<vmem>>, vector<16xf32>,
        %add3A_987 = arith.constant 14 : i32
        %add3A_988 = arith.addi %mul3A_321, %add3A_987 : i32
        %slice3A_989 = vector.extract_strided_slice %get3A_324 {offsets = [14], sizes = [1], strides = [1]} : vector<16xf32> to vector<1xf32>
        %squeeze3A_990 = vector.extract %slice3A_989[0] : f32 from vector<1xf32>
        %get3A_991 = arith.constant 0 : i32
        %get3A_992 = arith.index_cast %get3A_991 : i32 to index
        %get3A_993 = arith.index_cast %add3A_988 : i32 to index
        %get3A_994 = arith.constant 0 : index
        %get3A_995 = tpu.vector_load %arg12[%get3A_992, %get3A_993, %get3A_994] {strides = array<i32>} : memref<4x256x16xf32, #tpu.memory_space<vmem>>, vector<16xf32>,
        %mul3A_996 = vector.broadcast %squeeze3A_990 : f32 to vector<16xf32>
        %mul3A_997 = arith.mulf %mul3A_996, %get3A_995 : vector<16xf32>
        %slice3A_998 = vector.extract_strided_slice %get3A_328 {offsets = [14], sizes = [1], strides = [1]} : vector<16xf32> to vector<1xf32>
        %squeeze3A_999 = vector.extract %slice3A_998[0] : f32 from vector<1xf32>
        %get3A_1000 = arith.constant 1 : i32
        %get3A_1001 = arith.index_cast %get3A_1000 : i32 to index
        %get3A_1002 = arith.index_cast %add3A_988 : i32 to index
        %get3A_1003 = arith.constant 0 : index
        %get3A_1004 = tpu.vector_load %arg12[%get3A_1001, %get3A_1002, %get3A_1003] {strides = array<i32>} : memref<4x256x16xf32, #tpu.memory_space<vmem>>, vector<16xf32>,
        %mul3A_1005 = vector.broadcast %squeeze3A_999 : f32 to vector<16xf32>
        %mul3A_1006 = arith.mulf %mul3A_1005, %get3A_1004 : vector<16xf32>
        %add3A_1007 = arith.addf %mul3A_997, %mul3A_1006 : vector<16xf32>
        %slice3A_1008 = vector.extract_strided_slice %get3A_332 {offsets = [14], sizes = [1], strides = [1]} : vector<16xf32> to vector<1xf32>
        %squeeze3A_1009 = vector.extract %slice3A_1008[0] : f32 from vector<1xf32>
        %get3A_1010 = arith.constant 2 : i32
        %get3A_1011 = arith.index_cast %get3A_1010 : i32 to index
        %get3A_1012 = arith.index_cast %add3A_988 : i32 to index
        %get3A_1013 = arith.constant 0 : index
        %get3A_1014 = tpu.vector_load %arg12[%get3A_1011, %get3A_1012, %get3A_1013] {strides = array<i32>} : memref<4x256x16xf32, #tpu.memory_space<vmem>>, vector<16xf32>,
        %mul3A_1015 = vector.broadcast %squeeze3A_1009 : f32 to vector<16xf32>
        %mul3A_1016 = arith.mulf %mul3A_1015, %get3A_1014 : vector<16xf32>
        %add3A_1017 = arith.addf %add3A_1007, %mul3A_1016 : vector<16xf32>
        %slice3A_1018 = vector.extract_strided_slice %get3A_336 {offsets = [14], sizes = [1], strides = [1]} : vector<16xf32> to vector<1xf32>
        %squeeze3A_1019 = vector.extract %slice3A_1018[0] : f32 from vector<1xf32>
        %get3A_1020 = arith.constant 3 : i32
        %get3A_1021 = arith.index_cast %get3A_1020 : i32 to index
        %get3A_1022 = arith.index_cast %add3A_988 : i32 to index
        %get3A_1023 = arith.constant 0 : index
        %get3A_1024 = tpu.vector_load %arg12[%get3A_1021, %get3A_1022, %get3A_1023] {strides = array<i32>} : memref<4x256x16xf32, #tpu.memory_space<vmem>>, vector<16xf32>,
        %mul3A_1025 = vector.broadcast %squeeze3A_1019 : f32 to vector<16xf32>
        %mul3A_1026 = arith.mulf %mul3A_1025, %get3A_1024 : vector<16xf32>
        %add3A_1027 = arith.addf %add3A_1017, %mul3A_1026 : vector<16xf32>
        %swap3A_1028 = arith.index_cast %add3A_988 : i32 to index
        %swap3A_1029 = arith.constant 0 : index
        %swap3A_1030 = tpu.vector_load %arg13[%swap3A_1028, %swap3A_1029] {strides = array<i32>} : memref<256x16xf32, #tpu.memory_space<vmem>>, vector<16xf32>,
        tpu.vector_store %arg13[%swap3A_1028, %swap3A_1029], %add3A_1027 {strides = array<i32>} : memref<256x16xf32, #tpu.memory_space<vmem>>, vector<16xf32>,
        %add3A_1031 = arith.constant 15 : i32
        %add3A_1032 = arith.addi %mul3A_321, %add3A_1031 : i32
        %slice3A_1033 = vector.extract_strided_slice %get3A_324 {offsets = [15], sizes = [1], strides = [1]} : vector<16xf32> to vector<1xf32>
        %squeeze3A_1034 = vector.extract %slice3A_1033[0] : f32 from vector<1xf32>
        %get3A_1035 = arith.constant 0 : i32
        %get3A_1036 = arith.index_cast %get3A_1035 : i32 to index
        %get3A_1037 = arith.index_cast %add3A_1032 : i32 to index
        %get3A_1038 = arith.constant 0 : index
        %get3A_1039 = tpu.vector_load %arg12[%get3A_1036, %get3A_1037, %get3A_1038] {strides = array<i32>} : memref<4x256x16xf32, #tpu.memory_space<vmem>>, vector<16xf32>,
        %mul3A_1040 = vector.broadcast %squeeze3A_1034 : f32 to vector<16xf32>
        %mul3A_1041 = arith.mulf %mul3A_1040, %get3A_1039 : vector<16xf32>
        %slice3A_1042 = vector.extract_strided_slice %get3A_328 {offsets = [15], sizes = [1], strides = [1]} : vector<16xf32> to vector<1xf32>
        %squeeze3A_1043 = vector.extract %slice3A_1042[0] : f32 from vector<1xf32>
        %get3A_1044 = arith.constant 1 : i32
        %get3A_1045 = arith.index_cast %get3A_1044 : i32 to index
        %get3A_1046 = arith.index_cast %add3A_1032 : i32 to index
        %get3A_1047 = arith.constant 0 : index
        %get3A_1048 = tpu.vector_load %arg12[%get3A_1045, %get3A_1046, %get3A_1047] {strides = array<i32>} : memref<4x256x16xf32, #tpu.memory_space<vmem>>, vector<16xf32>,
        %mul3A_1049 = vector.broadcast %squeeze3A_1043 : f32 to vector<16xf32>
        %mul3A_1050 = arith.mulf %mul3A_1049, %get3A_1048 : vector<16xf32>
        %add3A_1051 = arith.addf %mul3A_1041, %mul3A_1050 : vector<16xf32>
        %slice3A_1052 = vector.extract_strided_slice %get3A_332 {offsets = [15], sizes = [1], strides = [1]} : vector<16xf32> to vector<1xf32>
        %squeeze3A_1053 = vector.extract %slice3A_1052[0] : f32 from vector<1xf32>
        %get3A_1054 = arith.constant 2 : i32
        %get3A_1055 = arith.index_cast %get3A_1054 : i32 to index
        %get3A_1056 = arith.index_cast %add3A_1032 : i32 to index
        %get3A_1057 = arith.constant 0 : index
        %get3A_1058 = tpu.vector_load %arg12[%get3A_1055, %get3A_1056, %get3A_1057] {strides = array<i32>} : memref<4x256x16xf32, #tpu.memory_space<vmem>>, vector<16xf32>,
        %mul3A_1059 = vector.broadcast %squeeze3A_1053 : f32 to vector<16xf32>
        %mul3A_1060 = arith.mulf %mul3A_1059, %get3A_1058 : vector<16xf32>
        %add3A_1061 = arith.addf %add3A_1051, %mul3A_1060 : vector<16xf32>
        %slice3A_1062 = vector.extract_strided_slice %get3A_336 {offsets = [15], sizes = [1], strides = [1]} : vector<16xf32> to vector<1xf32>
        %squeeze3A_1063 = vector.extract %slice3A_1062[0] : f32 from vector<1xf32>
        %get3A_1064 = arith.constant 3 : i32
        %get3A_1065 = arith.index_cast %get3A_1064 : i32 to index
        %get3A_1066 = arith.index_cast %add3A_1032 : i32 to index
        %get3A_1067 = arith.constant 0 : index
        %get3A_1068 = tpu.vector_load %arg12[%get3A_1065, %get3A_1066, %get3A_1067] {strides = array<i32>} : memref<4x256x16xf32, #tpu.memory_space<vmem>>, vector<16xf32>,
        %mul3A_1069 = vector.broadcast %squeeze3A_1063 : f32 to vector<16xf32>
        %mul3A_1070 = arith.mulf %mul3A_1069, %get3A_1068 : vector<16xf32>
        %add3A_1071 = arith.addf %add3A_1061, %mul3A_1070 : vector<16xf32>
        %swap3A_1072 = arith.index_cast %add3A_1032 : i32 to index
        %swap3A_1073 = arith.constant 0 : index
        %swap3A_1074 = tpu.vector_load %arg13[%swap3A_1072, %swap3A_1073] {strides = array<i32>} : memref<256x16xf32, #tpu.memory_space<vmem>>, vector<16xf32>,
        tpu.vector_store %arg13[%swap3A_1072, %swap3A_1073], %add3A_1071 {strides = array<i32>} : memref<256x16xf32, #tpu.memory_space<vmem>>, vector<16xf32>,
      }
      %scan3A_317 = arith.constant 16 : i32
      %run_scoped3A = arith.constant 0 : i32
      "tpu.region"() ({
        %run_scoped3A_319 = tpu.sem_alloc : memref<!tpu.dma_semaphore, #tpu.memory_space<semaphore_mem>>
        %dma_start3A_320 = arith.constant 0 : i32
        %dma_start3A_321 = arith.constant 0 : i32
        %dma_start3A_322 = tpu.memref_slice %arg13[%dma_start3A_320, %dma_start3A_321] : memref<256x16xf32, #tpu.memory_space<vmem>> -> memref<128x16xf32, #tpu.memory_space<vmem>>
        %dma_start3A_323 = arith.constant 0 : i32
        %dma_start3A_324 = tpu.memref_slice %arg11[%run_scoped3A, %dma_start3A_323] : memref<2x128xi32, #tpu.memory_space<vmem>> -> memref<1x128xi32, #tpu.memory_space<vmem>>
        %dma_start3A_325 = tpu.memref_squeeze %dma_start3A_324 : memref<1x128xi32, #tpu.memory_space<vmem>> -> memref<128xi32, #tpu.memory_space<vmem>>
        %dma_start3A_326 = arith.constant 0 : i32
        %dma_start3A_327 = arith.constant 0 : i32
        %dma_start3A_328 = tpu.memref_slice %arg16[%dma_start3A_326, %dma_start3A_327] : memref<50008x16xf32, #tpu.memory_space<vmem_shared>> -> memref<50008x16xf32, #tpu.memory_space<vmem_shared>>
        tpu.enqueue_indirect_dma source(%dma_start3A_322 : memref<128x16xf32, #tpu.memory_space<vmem>>) target(%dma_start3A_328 : memref<50008x16xf32, #tpu.memory_space<vmem_shared>>) offsets(%dma_start3A_325 : memref<128xi32, #tpu.memory_space<vmem>>) semaphore(%run_scoped3A_319 : memref<!tpu.dma_semaphore, #tpu.memory_space<semaphore_mem>>) {add = true}
        %dma_wait3A_329 = arith.constant 0 : i32
        %dma_wait3A_330 = arith.constant 0 : i32
        %dma_wait3A_331 = tpu.memref_slice %arg13[%dma_wait3A_329, %dma_wait3A_330] : memref<256x16xf32, #tpu.memory_space<vmem>> -> memref<128x16xf32, #tpu.memory_space<vmem>>
        %dma_wait3A_332 = arith.constant 0 : i32
        %dma_wait3A_333 = tpu.memref_slice %arg11[%run_scoped3A, %dma_wait3A_332] : memref<2x128xi32, #tpu.memory_space<vmem>> -> memref<1x128xi32, #tpu.memory_space<vmem>>
        %dma_wait3A_334 = tpu.memref_squeeze %dma_wait3A_333 : memref<1x128xi32, #tpu.memory_space<vmem>> -> memref<128xi32, #tpu.memory_space<vmem>>
        %dma_wait3A_335 = arith.constant 0 : i32
        %dma_wait3A_336 = arith.constant 0 : i32
        %dma_wait3A_337 = tpu.memref_slice %arg16[%dma_wait3A_335, %dma_wait3A_336] : memref<50008x16xf32, #tpu.memory_space<vmem_shared>> -> memref<50008x16xf32, #tpu.memory_space<vmem_shared>>
        tpu.wait_indirect_dma semaphore(%run_scoped3A_319 : memref<!tpu.dma_semaphore, #tpu.memory_space<semaphore_mem>>) src(%dma_wait3A_331 : memref<128x16xf32, #tpu.memory_space<vmem>>) dst(%dma_wait3A_337 : memref<50008x16xf32, #tpu.memory_space<vmem_shared>>)
        tpu.yield
      }) : () -> ()
      %run_scoped3A_318 = arith.constant 1 : i32
      "tpu.region"() ({
        %run_scoped3A_319 = tpu.sem_alloc : memref<!tpu.dma_semaphore, #tpu.memory_space<semaphore_mem>>
        %dma_start3A_320 = arith.constant 128 : i32
        %dma_start3A_321 = arith.constant 0 : i32
        %dma_start3A_322 = tpu.memref_slice %arg13[%dma_start3A_320, %dma_start3A_321] : memref<256x16xf32, #tpu.memory_space<vmem>> -> memref<128x16xf32, #tpu.memory_space<vmem>>
        %dma_start3A_323 = arith.constant 0 : i32
        %dma_start3A_324 = tpu.memref_slice %arg11[%run_scoped3A_318, %dma_start3A_323] : memref<2x128xi32, #tpu.memory_space<vmem>> -> memref<1x128xi32, #tpu.memory_space<vmem>>
        %dma_start3A_325 = tpu.memref_squeeze %dma_start3A_324 : memref<1x128xi32, #tpu.memory_space<vmem>> -> memref<128xi32, #tpu.memory_space<vmem>>
        %dma_start3A_326 = arith.constant 0 : i32
        %dma_start3A_327 = arith.constant 0 : i32
        %dma_start3A_328 = tpu.memref_slice %arg16[%dma_start3A_326, %dma_start3A_327] : memref<50008x16xf32, #tpu.memory_space<vmem_shared>> -> memref<50008x16xf32, #tpu.memory_space<vmem_shared>>
        tpu.enqueue_indirect_dma source(%dma_start3A_322 : memref<128x16xf32, #tpu.memory_space<vmem>>) target(%dma_start3A_328 : memref<50008x16xf32, #tpu.memory_space<vmem_shared>>) offsets(%dma_start3A_325 : memref<128xi32, #tpu.memory_space<vmem>>) semaphore(%run_scoped3A_319 : memref<!tpu.dma_semaphore, #tpu.memory_space<semaphore_mem>>) {add = true}
        %dma_wait3A_329 = arith.constant 128 : i32
        %dma_wait3A_330 = arith.constant 0 : i32
        %dma_wait3A_331 = tpu.memref_slice %arg13[%dma_wait3A_329, %dma_wait3A_330] : memref<256x16xf32, #tpu.memory_space<vmem>> -> memref<128x16xf32, #tpu.memory_space<vmem>>
        %dma_wait3A_332 = arith.constant 0 : i32
        %dma_wait3A_333 = tpu.memref_slice %arg11[%run_scoped3A_318, %dma_wait3A_332] : memref<2x128xi32, #tpu.memory_space<vmem>> -> memref<1x128xi32, #tpu.memory_space<vmem>>
        %dma_wait3A_334 = tpu.memref_squeeze %dma_wait3A_333 : memref<1x128xi32, #tpu.memory_space<vmem>> -> memref<128xi32, #tpu.memory_space<vmem>>
        %dma_wait3A_335 = arith.constant 0 : i32
        %dma_wait3A_336 = arith.constant 0 : i32
        %dma_wait3A_337 = tpu.memref_slice %arg16[%dma_wait3A_335, %dma_wait3A_336] : memref<50008x16xf32, #tpu.memory_space<vmem_shared>> -> memref<50008x16xf32, #tpu.memory_space<vmem_shared>>
        tpu.wait_indirect_dma semaphore(%run_scoped3A_319 : memref<!tpu.dma_semaphore, #tpu.memory_space<semaphore_mem>>) src(%dma_wait3A_331 : memref<128x16xf32, #tpu.memory_space<vmem>>) dst(%dma_wait3A_337 : memref<50008x16xf32, #tpu.memory_space<vmem_shared>>)
        tpu.yield
      }) : () -> ()
    }
    %scan3A_56 = arith.constant 196 : i32
    %barrier3A_57 = arith.constant 0 : index
    tpu.barrier barrier_id(%barrier3A_57)
    %add3A_58 = arith.constant 0 : i32
    %add3A_59 = arith.addi %add3A_58, %arg1 : i32
    %mul3A_60 = arith.constant 400 : i32
    %mul3A_61 = arith.muli %add3A_59, %mul3A_60 : i32
    %multiple_of3A_62 = tpu.assume_multiple %mul3A_61, 8 : i32
    "tpu.region"() ({
      %run_scoped3A = tpu.sem_alloc : memref<!tpu.dma_semaphore, #tpu.memory_space<semaphore_mem>>
      %dma_start3A = arith.constant 0 : i32
      %dma_start3A_104 = tpu.memref_slice %arg16[%multiple_of3A_62, %dma_start3A] : memref<50008x16xf32, #tpu.memory_space<vmem_shared>> -> memref<400x16xf32, #tpu.memory_space<vmem_shared>>
      %dma_start3A_105 = arith.constant 0 : i32
      %dma_start3A_106 = tpu.memref_slice %arg16[%multiple_of3A_62, %dma_start3A_105] : memref<50008x16xf32, #tpu.memory_space<vmem_shared>> -> memref<400x16xf32, #tpu.memory_space<vmem_shared>>
      tpu.enqueue_dma source(%dma_start3A_106 : memref<400x16xf32, #tpu.memory_space<vmem_shared>>) target(%arg15 : memref<400x16xf32, #tpu.memory_space<vmem>>) target_semaphore(%run_scoped3A : memref<!tpu.dma_semaphore, #tpu.memory_space<semaphore_mem>>)
      %dma_wait3A = arith.constant 0 : i32
      %dma_wait3A_107 = tpu.memref_slice %arg16[%multiple_of3A_62, %dma_wait3A] : memref<50008x16xf32, #tpu.memory_space<vmem_shared>> -> memref<400x16xf32, #tpu.memory_space<vmem_shared>>
      %dma_wait3A_108 = arith.constant 0 : i32
      %dma_wait3A_109 = tpu.memref_slice %arg16[%multiple_of3A_62, %dma_wait3A_108] : memref<50008x16xf32, #tpu.memory_space<vmem_shared>> -> memref<400x16xf32, #tpu.memory_space<vmem_shared>>
      tpu.wait_dma2 semaphore(%run_scoped3A : memref<!tpu.dma_semaphore, #tpu.memory_space<semaphore_mem>>) src(%dma_wait3A_109 : memref<400x16xf32, #tpu.memory_space<vmem_shared>>) dst(%arg15 : memref<400x16xf32, #tpu.memory_space<vmem>>)
      tpu.yield
    }) : () -> ()
    "tpu.region"() ({
      %run_scoped3A = tpu.sem_alloc : memref<!tpu.dma_semaphore, #tpu.memory_space<semaphore_mem>>
      %dma_start3A = arith.constant 0 : i32
      %dma_start3A_104 = tpu.memref_slice %arg7[%arg0, %multiple_of3A_62, %dma_start3A] : memref<2x50000x16xf32, #tpu.memory_space<hbm>> -> memref<1x400x16xf32, #tpu.memory_space<hbm>>
      %dma_start3A_105 = tpu.memref_squeeze %dma_start3A_104 : memref<1x400x16xf32, #tpu.memory_space<hbm>> -> memref<400x16xf32, #tpu.memory_space<hbm>>
      %dma_start3A_106 = arith.constant 0 : i32
      %dma_start3A_107 = tpu.memref_slice %arg7[%arg0, %multiple_of3A_62, %dma_start3A_106] : memref<2x50000x16xf32, #tpu.memory_space<hbm>> -> memref<1x400x16xf32, #tpu.memory_space<hbm>>
      %dma_start3A_108 = tpu.memref_squeeze %dma_start3A_107 : memref<1x400x16xf32, #tpu.memory_space<hbm>> -> memref<400x16xf32, #tpu.memory_space<hbm>>
      tpu.enqueue_dma source(%arg15 : memref<400x16xf32, #tpu.memory_space<vmem>>) target(%dma_start3A_108 : memref<400x16xf32, #tpu.memory_space<hbm>>) target_semaphore(%run_scoped3A : memref<!tpu.dma_semaphore, #tpu.memory_space<semaphore_mem>>)
      %dma_wait3A = arith.constant 0 : i32
      %dma_wait3A_109 = tpu.memref_slice %arg7[%arg0, %multiple_of3A_62, %dma_wait3A] : memref<2x50000x16xf32, #tpu.memory_space<hbm>> -> memref<1x400x16xf32, #tpu.memory_space<hbm>>
      %dma_wait3A_110 = tpu.memref_squeeze %dma_wait3A_109 : memref<1x400x16xf32, #tpu.memory_space<hbm>> -> memref<400x16xf32, #tpu.memory_space<hbm>>
      %dma_wait3A_111 = arith.constant 0 : i32
      %dma_wait3A_112 = tpu.memref_slice %arg7[%arg0, %multiple_of3A_62, %dma_wait3A_111] : memref<2x50000x16xf32, #tpu.memory_space<hbm>> -> memref<1x400x16xf32, #tpu.memory_space<hbm>>
      %dma_wait3A_113 = tpu.memref_squeeze %dma_wait3A_112 : memref<1x400x16xf32, #tpu.memory_space<hbm>> -> memref<400x16xf32, #tpu.memory_space<hbm>>
      tpu.wait_dma2 semaphore(%run_scoped3A : memref<!tpu.dma_semaphore, #tpu.memory_space<semaphore_mem>>) src(%arg15 : memref<400x16xf32, #tpu.memory_space<vmem>>) dst(%dma_wait3A_113 : memref<400x16xf32, #tpu.memory_space<hbm>>)
      tpu.yield
    }) : () -> ()
    %add3A_63 = arith.constant 16 : i32
    %add3A_64 = arith.addi %add3A_63, %arg1 : i32
    %mul3A_65 = arith.constant 400 : i32
    %mul3A_66 = arith.muli %add3A_64, %mul3A_65 : i32
    %multiple_of3A_67 = tpu.assume_multiple %mul3A_66, 8 : i32
    "tpu.region"() ({
      %run_scoped3A = tpu.sem_alloc : memref<!tpu.dma_semaphore, #tpu.memory_space<semaphore_mem>>
      %dma_start3A = arith.constant 0 : i32
      %dma_start3A_104 = tpu.memref_slice %arg16[%multiple_of3A_67, %dma_start3A] : memref<50008x16xf32, #tpu.memory_space<vmem_shared>> -> memref<400x16xf32, #tpu.memory_space<vmem_shared>>
      %dma_start3A_105 = arith.constant 0 : i32
      %dma_start3A_106 = tpu.memref_slice %arg16[%multiple_of3A_67, %dma_start3A_105] : memref<50008x16xf32, #tpu.memory_space<vmem_shared>> -> memref<400x16xf32, #tpu.memory_space<vmem_shared>>
      tpu.enqueue_dma source(%dma_start3A_106 : memref<400x16xf32, #tpu.memory_space<vmem_shared>>) target(%arg15 : memref<400x16xf32, #tpu.memory_space<vmem>>) target_semaphore(%run_scoped3A : memref<!tpu.dma_semaphore, #tpu.memory_space<semaphore_mem>>)
      %dma_wait3A = arith.constant 0 : i32
      %dma_wait3A_107 = tpu.memref_slice %arg16[%multiple_of3A_67, %dma_wait3A] : memref<50008x16xf32, #tpu.memory_space<vmem_shared>> -> memref<400x16xf32, #tpu.memory_space<vmem_shared>>
      %dma_wait3A_108 = arith.constant 0 : i32
      %dma_wait3A_109 = tpu.memref_slice %arg16[%multiple_of3A_67, %dma_wait3A_108] : memref<50008x16xf32, #tpu.memory_space<vmem_shared>> -> memref<400x16xf32, #tpu.memory_space<vmem_shared>>
      tpu.wait_dma2 semaphore(%run_scoped3A : memref<!tpu.dma_semaphore, #tpu.memory_space<semaphore_mem>>) src(%dma_wait3A_109 : memref<400x16xf32, #tpu.memory_space<vmem_shared>>) dst(%arg15 : memref<400x16xf32, #tpu.memory_space<vmem>>)
      tpu.yield
    }) : () -> ()
    "tpu.region"() ({
      %run_scoped3A = tpu.sem_alloc : memref<!tpu.dma_semaphore, #tpu.memory_space<semaphore_mem>>
      %dma_start3A = arith.constant 0 : i32
      %dma_start3A_104 = tpu.memref_slice %arg7[%arg0, %multiple_of3A_67, %dma_start3A] : memref<2x50000x16xf32, #tpu.memory_space<hbm>> -> memref<1x400x16xf32, #tpu.memory_space<hbm>>
      %dma_start3A_105 = tpu.memref_squeeze %dma_start3A_104 : memref<1x400x16xf32, #tpu.memory_space<hbm>> -> memref<400x16xf32, #tpu.memory_space<hbm>>
      %dma_start3A_106 = arith.constant 0 : i32
      %dma_start3A_107 = tpu.memref_slice %arg7[%arg0, %multiple_of3A_67, %dma_start3A_106] : memref<2x50000x16xf32, #tpu.memory_space<hbm>> -> memref<1x400x16xf32, #tpu.memory_space<hbm>>
      %dma_start3A_108 = tpu.memref_squeeze %dma_start3A_107 : memref<1x400x16xf32, #tpu.memory_space<hbm>> -> memref<400x16xf32, #tpu.memory_space<hbm>>
      tpu.enqueue_dma source(%arg15 : memref<400x16xf32, #tpu.memory_space<vmem>>) target(%dma_start3A_108 : memref<400x16xf32, #tpu.memory_space<hbm>>) target_semaphore(%run_scoped3A : memref<!tpu.dma_semaphore, #tpu.memory_space<semaphore_mem>>)
      %dma_wait3A = arith.constant 0 : i32
      %dma_wait3A_109 = tpu.memref_slice %arg7[%arg0, %multiple_of3A_67, %dma_wait3A] : memref<2x50000x16xf32, #tpu.memory_space<hbm>> -> memref<1x400x16xf32, #tpu.memory_space<hbm>>
      %dma_wait3A_110 = tpu.memref_squeeze %dma_wait3A_109 : memref<1x400x16xf32, #tpu.memory_space<hbm>> -> memref<400x16xf32, #tpu.memory_space<hbm>>
      %dma_wait3A_111 = arith.constant 0 : i32
      %dma_wait3A_112 = tpu.memref_slice %arg7[%arg0, %multiple_of3A_67, %dma_wait3A_111] : memref<2x50000x16xf32, #tpu.memory_space<hbm>> -> memref<1x400x16xf32, #tpu.memory_space<hbm>>
      %dma_wait3A_113 = tpu.memref_squeeze %dma_wait3A_112 : memref<1x400x16xf32, #tpu.memory_space<hbm>> -> memref<400x16xf32, #tpu.memory_space<hbm>>
      tpu.wait_dma2 semaphore(%run_scoped3A : memref<!tpu.dma_semaphore, #tpu.memory_space<semaphore_mem>>) src(%arg15 : memref<400x16xf32, #tpu.memory_space<vmem>>) dst(%dma_wait3A_113 : memref<400x16xf32, #tpu.memory_space<hbm>>)
      tpu.yield
    }) : () -> ()
    %add3A_68 = arith.constant 32 : i32
    %add3A_69 = arith.addi %add3A_68, %arg1 : i32
    %mul3A_70 = arith.constant 400 : i32
    %mul3A_71 = arith.muli %add3A_69, %mul3A_70 : i32
    %multiple_of3A_72 = tpu.assume_multiple %mul3A_71, 8 : i32
    "tpu.region"() ({
      %run_scoped3A = tpu.sem_alloc : memref<!tpu.dma_semaphore, #tpu.memory_space<semaphore_mem>>
      %dma_start3A = arith.constant 0 : i32
      %dma_start3A_104 = tpu.memref_slice %arg16[%multiple_of3A_72, %dma_start3A] : memref<50008x16xf32, #tpu.memory_space<vmem_shared>> -> memref<400x16xf32, #tpu.memory_space<vmem_shared>>
      %dma_start3A_105 = arith.constant 0 : i32
      %dma_start3A_106 = tpu.memref_slice %arg16[%multiple_of3A_72, %dma_start3A_105] : memref<50008x16xf32, #tpu.memory_space<vmem_shared>> -> memref<400x16xf32, #tpu.memory_space<vmem_shared>>
      tpu.enqueue_dma source(%dma_start3A_106 : memref<400x16xf32, #tpu.memory_space<vmem_shared>>) target(%arg15 : memref<400x16xf32, #tpu.memory_space<vmem>>) target_semaphore(%run_scoped3A : memref<!tpu.dma_semaphore, #tpu.memory_space<semaphore_mem>>)
      %dma_wait3A = arith.constant 0 : i32
      %dma_wait3A_107 = tpu.memref_slice %arg16[%multiple_of3A_72, %dma_wait3A] : memref<50008x16xf32, #tpu.memory_space<vmem_shared>> -> memref<400x16xf32, #tpu.memory_space<vmem_shared>>
      %dma_wait3A_108 = arith.constant 0 : i32
      %dma_wait3A_109 = tpu.memref_slice %arg16[%multiple_of3A_72, %dma_wait3A_108] : memref<50008x16xf32, #tpu.memory_space<vmem_shared>> -> memref<400x16xf32, #tpu.memory_space<vmem_shared>>
      tpu.wait_dma2 semaphore(%run_scoped3A : memref<!tpu.dma_semaphore, #tpu.memory_space<semaphore_mem>>) src(%dma_wait3A_109 : memref<400x16xf32, #tpu.memory_space<vmem_shared>>) dst(%arg15 : memref<400x16xf32, #tpu.memory_space<vmem>>)
      tpu.yield
    }) : () -> ()
    "tpu.region"() ({
      %run_scoped3A = tpu.sem_alloc : memref<!tpu.dma_semaphore, #tpu.memory_space<semaphore_mem>>
      %dma_start3A = arith.constant 0 : i32
      %dma_start3A_104 = tpu.memref_slice %arg7[%arg0, %multiple_of3A_72, %dma_start3A] : memref<2x50000x16xf32, #tpu.memory_space<hbm>> -> memref<1x400x16xf32, #tpu.memory_space<hbm>>
      %dma_start3A_105 = tpu.memref_squeeze %dma_start3A_104 : memref<1x400x16xf32, #tpu.memory_space<hbm>> -> memref<400x16xf32, #tpu.memory_space<hbm>>
      %dma_start3A_106 = arith.constant 0 : i32
      %dma_start3A_107 = tpu.memref_slice %arg7[%arg0, %multiple_of3A_72, %dma_start3A_106] : memref<2x50000x16xf32, #tpu.memory_space<hbm>> -> memref<1x400x16xf32, #tpu.memory_space<hbm>>
      %dma_start3A_108 = tpu.memref_squeeze %dma_start3A_107 : memref<1x400x16xf32, #tpu.memory_space<hbm>> -> memref<400x16xf32, #tpu.memory_space<hbm>>
      tpu.enqueue_dma source(%arg15 : memref<400x16xf32, #tpu.memory_space<vmem>>) target(%dma_start3A_108 : memref<400x16xf32, #tpu.memory_space<hbm>>) target_semaphore(%run_scoped3A : memref<!tpu.dma_semaphore, #tpu.memory_space<semaphore_mem>>)
      %dma_wait3A = arith.constant 0 : i32
      %dma_wait3A_109 = tpu.memref_slice %arg7[%arg0, %multiple_of3A_72, %dma_wait3A] : memref<2x50000x16xf32, #tpu.memory_space<hbm>> -> memref<1x400x16xf32, #tpu.memory_space<hbm>>
      %dma_wait3A_110 = tpu.memref_squeeze %dma_wait3A_109 : memref<1x400x16xf32, #tpu.memory_space<hbm>> -> memref<400x16xf32, #tpu.memory_space<hbm>>
      %dma_wait3A_111 = arith.constant 0 : i32
      %dma_wait3A_112 = tpu.memref_slice %arg7[%arg0, %multiple_of3A_72, %dma_wait3A_111] : memref<2x50000x16xf32, #tpu.memory_space<hbm>> -> memref<1x400x16xf32, #tpu.memory_space<hbm>>
      %dma_wait3A_113 = tpu.memref_squeeze %dma_wait3A_112 : memref<1x400x16xf32, #tpu.memory_space<hbm>> -> memref<400x16xf32, #tpu.memory_space<hbm>>
      tpu.wait_dma2 semaphore(%run_scoped3A : memref<!tpu.dma_semaphore, #tpu.memory_space<semaphore_mem>>) src(%arg15 : memref<400x16xf32, #tpu.memory_space<vmem>>) dst(%dma_wait3A_113 : memref<400x16xf32, #tpu.memory_space<hbm>>)
      tpu.yield
    }) : () -> ()
    %add3A_73 = arith.constant 48 : i32
    %add3A_74 = arith.addi %add3A_73, %arg1 : i32
    %mul3A_75 = arith.constant 400 : i32
    %mul3A_76 = arith.muli %add3A_74, %mul3A_75 : i32
    %multiple_of3A_77 = tpu.assume_multiple %mul3A_76, 8 : i32
    "tpu.region"() ({
      %run_scoped3A = tpu.sem_alloc : memref<!tpu.dma_semaphore, #tpu.memory_space<semaphore_mem>>
      %dma_start3A = arith.constant 0 : i32
      %dma_start3A_104 = tpu.memref_slice %arg16[%multiple_of3A_77, %dma_start3A] : memref<50008x16xf32, #tpu.memory_space<vmem_shared>> -> memref<400x16xf32, #tpu.memory_space<vmem_shared>>
      %dma_start3A_105 = arith.constant 0 : i32
      %dma_start3A_106 = tpu.memref_slice %arg16[%multiple_of3A_77, %dma_start3A_105] : memref<50008x16xf32, #tpu.memory_space<vmem_shared>> -> memref<400x16xf32, #tpu.memory_space<vmem_shared>>
      tpu.enqueue_dma source(%dma_start3A_106 : memref<400x16xf32, #tpu.memory_space<vmem_shared>>) target(%arg15 : memref<400x16xf32, #tpu.memory_space<vmem>>) target_semaphore(%run_scoped3A : memref<!tpu.dma_semaphore, #tpu.memory_space<semaphore_mem>>)
      %dma_wait3A = arith.constant 0 : i32
      %dma_wait3A_107 = tpu.memref_slice %arg16[%multiple_of3A_77, %dma_wait3A] : memref<50008x16xf32, #tpu.memory_space<vmem_shared>> -> memref<400x16xf32, #tpu.memory_space<vmem_shared>>
      %dma_wait3A_108 = arith.constant 0 : i32
      %dma_wait3A_109 = tpu.memref_slice %arg16[%multiple_of3A_77, %dma_wait3A_108] : memref<50008x16xf32, #tpu.memory_space<vmem_shared>> -> memref<400x16xf32, #tpu.memory_space<vmem_shared>>
      tpu.wait_dma2 semaphore(%run_scoped3A : memref<!tpu.dma_semaphore, #tpu.memory_space<semaphore_mem>>) src(%dma_wait3A_109 : memref<400x16xf32, #tpu.memory_space<vmem_shared>>) dst(%arg15 : memref<400x16xf32, #tpu.memory_space<vmem>>)
      tpu.yield
    }) : () -> ()
    "tpu.region"() ({
      %run_scoped3A = tpu.sem_alloc : memref<!tpu.dma_semaphore, #tpu.memory_space<semaphore_mem>>
      %dma_start3A = arith.constant 0 : i32
      %dma_start3A_104 = tpu.memref_slice %arg7[%arg0, %multiple_of3A_77, %dma_start3A] : memref<2x50000x16xf32, #tpu.memory_space<hbm>> -> memref<1x400x16xf32, #tpu.memory_space<hbm>>
      %dma_start3A_105 = tpu.memref_squeeze %dma_start3A_104 : memref<1x400x16xf32, #tpu.memory_space<hbm>> -> memref<400x16xf32, #tpu.memory_space<hbm>>
      %dma_start3A_106 = arith.constant 0 : i32
      %dma_start3A_107 = tpu.memref_slice %arg7[%arg0, %multiple_of3A_77, %dma_start3A_106] : memref<2x50000x16xf32, #tpu.memory_space<hbm>> -> memref<1x400x16xf32, #tpu.memory_space<hbm>>
      %dma_start3A_108 = tpu.memref_squeeze %dma_start3A_107 : memref<1x400x16xf32, #tpu.memory_space<hbm>> -> memref<400x16xf32, #tpu.memory_space<hbm>>
      tpu.enqueue_dma source(%arg15 : memref<400x16xf32, #tpu.memory_space<vmem>>) target(%dma_start3A_108 : memref<400x16xf32, #tpu.memory_space<hbm>>) target_semaphore(%run_scoped3A : memref<!tpu.dma_semaphore, #tpu.memory_space<semaphore_mem>>)
      %dma_wait3A = arith.constant 0 : i32
      %dma_wait3A_109 = tpu.memref_slice %arg7[%arg0, %multiple_of3A_77, %dma_wait3A] : memref<2x50000x16xf32, #tpu.memory_space<hbm>> -> memref<1x400x16xf32, #tpu.memory_space<hbm>>
      %dma_wait3A_110 = tpu.memref_squeeze %dma_wait3A_109 : memref<1x400x16xf32, #tpu.memory_space<hbm>> -> memref<400x16xf32, #tpu.memory_space<hbm>>
      %dma_wait3A_111 = arith.constant 0 : i32
      %dma_wait3A_112 = tpu.memref_slice %arg7[%arg0, %multiple_of3A_77, %dma_wait3A_111] : memref<2x50000x16xf32, #tpu.memory_space<hbm>> -> memref<1x400x16xf32, #tpu.memory_space<hbm>>
      %dma_wait3A_113 = tpu.memref_squeeze %dma_wait3A_112 : memref<1x400x16xf32, #tpu.memory_space<hbm>> -> memref<400x16xf32, #tpu.memory_space<hbm>>
      tpu.wait_dma2 semaphore(%run_scoped3A : memref<!tpu.dma_semaphore, #tpu.memory_space<semaphore_mem>>) src(%arg15 : memref<400x16xf32, #tpu.memory_space<vmem>>) dst(%dma_wait3A_113 : memref<400x16xf32, #tpu.memory_space<hbm>>)
      tpu.yield
    }) : () -> ()
    %add3A_78 = arith.constant 64 : i32
    %add3A_79 = arith.addi %add3A_78, %arg1 : i32
    %mul3A_80 = arith.constant 400 : i32
    %mul3A_81 = arith.muli %add3A_79, %mul3A_80 : i32
    %multiple_of3A_82 = tpu.assume_multiple %mul3A_81, 8 : i32
    "tpu.region"() ({
      %run_scoped3A = tpu.sem_alloc : memref<!tpu.dma_semaphore, #tpu.memory_space<semaphore_mem>>
      %dma_start3A = arith.constant 0 : i32
      %dma_start3A_104 = tpu.memref_slice %arg16[%multiple_of3A_82, %dma_start3A] : memref<50008x16xf32, #tpu.memory_space<vmem_shared>> -> memref<400x16xf32, #tpu.memory_space<vmem_shared>>
      %dma_start3A_105 = arith.constant 0 : i32
      %dma_start3A_106 = tpu.memref_slice %arg16[%multiple_of3A_82, %dma_start3A_105] : memref<50008x16xf32, #tpu.memory_space<vmem_shared>> -> memref<400x16xf32, #tpu.memory_space<vmem_shared>>
      tpu.enqueue_dma source(%dma_start3A_106 : memref<400x16xf32, #tpu.memory_space<vmem_shared>>) target(%arg15 : memref<400x16xf32, #tpu.memory_space<vmem>>) target_semaphore(%run_scoped3A : memref<!tpu.dma_semaphore, #tpu.memory_space<semaphore_mem>>)
      %dma_wait3A = arith.constant 0 : i32
      %dma_wait3A_107 = tpu.memref_slice %arg16[%multiple_of3A_82, %dma_wait3A] : memref<50008x16xf32, #tpu.memory_space<vmem_shared>> -> memref<400x16xf32, #tpu.memory_space<vmem_shared>>
      %dma_wait3A_108 = arith.constant 0 : i32
      %dma_wait3A_109 = tpu.memref_slice %arg16[%multiple_of3A_82, %dma_wait3A_108] : memref<50008x16xf32, #tpu.memory_space<vmem_shared>> -> memref<400x16xf32, #tpu.memory_space<vmem_shared>>
      tpu.wait_dma2 semaphore(%run_scoped3A : memref<!tpu.dma_semaphore, #tpu.memory_space<semaphore_mem>>) src(%dma_wait3A_109 : memref<400x16xf32, #tpu.memory_space<vmem_shared>>) dst(%arg15 : memref<400x16xf32, #tpu.memory_space<vmem>>)
      tpu.yield
    }) : () -> ()
    "tpu.region"() ({
      %run_scoped3A = tpu.sem_alloc : memref<!tpu.dma_semaphore, #tpu.memory_space<semaphore_mem>>
      %dma_start3A = arith.constant 0 : i32
      %dma_start3A_104 = tpu.memref_slice %arg7[%arg0, %multiple_of3A_82, %dma_start3A] : memref<2x50000x16xf32, #tpu.memory_space<hbm>> -> memref<1x400x16xf32, #tpu.memory_space<hbm>>
      %dma_start3A_105 = tpu.memref_squeeze %dma_start3A_104 : memref<1x400x16xf32, #tpu.memory_space<hbm>> -> memref<400x16xf32, #tpu.memory_space<hbm>>
      %dma_start3A_106 = arith.constant 0 : i32
      %dma_start3A_107 = tpu.memref_slice %arg7[%arg0, %multiple_of3A_82, %dma_start3A_106] : memref<2x50000x16xf32, #tpu.memory_space<hbm>> -> memref<1x400x16xf32, #tpu.memory_space<hbm>>
      %dma_start3A_108 = tpu.memref_squeeze %dma_start3A_107 : memref<1x400x16xf32, #tpu.memory_space<hbm>> -> memref<400x16xf32, #tpu.memory_space<hbm>>
      tpu.enqueue_dma source(%arg15 : memref<400x16xf32, #tpu.memory_space<vmem>>) target(%dma_start3A_108 : memref<400x16xf32, #tpu.memory_space<hbm>>) target_semaphore(%run_scoped3A : memref<!tpu.dma_semaphore, #tpu.memory_space<semaphore_mem>>)
      %dma_wait3A = arith.constant 0 : i32
      %dma_wait3A_109 = tpu.memref_slice %arg7[%arg0, %multiple_of3A_82, %dma_wait3A] : memref<2x50000x16xf32, #tpu.memory_space<hbm>> -> memref<1x400x16xf32, #tpu.memory_space<hbm>>
      %dma_wait3A_110 = tpu.memref_squeeze %dma_wait3A_109 : memref<1x400x16xf32, #tpu.memory_space<hbm>> -> memref<400x16xf32, #tpu.memory_space<hbm>>
      %dma_wait3A_111 = arith.constant 0 : i32
      %dma_wait3A_112 = tpu.memref_slice %arg7[%arg0, %multiple_of3A_82, %dma_wait3A_111] : memref<2x50000x16xf32, #tpu.memory_space<hbm>> -> memref<1x400x16xf32, #tpu.memory_space<hbm>>
      %dma_wait3A_113 = tpu.memref_squeeze %dma_wait3A_112 : memref<1x400x16xf32, #tpu.memory_space<hbm>> -> memref<400x16xf32, #tpu.memory_space<hbm>>
      tpu.wait_dma2 semaphore(%run_scoped3A : memref<!tpu.dma_semaphore, #tpu.memory_space<semaphore_mem>>) src(%arg15 : memref<400x16xf32, #tpu.memory_space<vmem>>) dst(%dma_wait3A_113 : memref<400x16xf32, #tpu.memory_space<hbm>>)
      tpu.yield
    }) : () -> ()
    %add3A_83 = arith.constant 80 : i32
    %add3A_84 = arith.addi %add3A_83, %arg1 : i32
    %mul3A_85 = arith.constant 400 : i32
    %mul3A_86 = arith.muli %add3A_84, %mul3A_85 : i32
    %multiple_of3A_87 = tpu.assume_multiple %mul3A_86, 8 : i32
    "tpu.region"() ({
      %run_scoped3A = tpu.sem_alloc : memref<!tpu.dma_semaphore, #tpu.memory_space<semaphore_mem>>
      %dma_start3A = arith.constant 0 : i32
      %dma_start3A_104 = tpu.memref_slice %arg16[%multiple_of3A_87, %dma_start3A] : memref<50008x16xf32, #tpu.memory_space<vmem_shared>> -> memref<400x16xf32, #tpu.memory_space<vmem_shared>>
      %dma_start3A_105 = arith.constant 0 : i32
      %dma_start3A_106 = tpu.memref_slice %arg16[%multiple_of3A_87, %dma_start3A_105] : memref<50008x16xf32, #tpu.memory_space<vmem_shared>> -> memref<400x16xf32, #tpu.memory_space<vmem_shared>>
      tpu.enqueue_dma source(%dma_start3A_106 : memref<400x16xf32, #tpu.memory_space<vmem_shared>>) target(%arg15 : memref<400x16xf32, #tpu.memory_space<vmem>>) target_semaphore(%run_scoped3A : memref<!tpu.dma_semaphore, #tpu.memory_space<semaphore_mem>>)
      %dma_wait3A = arith.constant 0 : i32
      %dma_wait3A_107 = tpu.memref_slice %arg16[%multiple_of3A_87, %dma_wait3A] : memref<50008x16xf32, #tpu.memory_space<vmem_shared>> -> memref<400x16xf32, #tpu.memory_space<vmem_shared>>
      %dma_wait3A_108 = arith.constant 0 : i32
      %dma_wait3A_109 = tpu.memref_slice %arg16[%multiple_of3A_87, %dma_wait3A_108] : memref<50008x16xf32, #tpu.memory_space<vmem_shared>> -> memref<400x16xf32, #tpu.memory_space<vmem_shared>>
      tpu.wait_dma2 semaphore(%run_scoped3A : memref<!tpu.dma_semaphore, #tpu.memory_space<semaphore_mem>>) src(%dma_wait3A_109 : memref<400x16xf32, #tpu.memory_space<vmem_shared>>) dst(%arg15 : memref<400x16xf32, #tpu.memory_space<vmem>>)
      tpu.yield
    }) : () -> ()
    "tpu.region"() ({
      %run_scoped3A = tpu.sem_alloc : memref<!tpu.dma_semaphore, #tpu.memory_space<semaphore_mem>>
      %dma_start3A = arith.constant 0 : i32
      %dma_start3A_104 = tpu.memref_slice %arg7[%arg0, %multiple_of3A_87, %dma_start3A] : memref<2x50000x16xf32, #tpu.memory_space<hbm>> -> memref<1x400x16xf32, #tpu.memory_space<hbm>>
      %dma_start3A_105 = tpu.memref_squeeze %dma_start3A_104 : memref<1x400x16xf32, #tpu.memory_space<hbm>> -> memref<400x16xf32, #tpu.memory_space<hbm>>
      %dma_start3A_106 = arith.constant 0 : i32
      %dma_start3A_107 = tpu.memref_slice %arg7[%arg0, %multiple_of3A_87, %dma_start3A_106] : memref<2x50000x16xf32, #tpu.memory_space<hbm>> -> memref<1x400x16xf32, #tpu.memory_space<hbm>>
      %dma_start3A_108 = tpu.memref_squeeze %dma_start3A_107 : memref<1x400x16xf32, #tpu.memory_space<hbm>> -> memref<400x16xf32, #tpu.memory_space<hbm>>
      tpu.enqueue_dma source(%arg15 : memref<400x16xf32, #tpu.memory_space<vmem>>) target(%dma_start3A_108 : memref<400x16xf32, #tpu.memory_space<hbm>>) target_semaphore(%run_scoped3A : memref<!tpu.dma_semaphore, #tpu.memory_space<semaphore_mem>>)
      %dma_wait3A = arith.constant 0 : i32
      %dma_wait3A_109 = tpu.memref_slice %arg7[%arg0, %multiple_of3A_87, %dma_wait3A] : memref<2x50000x16xf32, #tpu.memory_space<hbm>> -> memref<1x400x16xf32, #tpu.memory_space<hbm>>
      %dma_wait3A_110 = tpu.memref_squeeze %dma_wait3A_109 : memref<1x400x16xf32, #tpu.memory_space<hbm>> -> memref<400x16xf32, #tpu.memory_space<hbm>>
      %dma_wait3A_111 = arith.constant 0 : i32
      %dma_wait3A_112 = tpu.memref_slice %arg7[%arg0, %multiple_of3A_87, %dma_wait3A_111] : memref<2x50000x16xf32, #tpu.memory_space<hbm>> -> memref<1x400x16xf32, #tpu.memory_space<hbm>>
      %dma_wait3A_113 = tpu.memref_squeeze %dma_wait3A_112 : memref<1x400x16xf32, #tpu.memory_space<hbm>> -> memref<400x16xf32, #tpu.memory_space<hbm>>
      tpu.wait_dma2 semaphore(%run_scoped3A : memref<!tpu.dma_semaphore, #tpu.memory_space<semaphore_mem>>) src(%arg15 : memref<400x16xf32, #tpu.memory_space<vmem>>) dst(%dma_wait3A_113 : memref<400x16xf32, #tpu.memory_space<hbm>>)
      tpu.yield
    }) : () -> ()
    %add3A_88 = arith.constant 96 : i32
    %add3A_89 = arith.addi %add3A_88, %arg1 : i32
    %mul3A_90 = arith.constant 400 : i32
    %mul3A_91 = arith.muli %add3A_89, %mul3A_90 : i32
    %multiple_of3A_92 = tpu.assume_multiple %mul3A_91, 8 : i32
    "tpu.region"() ({
      %run_scoped3A = tpu.sem_alloc : memref<!tpu.dma_semaphore, #tpu.memory_space<semaphore_mem>>
      %dma_start3A = arith.constant 0 : i32
      %dma_start3A_104 = tpu.memref_slice %arg16[%multiple_of3A_92, %dma_start3A] : memref<50008x16xf32, #tpu.memory_space<vmem_shared>> -> memref<400x16xf32, #tpu.memory_space<vmem_shared>>
      %dma_start3A_105 = arith.constant 0 : i32
      %dma_start3A_106 = tpu.memref_slice %arg16[%multiple_of3A_92, %dma_start3A_105] : memref<50008x16xf32, #tpu.memory_space<vmem_shared>> -> memref<400x16xf32, #tpu.memory_space<vmem_shared>>
      tpu.enqueue_dma source(%dma_start3A_106 : memref<400x16xf32, #tpu.memory_space<vmem_shared>>) target(%arg15 : memref<400x16xf32, #tpu.memory_space<vmem>>) target_semaphore(%run_scoped3A : memref<!tpu.dma_semaphore, #tpu.memory_space<semaphore_mem>>)
      %dma_wait3A = arith.constant 0 : i32
      %dma_wait3A_107 = tpu.memref_slice %arg16[%multiple_of3A_92, %dma_wait3A] : memref<50008x16xf32, #tpu.memory_space<vmem_shared>> -> memref<400x16xf32, #tpu.memory_space<vmem_shared>>
      %dma_wait3A_108 = arith.constant 0 : i32
      %dma_wait3A_109 = tpu.memref_slice %arg16[%multiple_of3A_92, %dma_wait3A_108] : memref<50008x16xf32, #tpu.memory_space<vmem_shared>> -> memref<400x16xf32, #tpu.memory_space<vmem_shared>>
      tpu.wait_dma2 semaphore(%run_scoped3A : memref<!tpu.dma_semaphore, #tpu.memory_space<semaphore_mem>>) src(%dma_wait3A_109 : memref<400x16xf32, #tpu.memory_space<vmem_shared>>) dst(%arg15 : memref<400x16xf32, #tpu.memory_space<vmem>>)
      tpu.yield
    }) : () -> ()
    "tpu.region"() ({
      %run_scoped3A = tpu.sem_alloc : memref<!tpu.dma_semaphore, #tpu.memory_space<semaphore_mem>>
      %dma_start3A = arith.constant 0 : i32
      %dma_start3A_104 = tpu.memref_slice %arg7[%arg0, %multiple_of3A_92, %dma_start3A] : memref<2x50000x16xf32, #tpu.memory_space<hbm>> -> memref<1x400x16xf32, #tpu.memory_space<hbm>>
      %dma_start3A_105 = tpu.memref_squeeze %dma_start3A_104 : memref<1x400x16xf32, #tpu.memory_space<hbm>> -> memref<400x16xf32, #tpu.memory_space<hbm>>
      %dma_start3A_106 = arith.constant 0 : i32
      %dma_start3A_107 = tpu.memref_slice %arg7[%arg0, %multiple_of3A_92, %dma_start3A_106] : memref<2x50000x16xf32, #tpu.memory_space<hbm>> -> memref<1x400x16xf32, #tpu.memory_space<hbm>>
      %dma_start3A_108 = tpu.memref_squeeze %dma_start3A_107 : memref<1x400x16xf32, #tpu.memory_space<hbm>> -> memref<400x16xf32, #tpu.memory_space<hbm>>
      tpu.enqueue_dma source(%arg15 : memref<400x16xf32, #tpu.memory_space<vmem>>) target(%dma_start3A_108 : memref<400x16xf32, #tpu.memory_space<hbm>>) target_semaphore(%run_scoped3A : memref<!tpu.dma_semaphore, #tpu.memory_space<semaphore_mem>>)
      %dma_wait3A = arith.constant 0 : i32
      %dma_wait3A_109 = tpu.memref_slice %arg7[%arg0, %multiple_of3A_92, %dma_wait3A] : memref<2x50000x16xf32, #tpu.memory_space<hbm>> -> memref<1x400x16xf32, #tpu.memory_space<hbm>>
      %dma_wait3A_110 = tpu.memref_squeeze %dma_wait3A_109 : memref<1x400x16xf32, #tpu.memory_space<hbm>> -> memref<400x16xf32, #tpu.memory_space<hbm>>
      %dma_wait3A_111 = arith.constant 0 : i32
      %dma_wait3A_112 = tpu.memref_slice %arg7[%arg0, %multiple_of3A_92, %dma_wait3A_111] : memref<2x50000x16xf32, #tpu.memory_space<hbm>> -> memref<1x400x16xf32, #tpu.memory_space<hbm>>
      %dma_wait3A_113 = tpu.memref_squeeze %dma_wait3A_112 : memref<1x400x16xf32, #tpu.memory_space<hbm>> -> memref<400x16xf32, #tpu.memory_space<hbm>>
      tpu.wait_dma2 semaphore(%run_scoped3A : memref<!tpu.dma_semaphore, #tpu.memory_space<semaphore_mem>>) src(%arg15 : memref<400x16xf32, #tpu.memory_space<vmem>>) dst(%dma_wait3A_113 : memref<400x16xf32, #tpu.memory_space<hbm>>)
      tpu.yield
    }) : () -> ()
    %lt3A_93 = arith.constant 13 : i32
    %lt3A_94 = arith.cmpi slt, %arg1, %lt3A_93 : i32
    %convert_element_type3A_95 = arith.extui %lt3A_94 : i1 to i32
    %cond3A_96 = arith.constant 0 : i32
    %cond3A_97 = arith.cmpi ne, %convert_element_type3A_95, %cond3A_96 : i32
    scf.if %cond3A_97 {
      %add3A_104 = arith.constant 112 : i32
      %add3A_105 = arith.addi %add3A_104, %arg1 : i32
      %mul3A_106 = arith.constant 400 : i32
      %mul3A_107 = arith.muli %add3A_105, %mul3A_106 : i32
      %multiple_of3A_108 = tpu.assume_multiple %mul3A_107, 8 : i32
      "tpu.region"() ({
        %run_scoped3A = tpu.sem_alloc : memref<!tpu.dma_semaphore, #tpu.memory_space<semaphore_mem>>
        %dma_start3A = arith.constant 0 : i32
        %dma_start3A_109 = tpu.memref_slice %arg16[%multiple_of3A_108, %dma_start3A] : memref<50008x16xf32, #tpu.memory_space<vmem_shared>> -> memref<400x16xf32, #tpu.memory_space<vmem_shared>>
        %dma_start3A_110 = arith.constant 0 : i32
        %dma_start3A_111 = tpu.memref_slice %arg16[%multiple_of3A_108, %dma_start3A_110] : memref<50008x16xf32, #tpu.memory_space<vmem_shared>> -> memref<400x16xf32, #tpu.memory_space<vmem_shared>>
        tpu.enqueue_dma source(%dma_start3A_111 : memref<400x16xf32, #tpu.memory_space<vmem_shared>>) target(%arg15 : memref<400x16xf32, #tpu.memory_space<vmem>>) target_semaphore(%run_scoped3A : memref<!tpu.dma_semaphore, #tpu.memory_space<semaphore_mem>>)
        %dma_wait3A = arith.constant 0 : i32
        %dma_wait3A_112 = tpu.memref_slice %arg16[%multiple_of3A_108, %dma_wait3A] : memref<50008x16xf32, #tpu.memory_space<vmem_shared>> -> memref<400x16xf32, #tpu.memory_space<vmem_shared>>
        %dma_wait3A_113 = arith.constant 0 : i32
        %dma_wait3A_114 = tpu.memref_slice %arg16[%multiple_of3A_108, %dma_wait3A_113] : memref<50008x16xf32, #tpu.memory_space<vmem_shared>> -> memref<400x16xf32, #tpu.memory_space<vmem_shared>>
        tpu.wait_dma2 semaphore(%run_scoped3A : memref<!tpu.dma_semaphore, #tpu.memory_space<semaphore_mem>>) src(%dma_wait3A_114 : memref<400x16xf32, #tpu.memory_space<vmem_shared>>) dst(%arg15 : memref<400x16xf32, #tpu.memory_space<vmem>>)
        tpu.yield
      }) : () -> ()
      "tpu.region"() ({
        %run_scoped3A = tpu.sem_alloc : memref<!tpu.dma_semaphore, #tpu.memory_space<semaphore_mem>>
        %dma_start3A = arith.constant 0 : i32
        %dma_start3A_109 = tpu.memref_slice %arg7[%arg0, %multiple_of3A_108, %dma_start3A] : memref<2x50000x16xf32, #tpu.memory_space<hbm>> -> memref<1x400x16xf32, #tpu.memory_space<hbm>>
        %dma_start3A_110 = tpu.memref_squeeze %dma_start3A_109 : memref<1x400x16xf32, #tpu.memory_space<hbm>> -> memref<400x16xf32, #tpu.memory_space<hbm>>
        %dma_start3A_111 = arith.constant 0 : i32
        %dma_start3A_112 = tpu.memref_slice %arg7[%arg0, %multiple_of3A_108, %dma_start3A_111] : memref<2x50000x16xf32, #tpu.memory_space<hbm>> -> memref<1x400x16xf32, #tpu.memory_space<hbm>>
        %dma_start3A_113 = tpu.memref_squeeze %dma_start3A_112 : memref<1x400x16xf32, #tpu.memory_space<hbm>> -> memref<400x16xf32, #tpu.memory_space<hbm>>
        tpu.enqueue_dma source(%arg15 : memref<400x16xf32, #tpu.memory_space<vmem>>) target(%dma_start3A_113 : memref<400x16xf32, #tpu.memory_space<hbm>>) target_semaphore(%run_scoped3A : memref<!tpu.dma_semaphore, #tpu.memory_space<semaphore_mem>>)
        %dma_wait3A = arith.constant 0 : i32
        %dma_wait3A_114 = tpu.memref_slice %arg7[%arg0, %multiple_of3A_108, %dma_wait3A] : memref<2x50000x16xf32, #tpu.memory_space<hbm>> -> memref<1x400x16xf32, #tpu.memory_space<hbm>>
        %dma_wait3A_115 = tpu.memref_squeeze %dma_wait3A_114 : memref<1x400x16xf32, #tpu.memory_space<hbm>> -> memref<400x16xf32, #tpu.memory_space<hbm>>
        %dma_wait3A_116 = arith.constant 0 : i32
        %dma_wait3A_117 = tpu.memref_slice %arg7[%arg0, %multiple_of3A_108, %dma_wait3A_116] : memref<2x50000x16xf32, #tpu.memory_space<hbm>> -> memref<1x400x16xf32, #tpu.memory_space<hbm>>
        %dma_wait3A_118 = tpu.memref_squeeze %dma_wait3A_117 : memref<1x400x16xf32, #tpu.memory_space<hbm>> -> memref<400x16xf32, #tpu.memory_space<hbm>>
        tpu.wait_dma2 semaphore(%run_scoped3A : memref<!tpu.dma_semaphore, #tpu.memory_space<semaphore_mem>>) src(%arg15 : memref<400x16xf32, #tpu.memory_space<vmem>>) dst(%dma_wait3A_118 : memref<400x16xf32, #tpu.memory_space<hbm>>)
        tpu.yield
      }) : () -> ()
    } else {
    }
    %scan3A_98 = arith.constant 0 : i32
    %scan3A_99 = arith.constant 0 : i32
    %scan3A_100 = arith.constant 125 : i32
    %scan3A_101 = arith.addi %scan3A_99, %scan3A_100 : i32
    %scan3A_102 = arith.constant 1 : i32
    scf.for %scan3A_104 = %scan3A_99 to %scan3A_101 step %scan3A_102  : i32 {
      %mul3A_105 = arith.constant 400 : i32
      %mul3A_106 = arith.muli %scan3A_104, %mul3A_105 : i32
      %multiple_of3A_107 = tpu.assume_multiple %mul3A_106, 8 : i32
      "tpu.region"() ({
        %run_scoped3A = tpu.sem_alloc : memref<!tpu.dma_semaphore, #tpu.memory_space<semaphore_mem>>
        %dma_start3A = tpu.memref_slice %arg14[%multiple_of3A_107] : memref<50192xf32, #tpu.memory_space<vmem>> -> memref<400xf32, #tpu.memory_space<vmem>>
        %dma_start3A_108 = tpu.memref_slice %arg8[%arg0, %arg1, %multiple_of3A_107] : memref<2x16x50000xf32, #tpu.memory_space<hbm>> -> memref<1x1x400xf32, #tpu.memory_space<hbm>>
        %dma_start3A_109 = tpu.memref_squeeze %dma_start3A_108 : memref<1x1x400xf32, #tpu.memory_space<hbm>> -> memref<400xf32, #tpu.memory_space<hbm>>
        %dma_start3A_110 = tpu.memref_slice %arg8[%arg0, %arg1, %multiple_of3A_107] : memref<2x16x50000xf32, #tpu.memory_space<hbm>> -> memref<1x1x400xf32, #tpu.memory_space<hbm>>
        %dma_start3A_111 = tpu.memref_squeeze %dma_start3A_110 : memref<1x1x400xf32, #tpu.memory_space<hbm>> -> memref<400xf32, #tpu.memory_space<hbm>>
        %dma_start3A_112 = tpu.memref_slice %arg14[%multiple_of3A_107] : memref<50192xf32, #tpu.memory_space<vmem>> -> memref<400xf32, #tpu.memory_space<vmem>>
        tpu.enqueue_dma source(%dma_start3A_112 : memref<400xf32, #tpu.memory_space<vmem>>) target(%dma_start3A_111 : memref<400xf32, #tpu.memory_space<hbm>>) target_semaphore(%run_scoped3A : memref<!tpu.dma_semaphore, #tpu.memory_space<semaphore_mem>>)
        %dma_wait3A = tpu.memref_slice %arg14[%multiple_of3A_107] : memref<50192xf32, #tpu.memory_space<vmem>> -> memref<400xf32, #tpu.memory_space<vmem>>
        %dma_wait3A_113 = tpu.memref_slice %arg8[%arg0, %arg1, %multiple_of3A_107] : memref<2x16x50000xf32, #tpu.memory_space<hbm>> -> memref<1x1x400xf32, #tpu.memory_space<hbm>>
        %dma_wait3A_114 = tpu.memref_squeeze %dma_wait3A_113 : memref<1x1x400xf32, #tpu.memory_space<hbm>> -> memref<400xf32, #tpu.memory_space<hbm>>
        %dma_wait3A_115 = tpu.memref_slice %arg8[%arg0, %arg1, %multiple_of3A_107] : memref<2x16x50000xf32, #tpu.memory_space<hbm>> -> memref<1x1x400xf32, #tpu.memory_space<hbm>>
        %dma_wait3A_116 = tpu.memref_squeeze %dma_wait3A_115 : memref<1x1x400xf32, #tpu.memory_space<hbm>> -> memref<400xf32, #tpu.memory_space<hbm>>
        %dma_wait3A_117 = tpu.memref_slice %arg14[%multiple_of3A_107] : memref<50192xf32, #tpu.memory_space<vmem>> -> memref<400xf32, #tpu.memory_space<vmem>>
        tpu.wait_dma2 semaphore(%run_scoped3A : memref<!tpu.dma_semaphore, #tpu.memory_space<semaphore_mem>>) src(%dma_wait3A_117 : memref<400xf32, #tpu.memory_space<vmem>>) dst(%dma_wait3A_116 : memref<400xf32, #tpu.memory_space<hbm>>)
        tpu.yield
      }) : () -> ()
    }
    %scan3A_103 = arith.constant 125 : i32
    return
  }
}

module attributes {stable_mosaic.version = 14 : i64} {
  func.func @_mm_body(%arg0: i32, %arg1: memref<1000x32xf32, #tpu.memory_space<vmem>>, %arg2: memref<32x800xf32, #tpu.memory_space<vmem>>, %arg3: memref<32x32xf32, #tpu.memory_space<vmem>>, %arg4: memref<1x32xf32, #tpu.memory_space<vmem>>, %arg5: memref<1000x800xf32, #tpu.memory_space<vmem>>, %arg6: memref<1000x32xf32, #tpu.memory_space<vmem>>) attributes {dimension_semantics = [#tpu.dimension_semantics<arbitrary>], iteration_bounds = array<i64: 50>, scalar_prefetch = 0 : i64, scratch_operands = 0 : i64, tpu.core_type = #tpu.core_type<tc>, window_params = [{transform_indices = @transform_0, window_bounds = array<i64: 1000, 32>}, {pipeline_mode = #tpu.pipeline_mode<synchronous>, transform_indices = @transform_1, window_bounds = array<i64: 32, 800>}, {pipeline_mode = #tpu.pipeline_mode<synchronous>, transform_indices = @transform_2, window_bounds = array<i64: 32, 32>}, {pipeline_mode = #tpu.pipeline_mode<synchronous>, transform_indices = @transform_3, window_bounds = array<i64: 1, 32>}, {transform_indices = @transform_4, window_bounds = array<i64: 1000, 800>}, {transform_indices = @transform_5, window_bounds = array<i64: 1000, 32>}]} {
    %get3A = arith.constant 0 : index
    %get3A_0 = arith.constant 0 : index
    %get3A_1 = vector.load %arg1[%get3A, %get3A_0] : memref<1000x32xf32, #tpu.memory_space<vmem>>, vector<1000x32xf32>
    %get3A_2 = arith.constant 0 : index
    %get3A_3 = arith.constant 0 : index
    %get3A_4 = vector.load %arg2[%get3A_2, %get3A_3] : memref<32x800xf32, #tpu.memory_space<vmem>>, vector<32x800xf32>
    %dot_general3A = arith.constant dense<0.000000e+00> : vector<1000x800xf32>
    %dot_general3A_5 = tpu.matmul %get3A_1, %get3A_4, %dot_general3A {dimension_numbers = #tpu.dot_dimension_numbers<[1], [0], [0], [1], [0, 0, 1, 1], [], []>, transpose_lhs_hint = false} : vector<1000x32xf32>, vector<32x800xf32>, vector<1000x800xf32> -> vector<1000x800xf32>
    %swap3A = arith.constant 0 : index
    %swap3A_6 = arith.constant 0 : index
    %swap3A_7 = vector.load %arg5[%swap3A, %swap3A_6] : memref<1000x800xf32, #tpu.memory_space<vmem>>, vector<1000x800xf32>
    tpu.vector_store %arg5[%swap3A, %swap3A_6], %dot_general3A_5 {strides = array<i32>} : memref<1000x800xf32, #tpu.memory_space<vmem>>, vector<1000x800xf32>,
    %get3A_8 = arith.constant 0 : index
    %get3A_9 = arith.constant 0 : index
    %get3A_10 = vector.load %arg3[%get3A_8, %get3A_9] : memref<32x32xf32, #tpu.memory_space<vmem>>, vector<32x32xf32>
    %dot_general3A_11 = arith.constant dense<0.000000e+00> : vector<1000x32xf32>
    %dot_general3A_12 = tpu.matmul %get3A_1, %get3A_10, %dot_general3A_11 {dimension_numbers = #tpu.dot_dimension_numbers<[1], [0], [0], [1], [0, 0, 1, 1], [], []>, transpose_lhs_hint = false} : vector<1000x32xf32>, vector<32x32xf32>, vector<1000x32xf32> -> vector<1000x32xf32>
    %get3A_13 = arith.constant 0 : index
    %get3A_14 = arith.constant 0 : index
    %get3A_15 = vector.load %arg4[%get3A_13, %get3A_14] : memref<1x32xf32, #tpu.memory_space<vmem>>, vector<1x32xf32>
    %add3A = vector.broadcast %get3A_15 : vector<1x32xf32> to vector<1000x32xf32>
    %add3A_16 = arith.addf %dot_general3A_12, %add3A : vector<1000x32xf32>
    %swap3A_17 = arith.constant 0 : index
    %swap3A_18 = arith.constant 0 : index
    %swap3A_19 = vector.load %arg6[%swap3A_17, %swap3A_18] : memref<1000x32xf32, #tpu.memory_space<vmem>>, vector<1000x32xf32>
    tpu.vector_store %arg6[%swap3A_17, %swap3A_18], %add3A_16 {strides = array<i32>} : memref<1000x32xf32, #tpu.memory_space<vmem>>, vector<1000x32xf32>,
    return
  }
  func.func @transform_0(%arg0: i32) -> (i32, i32) {
    %c0_i32 = arith.constant 0 : i32
    %c0_i32_0 = arith.constant 0 : i32
    return %arg0, %c0_i32 : i32, i32
  }
  func.func @transform_1(%arg0: i32) -> (i32, i32) {
    %c0_i32 = arith.constant 0 : i32
    %c0_i32_0 = arith.constant 0 : i32
    %c0_i32_1 = arith.constant 0 : i32
    return %c0_i32, %c0_i32_0 : i32, i32
  }
  func.func @transform_2(%arg0: i32) -> (i32, i32) {
    %c0_i32 = arith.constant 0 : i32
    %c0_i32_0 = arith.constant 0 : i32
    %c0_i32_1 = arith.constant 0 : i32
    return %c0_i32, %c0_i32_0 : i32, i32
  }
  func.func @transform_3(%arg0: i32) -> (i32, i32) {
    %c0_i32 = arith.constant 0 : i32
    %c0_i32_0 = arith.constant 0 : i32
    %c0_i32_1 = arith.constant 0 : i32
    return %c0_i32, %c0_i32_0 : i32, i32
  }
  func.func @transform_4(%arg0: i32) -> (i32, i32) {
    %c0_i32 = arith.constant 0 : i32
    %c0_i32_0 = arith.constant 0 : i32
    return %arg0, %c0_i32 : i32, i32
  }
  func.func @transform_5(%arg0: i32) -> (i32, i32) {
    %c0_i32 = arith.constant 0 : i32
    %c0_i32_0 = arith.constant 0 : i32
    return %arg0, %c0_i32 : i32, i32
  }
}

module attributes {stable_mosaic.version = 14 : i64} {
  func.func @_prep_body(%arg0: i32, %arg1: memref<2x6272xf32, #tpu.memory_space<vmem>>, %arg2: memref<2x6272xi32, #tpu.memory_space<vmem>>, %arg3: memref<4x6272xf32, #tpu.memory_space<vmem>>, %arg4: memref<4x6272xi32, #tpu.memory_space<vmem>>, %arg5: memref<4x6272xi32, #tpu.memory_space<vmem>>) attributes {dimension_semantics = [#tpu.dimension_semantics<arbitrary>], iteration_bounds = array<i64: 128>, scalar_prefetch = 0 : i64, scratch_operands = 0 : i64, tpu.core_type = #tpu.core_type<tc>, window_params = [{transform_indices = @transform_0, window_bounds = array<i64: 2, 6272>}, {transform_indices = @transform_1, window_bounds = array<i64: 2, 6272>}, {transform_indices = @transform_2, window_bounds = array<i64: 4, 6272>}, {transform_indices = @transform_3, window_bounds = array<i64: 4, 6272>}, {transform_indices = @transform_4, window_bounds = array<i64: 4, 6272>}]} {
    %get3A = arith.constant 0 : index
    %get3A_0 = arith.constant 0 : index
    %get3A_1 = vector.load %arg1[%get3A, %get3A_0] : memref<2x6272xf32, #tpu.memory_space<vmem>>, vector<1x6272xf32>
    %get3A_2 = arith.constant 1 : index
    %get3A_3 = arith.constant 0 : index
    %get3A_4 = vector.load %arg1[%get3A_2, %get3A_3] : memref<2x6272xf32, #tpu.memory_space<vmem>>, vector<1x6272xf32>
    %mul3A = arith.constant 4.000000e+00 : f32
    %mul3A_5 = vector.broadcast %mul3A : f32 to vector<1x6272xf32>
    %mul3A_6 = arith.mulf %get3A_1, %mul3A_5 : vector<1x6272xf32>
    %mul3A_7 = arith.constant 4.000000e+00 : f32
    %mul3A_8 = vector.broadcast %mul3A_7 : f32 to vector<1x6272xf32>
    %mul3A_9 = arith.mulf %get3A_4, %mul3A_8 : vector<1x6272xf32>
    %floor3A = math.floor %mul3A_6 : vector<1x6272xf32>
    %floor3A_10 = math.floor %mul3A_9 : vector<1x6272xf32>
    %sub3A = arith.subf %mul3A_6, %floor3A : vector<1x6272xf32>
    %sub3A_11 = arith.subf %mul3A_9, %floor3A_10 : vector<1x6272xf32>
    %convert_element_type3A = arith.fptosi %floor3A : vector<1x6272xf32> to vector<1x6272xi32>
    %convert_element_type3A_12 = arith.fptosi %floor3A_10 : vector<1x6272xf32> to vector<1x6272xi32>
    %jit3A = arith.constant 0 : i32
    %jit3A_13 = arith.constant 4 : i32
    %max3A = vector.broadcast %jit3A : i32 to vector<1x6272xi32>
    %max3A_14 = arith.maxsi %max3A, %convert_element_type3A : vector<1x6272xi32>
    %min3A = vector.broadcast %jit3A_13 : i32 to vector<1x6272xi32>
    %min3A_15 = arith.minsi %min3A, %max3A_14 : vector<1x6272xi32>
    %add3A = arith.constant 1 : i32
    %add3A_16 = vector.broadcast %add3A : i32 to vector<1x6272xi32>
    %add3A_17 = arith.addi %convert_element_type3A, %add3A_16 : vector<1x6272xi32>
    %jit3A_18 = arith.constant 0 : i32
    %jit3A_19 = arith.constant 4 : i32
    %max3A_20 = vector.broadcast %jit3A_18 : i32 to vector<1x6272xi32>
    %max3A_21 = arith.maxsi %max3A_20, %add3A_17 : vector<1x6272xi32>
    %min3A_22 = vector.broadcast %jit3A_19 : i32 to vector<1x6272xi32>
    %min3A_23 = arith.minsi %min3A_22, %max3A_21 : vector<1x6272xi32>
    %jit3A_24 = arith.constant 0 : i32
    %jit3A_25 = arith.constant 4 : i32
    %max3A_26 = vector.broadcast %jit3A_24 : i32 to vector<1x6272xi32>
    %max3A_27 = arith.maxsi %max3A_26, %convert_element_type3A_12 : vector<1x6272xi32>
    %min3A_28 = vector.broadcast %jit3A_25 : i32 to vector<1x6272xi32>
    %min3A_29 = arith.minsi %min3A_28, %max3A_27 : vector<1x6272xi32>
    %add3A_30 = arith.constant 1 : i32
    %add3A_31 = vector.broadcast %add3A_30 : i32 to vector<1x6272xi32>
    %add3A_32 = arith.addi %convert_element_type3A_12, %add3A_31 : vector<1x6272xi32>
    %jit3A_33 = arith.constant 0 : i32
    %jit3A_34 = arith.constant 4 : i32
    %max3A_35 = vector.broadcast %jit3A_33 : i32 to vector<1x6272xi32>
    %max3A_36 = arith.maxsi %max3A_35, %add3A_32 : vector<1x6272xi32>
    %min3A_37 = vector.broadcast %jit3A_34 : i32 to vector<1x6272xi32>
    %min3A_38 = arith.minsi %min3A_37, %max3A_36 : vector<1x6272xi32>
    %get3A_39 = arith.constant 1 : index
    %get3A_40 = arith.constant 0 : index
    %get3A_41 = vector.load %arg2[%get3A_39, %get3A_40] : memref<2x6272xi32, #tpu.memory_space<vmem>>, vector<1x6272xi32>
    %mul3A_42 = arith.constant 25 : i32
    %mul3A_43 = vector.broadcast %mul3A_42 : i32 to vector<1x6272xi32>
    %mul3A_44 = arith.muli %get3A_41, %mul3A_43 : vector<1x6272xi32>
    %sub3A_45 = arith.constant 1.000000e+00 : f32
    %sub3A_46 = vector.broadcast %sub3A_45 : f32 to vector<1x6272xf32>
    %sub3A_47 = arith.subf %sub3A_46, %sub3A : vector<1x6272xf32>
    %sub3A_48 = arith.constant 1.000000e+00 : f32
    %sub3A_49 = vector.broadcast %sub3A_48 : f32 to vector<1x6272xf32>
    %sub3A_50 = arith.subf %sub3A_49, %sub3A_11 : vector<1x6272xf32>
    %mul3A_51 = arith.mulf %sub3A_47, %sub3A_50 : vector<1x6272xf32>
    %swap3A = arith.constant 0 : index
    %swap3A_52 = arith.constant 0 : index
    %swap3A_53 = vector.load %arg3[%swap3A, %swap3A_52] : memref<4x6272xf32, #tpu.memory_space<vmem>>, vector<1x6272xf32>
    tpu.vector_store %arg3[%swap3A, %swap3A_52], %mul3A_51 {strides = array<i32>} : memref<4x6272xf32, #tpu.memory_space<vmem>>, vector<1x6272xf32>,
    %sub3A_54 = arith.constant 1.000000e+00 : f32
    %sub3A_55 = vector.broadcast %sub3A_54 : f32 to vector<1x6272xf32>
    %sub3A_56 = arith.subf %sub3A_55, %sub3A_11 : vector<1x6272xf32>
    %mul3A_57 = arith.mulf %sub3A, %sub3A_56 : vector<1x6272xf32>
    %swap3A_58 = arith.constant 1 : index
    %swap3A_59 = arith.constant 0 : index
    %swap3A_60 = vector.load %arg3[%swap3A_58, %swap3A_59] : memref<4x6272xf32, #tpu.memory_space<vmem>>, vector<1x6272xf32>
    tpu.vector_store %arg3[%swap3A_58, %swap3A_59], %mul3A_57 {strides = array<i32>} : memref<4x6272xf32, #tpu.memory_space<vmem>>, vector<1x6272xf32>,
    %sub3A_61 = arith.constant 1.000000e+00 : f32
    %sub3A_62 = vector.broadcast %sub3A_61 : f32 to vector<1x6272xf32>
    %sub3A_63 = arith.subf %sub3A_62, %sub3A : vector<1x6272xf32>
    %mul3A_64 = arith.mulf %sub3A_63, %sub3A_11 : vector<1x6272xf32>
    %swap3A_65 = arith.constant 2 : index
    %swap3A_66 = arith.constant 0 : index
    %swap3A_67 = vector.load %arg3[%swap3A_65, %swap3A_66] : memref<4x6272xf32, #tpu.memory_space<vmem>>, vector<1x6272xf32>
    tpu.vector_store %arg3[%swap3A_65, %swap3A_66], %mul3A_64 {strides = array<i32>} : memref<4x6272xf32, #tpu.memory_space<vmem>>, vector<1x6272xf32>,
    %mul3A_68 = arith.mulf %sub3A, %sub3A_11 : vector<1x6272xf32>
    %swap3A_69 = arith.constant 3 : index
    %swap3A_70 = arith.constant 0 : index
    %swap3A_71 = vector.load %arg3[%swap3A_69, %swap3A_70] : memref<4x6272xf32, #tpu.memory_space<vmem>>, vector<1x6272xf32>
    tpu.vector_store %arg3[%swap3A_69, %swap3A_70], %mul3A_68 {strides = array<i32>} : memref<4x6272xf32, #tpu.memory_space<vmem>>, vector<1x6272xf32>,
    %add3A_72 = arith.addi %mul3A_44, %min3A_15 : vector<1x6272xi32>
    %mul3A_73 = arith.constant 5 : i32
    %mul3A_74 = vector.broadcast %mul3A_73 : i32 to vector<1x6272xi32>
    %mul3A_75 = arith.muli %mul3A_74, %min3A_29 : vector<1x6272xi32>
    %add3A_76 = arith.addi %add3A_72, %mul3A_75 : vector<1x6272xi32>
    %mul3A_77 = arith.constant 2 : i32
    %mul3A_78 = vector.broadcast %mul3A_77 : i32 to vector<1x6272xi32>
    %mul3A_79 = arith.muli %add3A_76, %mul3A_78 : vector<1x6272xi32>
    %add3A_80 = arith.addi %mul3A_44, %min3A_23 : vector<1x6272xi32>
    %mul3A_81 = arith.constant 5 : i32
    %mul3A_82 = vector.broadcast %mul3A_81 : i32 to vector<1x6272xi32>
    %mul3A_83 = arith.muli %mul3A_82, %min3A_29 : vector<1x6272xi32>
    %add3A_84 = arith.addi %add3A_80, %mul3A_83 : vector<1x6272xi32>
    %mul3A_85 = arith.constant 2 : i32
    %mul3A_86 = vector.broadcast %mul3A_85 : i32 to vector<1x6272xi32>
    %mul3A_87 = arith.muli %add3A_84, %mul3A_86 : vector<1x6272xi32>
    %add3A_88 = arith.addi %mul3A_44, %min3A_15 : vector<1x6272xi32>
    %mul3A_89 = arith.constant 5 : i32
    %mul3A_90 = vector.broadcast %mul3A_89 : i32 to vector<1x6272xi32>
    %mul3A_91 = arith.muli %mul3A_90, %min3A_38 : vector<1x6272xi32>
    %add3A_92 = arith.addi %add3A_88, %mul3A_91 : vector<1x6272xi32>
    %mul3A_93 = arith.constant 2 : i32
    %mul3A_94 = vector.broadcast %mul3A_93 : i32 to vector<1x6272xi32>
    %mul3A_95 = arith.muli %add3A_92, %mul3A_94 : vector<1x6272xi32>
    %add3A_96 = arith.addi %mul3A_44, %min3A_23 : vector<1x6272xi32>
    %mul3A_97 = arith.constant 5 : i32
    %mul3A_98 = vector.broadcast %mul3A_97 : i32 to vector<1x6272xi32>
    %mul3A_99 = arith.muli %mul3A_98, %min3A_38 : vector<1x6272xi32>
    %add3A_100 = arith.addi %add3A_96, %mul3A_99 : vector<1x6272xi32>
    %mul3A_101 = arith.constant 2 : i32
    %mul3A_102 = vector.broadcast %mul3A_101 : i32 to vector<1x6272xi32>
    %mul3A_103 = arith.muli %add3A_100, %mul3A_102 : vector<1x6272xi32>
    %swap3A_104 = arith.constant 0 : index
    %swap3A_105 = arith.constant 0 : index
    %swap3A_106 = vector.load %arg4[%swap3A_104, %swap3A_105] : memref<4x6272xi32, #tpu.memory_space<vmem>>, vector<1x6272xi32>
    tpu.vector_store %arg4[%swap3A_104, %swap3A_105], %mul3A_79 {strides = array<i32>} : memref<4x6272xi32, #tpu.memory_space<vmem>>, vector<1x6272xi32>,
    %swap3A_107 = arith.constant 1 : index
    %swap3A_108 = arith.constant 0 : index
    %swap3A_109 = vector.load %arg4[%swap3A_107, %swap3A_108] : memref<4x6272xi32, #tpu.memory_space<vmem>>, vector<1x6272xi32>
    tpu.vector_store %arg4[%swap3A_107, %swap3A_108], %mul3A_87 {strides = array<i32>} : memref<4x6272xi32, #tpu.memory_space<vmem>>, vector<1x6272xi32>,
    %swap3A_110 = arith.constant 2 : index
    %swap3A_111 = arith.constant 0 : index
    %swap3A_112 = vector.load %arg4[%swap3A_110, %swap3A_111] : memref<4x6272xi32, #tpu.memory_space<vmem>>, vector<1x6272xi32>
    tpu.vector_store %arg4[%swap3A_110, %swap3A_111], %mul3A_95 {strides = array<i32>} : memref<4x6272xi32, #tpu.memory_space<vmem>>, vector<1x6272xi32>,
    %swap3A_113 = arith.constant 3 : index
    %swap3A_114 = arith.constant 0 : index
    %swap3A_115 = vector.load %arg4[%swap3A_113, %swap3A_114] : memref<4x6272xi32, #tpu.memory_space<vmem>>, vector<1x6272xi32>
    tpu.vector_store %arg4[%swap3A_113, %swap3A_114], %mul3A_103 {strides = array<i32>} : memref<4x6272xi32, #tpu.memory_space<vmem>>, vector<1x6272xi32>,
    %add3A_116 = arith.constant 1 : i32
    %add3A_117 = vector.broadcast %add3A_116 : i32 to vector<1x6272xi32>
    %add3A_118 = arith.addi %mul3A_79, %add3A_117 : vector<1x6272xi32>
    %swap3A_119 = arith.constant 0 : index
    %swap3A_120 = arith.constant 0 : index
    %swap3A_121 = vector.load %arg5[%swap3A_119, %swap3A_120] : memref<4x6272xi32, #tpu.memory_space<vmem>>, vector<1x6272xi32>
    tpu.vector_store %arg5[%swap3A_119, %swap3A_120], %add3A_118 {strides = array<i32>} : memref<4x6272xi32, #tpu.memory_space<vmem>>, vector<1x6272xi32>,
    %add3A_122 = arith.constant 1 : i32
    %add3A_123 = vector.broadcast %add3A_122 : i32 to vector<1x6272xi32>
    %add3A_124 = arith.addi %mul3A_87, %add3A_123 : vector<1x6272xi32>
    %swap3A_125 = arith.constant 1 : index
    %swap3A_126 = arith.constant 0 : index
    %swap3A_127 = vector.load %arg5[%swap3A_125, %swap3A_126] : memref<4x6272xi32, #tpu.memory_space<vmem>>, vector<1x6272xi32>
    tpu.vector_store %arg5[%swap3A_125, %swap3A_126], %add3A_124 {strides = array<i32>} : memref<4x6272xi32, #tpu.memory_space<vmem>>, vector<1x6272xi32>,
    %add3A_128 = arith.constant 1 : i32
    %add3A_129 = vector.broadcast %add3A_128 : i32 to vector<1x6272xi32>
    %add3A_130 = arith.addi %mul3A_95, %add3A_129 : vector<1x6272xi32>
    %swap3A_131 = arith.constant 2 : index
    %swap3A_132 = arith.constant 0 : index
    %swap3A_133 = vector.load %arg5[%swap3A_131, %swap3A_132] : memref<4x6272xi32, #tpu.memory_space<vmem>>, vector<1x6272xi32>
    tpu.vector_store %arg5[%swap3A_131, %swap3A_132], %add3A_130 {strides = array<i32>} : memref<4x6272xi32, #tpu.memory_space<vmem>>, vector<1x6272xi32>,
    %add3A_134 = arith.constant 1 : i32
    %add3A_135 = vector.broadcast %add3A_134 : i32 to vector<1x6272xi32>
    %add3A_136 = arith.addi %mul3A_103, %add3A_135 : vector<1x6272xi32>
    %swap3A_137 = arith.constant 3 : index
    %swap3A_138 = arith.constant 0 : index
    %swap3A_139 = vector.load %arg5[%swap3A_137, %swap3A_138] : memref<4x6272xi32, #tpu.memory_space<vmem>>, vector<1x6272xi32>
    tpu.vector_store %arg5[%swap3A_137, %swap3A_138], %add3A_136 {strides = array<i32>} : memref<4x6272xi32, #tpu.memory_space<vmem>>, vector<1x6272xi32>,
    return
  }
  func.func @transform_0(%arg0: i32) -> (i32, i32) {
    %c0_i32 = arith.constant 0 : i32
    %c0_i32_0 = arith.constant 0 : i32
    return %c0_i32, %arg0 : i32, i32
  }
  func.func @transform_1(%arg0: i32) -> (i32, i32) {
    %c0_i32 = arith.constant 0 : i32
    %c0_i32_0 = arith.constant 0 : i32
    return %c0_i32, %arg0 : i32, i32
  }
  func.func @transform_2(%arg0: i32) -> (i32, i32) {
    %c0_i32 = arith.constant 0 : i32
    %c0_i32_0 = arith.constant 0 : i32
    return %c0_i32, %arg0 : i32, i32
  }
  func.func @transform_3(%arg0: i32) -> (i32, i32) {
    %c0_i32 = arith.constant 0 : i32
    %c0_i32_0 = arith.constant 0 : i32
    return %c0_i32, %arg0 : i32, i32
  }
  func.func @transform_4(%arg0: i32) -> (i32, i32) {
    %c0_i32 = arith.constant 0 : i32
    %c0_i32_0 = arith.constant 0 : i32
    return %c0_i32, %arg0 : i32, i32
  }
}

module attributes {stable_mosaic.version = 14 : i64} {
  func.func @_comb_body(%arg0: i32, %arg1: memref<2x2000x16xf32, #tpu.memory_space<vmem>>, %arg2: memref<2000x32xf32, #tpu.memory_space<vmem>>, %arg3: memref<2000x32xf32, #tpu.memory_space<vmem>>, %arg4: memref<2000x32xf32, #tpu.memory_space<vmem>>) attributes {dimension_semantics = [#tpu.dimension_semantics<arbitrary>], iteration_bounds = array<i64: 25>, scalar_prefetch = 0 : i64, scratch_operands = 0 : i64, tpu.core_type = #tpu.core_type<tc>, window_params = [{transform_indices = @transform_0, window_bounds = array<i64: 2, 2000, 16>}, {transform_indices = @transform_1, window_bounds = array<i64: 2000, 32>}, {transform_indices = @transform_2, window_bounds = array<i64: 2000, 32>}, {transform_indices = @transform_3, window_bounds = array<i64: 2000, 32>}]} {
    %get3A = arith.constant 0 : index
    %get3A_0 = arith.constant 0 : index
    %get3A_1 = arith.constant 0 : index
    %get3A_2 = vector.load %arg1[%get3A, %get3A_0, %get3A_1] : memref<2x2000x16xf32, #tpu.memory_space<vmem>>, vector<1x2000x16xf32>
    %get3A_3 = vector.shape_cast %get3A_2 : vector<1x2000x16xf32> to vector<2000x16xf32>
    %get3A_4 = arith.constant 1 : index
    %get3A_5 = arith.constant 0 : index
    %get3A_6 = arith.constant 0 : index
    %get3A_7 = vector.load %arg1[%get3A_4, %get3A_5, %get3A_6] : memref<2x2000x16xf32, #tpu.memory_space<vmem>>, vector<1x2000x16xf32>
    %get3A_8 = vector.shape_cast %get3A_7 : vector<1x2000x16xf32> to vector<2000x16xf32>
    %concatenate3A = tpu.concatenate %get3A_3, %get3A_8 in 1 : vector<2000x16xf32>, vector<2000x16xf32> -> vector<2000x32xf32>
    %get3A_9 = arith.constant 0 : index
    %get3A_10 = arith.constant 0 : index
    %get3A_11 = vector.load %arg2[%get3A_9, %get3A_10] : memref<2000x32xf32, #tpu.memory_space<vmem>>, vector<2000x32xf32>
    %reduce_sum3A = arith.constant dense<0.000000e+00> : vector<2000xf32>
    %reduce_sum3A_12 = vector.multi_reduction <add>, %get3A_11, %reduce_sum3A [1] : vector<2000x32xf32> to vector<2000xf32>
    %broadcast_in_dim3A = vector.shape_cast %reduce_sum3A_12 : vector<2000xf32> to vector<2000x1xf32>
    %mul3A = arith.constant 5.000000e-01 : f32
    %mul3A_13 = vector.broadcast %mul3A : f32 to vector<2000x1xf32>
    %mul3A_14 = arith.mulf %mul3A_13, %broadcast_in_dim3A : vector<2000x1xf32>
    %max3A = arith.constant 1.000000e+00 : f32
    %max3A_15 = vector.broadcast %max3A : f32 to vector<2000x1xf32>
    %max3A_16 = arith.maximumf %mul3A_14, %max3A_15 : vector<2000x1xf32>
    %div3A = vector.broadcast %max3A_16 : vector<2000x1xf32> to vector<2000x32xf32>
    %div3A_17 = arith.divf %concatenate3A, %div3A : vector<2000x32xf32>
    %get3A_18 = arith.constant 0 : index
    %get3A_19 = arith.constant 0 : index
    %get3A_20 = vector.load %arg3[%get3A_18, %get3A_19] : memref<2000x32xf32, #tpu.memory_space<vmem>>, vector<2000x32xf32>
    %add3A = arith.addf %div3A_17, %get3A_20 : vector<2000x32xf32>
    %swap3A = arith.constant 0 : index
    %swap3A_21 = arith.constant 0 : index
    %swap3A_22 = vector.load %arg4[%swap3A, %swap3A_21] : memref<2000x32xf32, #tpu.memory_space<vmem>>, vector<2000x32xf32>
    tpu.vector_store %arg4[%swap3A, %swap3A_21], %add3A {strides = array<i32>} : memref<2000x32xf32, #tpu.memory_space<vmem>>, vector<2000x32xf32>,
    return
  }
  func.func @transform_0(%arg0: i32) -> (i32, i32, i32) {
    %c0_i32 = arith.constant 0 : i32
    %c0_i32_0 = arith.constant 0 : i32
    %c0_i32_1 = arith.constant 0 : i32
    return %c0_i32, %arg0, %c0_i32_0 : i32, i32, i32
  }
  func.func @transform_1(%arg0: i32) -> (i32, i32) {
    %c0_i32 = arith.constant 0 : i32
    %c0_i32_0 = arith.constant 0 : i32
    return %arg0, %c0_i32 : i32, i32
  }
  func.func @transform_2(%arg0: i32) -> (i32, i32) {
    %c0_i32 = arith.constant 0 : i32
    %c0_i32_0 = arith.constant 0 : i32
    return %arg0, %c0_i32 : i32, i32
  }
  func.func @transform_3(%arg0: i32) -> (i32, i32) {
    %c0_i32 = arith.constant 0 : i32
    %c0_i32_0 = arith.constant 0 : i32
    return %arg0, %c0_i32 : i32, i32
  }
}

</mosaic_0001>

<sc_bundles>
// kernel: kernel.6.cloned.1.call-start
scs
__scs_entry_jumppad:
0x0: {  	(pc) =	sbr.rel $0x88, $3  }
0x1: {  	(tag) =	ssettag $0x0;
	lr =	simm.s32 $0x1  }
0x2: {  	[smem:$0x3F9C] =	sst lr;
	_ =	strace $0xD0000000  }
0x3: {  	_ = 	snop  }
0x4: {  	_ = 	snop  }
0x5: {  	_ = 	snop  }
0x6: {  	_ = 	snop  }
0x7: {  	_ = 	snop  }
__scs_overlays_trampoline_lowered:
0x8: {  	[smem:$0x3FAB] =	sst s0  }
0x9: {  	[smem:$0x3FAC] =	sst s1  }
0xa: {  	[smem:$0x3FAD] =	sst s2  }
0xb: {  	[smem:$0x3FAE] =	sst s3  }
0xc: {  	[smem:$0x3FAF] =	sst s4  }
0xd: {  	[smem:$0x3FB0] =	sst s5  }
0xe: {  	[smem:$0x3FB1] =	sst s6  }
0xf: {  	[smem:$0x3FB2] =	sst s7  }
0x10: {  	[smem:$0x3FB3] =	sst s8  }
0x11: {  	[smem:$0x3FB4] =	sst s9;
	s0 =	simm.s32 @!p0 $0x0  }
0x12: {  	s1 =	sld [smem:$0x3F9A];
	s0 =	simm.s32 @p0 $0x1  }
0x13: {  	[smem:$0x3FB5] =	sst s0;
	s0 =	simm.s32 @!p1 $0x0  }
0x14: {  	s2 =	sld [smem:$0x3F99];
	s0 =	simm.s32 @p1 $0x1  }
0x15: {  	[smem:$0x3FB6] =	sst s0;
	s0 =	simm.s32 @!p2 $0x0  }
0x16: {  	s3 =	sld [smem:$0x3FDB];
	s0 =	simm.s32 @p2 $0x1  }
0x17: {  	s4 =	simm.s32 $0x1BF5;
	[smem:$0x3FB8] =	sst s0  }
0x18: {  	s0 =	sld [smem:$0x3F9B];
	_ =	swait.ge [sflag:s4], $0x0  }
0x19: {  	s7 =	sld [smem:$0x3F9C]  }
0x1a: {  	s8 =	sadd.s32 $0xFFFFE003, lr  }
0x1b: {  	s9 =	sadd.s32 $0xFFFFFEF7, lr;
	s5 =	simm.s32 $0xFFFFFFFF;
	p2 =	slt.u32 s8, $0xFFFFF086  }
0x1c: {  	p1 =	slt.u32 s9, $0xF7A;
	s5 =	simm.s32 @!p2 $0x0  }
0x1d: {  	s5 =	simm.s32 @p1 $0x1;
	p0 =	seq.s32 s7, s2  }
0x1e: {  	s7 =	smul.u32 @!p0 $0xF7A, s2;
	p2 =	seq.s32 @!p0 s5, $0x0  }
0x1f: {  	s9 =	smul.u32 $0xF7A, s1;
	s8 =	simm.s32 @!p0 $0x1BF5;
	p2 =	por !p2, p0  }
0x20: {  	[sflag:s8] =	ssyncset.s32 @!p0 $0xFFFFF086;
	s6 =	sadd.s32 @!p0 s3, s7;
	s7 =	simm.s32 @!p0 $0x108  }
0x21: {  	s3 =	sadd.s32 s3, s9;
	s6 =	sadd.s32 @!p0 $0x88, s6;
	s7 =	simm.s32 @p2 $0x1082  }
0x22: {  	[simem:s7], [sflag:s8] =	dma.local @!p0 [hbm:s6], $0xF7A  }
0x23: {  	s9 =	sor.u32 $0xD0000000, s2;
	s6 =	simm.s32 $0x108;
	_ =	swait.ge @!p0 [sflag:s8], $0x0  }
0x24: {  	s3 =	sadd.s32 $0x88, s3;
	s6 =	simm.s32 @!p1 $0x1082;
	[sflag:s4] =	ssyncset.s32 $0xFFFFF086  }
0x25: {  	[simem:s6], [sflag:s4] =	dma.local [hbm:s3], $0xF7A  }
0x26: {  	[smem:$0x3F9C] =	sst s1;
	(tag) =	ssettag s2;
	_ =	strace s9  }
0x27: {  	s1 =	sld [smem:$0x3FAC]  }
0x28: {  	s2 =	sld [smem:$0x3FAD]  }
0x29: {  	s4 =	sld [smem:$0x3FAF]  }
0x2a: {  	p0 =	seq.s32 s5, $0x0;
	s5 =	sld [smem:$0x3FB0]  }
0x2b: {  	s6 =	sld [smem:$0x3FB1]  }
0x2c: {  	s7 =	sld [smem:$0x3FB2]  }
0x2d: {  	s3 =	simm.s32 $0x108;
	s8 =	sld [smem:$0x3FB3]  }
0x2e: {  	s3 =	simm.s32 @!p0 $0x1082;
	s9 =	sld [smem:$0x3FB4]  }
0x2f: {  	lr =	sadd.s32 s0, s3;
	s0 =	sld [smem:$0x3FAB]  }
0x30: {  	s3 =	sld [smem:$0x3FAE]  }
0x31: {  	[smem:$0x3FB7] =	sst s10  }
0x32: {  	s10 =	sld [smem:$0x3FB5];
	_ =	sdelay $0x3  }
0x33: {  	p0 =	seq.s32 s10, $0x1;
	s10 =	sld [smem:$0x3FB7];
	_ =	sdelay $0x3  }
0x34: {  	[smem:$0x3FB7] =	sst s10  }
0x35: {  	s10 =	sld [smem:$0x3FB6];
	_ =	sdelay $0x3  }
0x36: {  	p1 =	seq.s32 s10, $0x1;
	s10 =	sld [smem:$0x3FB7];
	_ =	sdelay $0x3  }
0x37: {  	[smem:$0x3FB7] =	sst s10  }
0x38: {  	s10 =	sld [smem:$0x3FB8]  }
0x39: {  	_ = 	snop;
	(pc) =	sbr.ind lr, $3  }
0x3a: {  	_ = 	snop  }
0x3b: {  	_ = 	snop  }
0x3c: {  	p2 =	seq.s32 s10, $0x1;
	s10 =	sld [smem:$0x3FB7]  }
0x3d: {  	_ =	shalt  }
0x3e: {  	_ =	shalt  }
0x3f: {  	_ =	shalt  }
0x40: {  	_ =	shalt  }
0x41: {  	_ =	shalt  }
0x42: {  	_ =	shalt  }
0x43: {  	_ =	shalt  }
0x44: {  	_ =	shalt  }
0x45: {  	_ =	shalt  }
0x46: {  	_ =	shalt  }
0x47: {  	_ =	shalt  }
0x48: {  	_ =	shalt  }
0x49: {  	_ =	shalt  }
0x4a: {  	_ =	shalt  }
0x4b: {  	_ =	shalt  }
0x4c: {  	_ =	shalt  }
0x4d: {  	_ =	shalt  }
0x4e: {  	_ =	shalt  }
0x4f: {  	_ =	shalt  }
0x50: {  	_ =	shalt  }
0x51: {  	_ =	shalt  }
0x52: {  	_ =	shalt  }
0x53: {  	_ =	shalt  }
0x54: {  	_ =	shalt  }
0x55: {  	_ =	shalt  }
0x56: {  	_ =	shalt  }
0x57: {  	_ =	shalt  }
0x58: {  	_ =	shalt  }
0x59: {  	_ =	shalt  }
0x5a: {  	_ =	shalt  }
0x5b: {  	_ =	shalt  }
0x5c: {  	_ =	shalt  }
0x5d: {  	_ =	shalt  }
0x5e: {  	_ =	shalt  }
0x5f: {  	_ =	shalt  }
0x60: {  	_ =	shalt  }
0x61: {  	_ =	shalt  }
0x62: {  	_ =	shalt  }
0x63: {  	_ =	shalt  }
0x64: {  	_ =	shalt  }
0x65: {  	_ =	shalt  }
0x66: {  	_ =	shalt  }
0x67: {  	_ =	shalt  }
0x68: {  	_ =	shalt  }
0x69: {  	_ =	shalt  }
0x6a: {  	_ =	shalt  }
0x6b: {  	_ =	shalt  }
0x6c: {  	_ =	shalt  }
0x6d: {  	_ =	shalt  }
0x6e: {  	_ =	shalt  }
0x6f: {  	_ =	shalt  }
0x70: {  	_ =	shalt  }
0x71: {  	_ =	shalt  }
0x72: {  	_ =	shalt  }
0x73: {  	_ =	shalt  }
0x74: {  	_ =	shalt  }
0x75: {  	_ =	shalt  }
0x76: {  	_ =	shalt  }
0x77: {  	_ =	shalt  }
0x78: {  	_ =	shalt  }
0x79: {  	_ =	shalt  }
0x7a: {  	_ =	shalt  }
0x7b: {  	_ =	shalt  }
0x7c: {  	_ =	shalt  }
0x7d: {  	_ =	shalt  }
0x7e: {  	_ =	shalt  }
0x7f: {  	_ =	shalt  }
0x80: {  	_ =	shalt  }
0x81: {  	_ =	shalt  }
0x82: {  	_ =	shalt  }
0x83: {  	_ =	shalt  }
0x84: {  	_ =	shalt  }
0x85: {  	_ =	shalt  }
0x86: {  	_ =	shalt  }
0x87: {  	_ =	shalt  }
.Lfunc_end0:
.L_simem_size_0:
called_computation_lowered:
.L_overlay_start_0:
0x88: {  	s2 =	sld [smem:$0x3FD9]  }
0x89: {  	s3 =	sld [smem:$0x3FFE];
	_ =	sdelay $0x1  }
0x8a: {  	s1 =	srdreg.scid  }
0x8b: {  	s0 =	sand.u32 $0x1, s1  }
0x8c: {  	s17 =	sshll.u32 s0, $0xA;
	s2 =	sadd.s32 s3, s2  }
0x8d: {  	s2 =	sadd.s32 s2, s17  }
0x8e: {  	[smem:$0x3FC3] =	sst s2  }
0x8f: {  	_ = 	snop  }
0x90: {  	s2 =	sld [smem:$0x3FD0];
	(tm) =	ssettm $0x1  }
0x91: {  	s18 =	sld [smem:$0x3FFB];
	_ =	sdelay $0x3  }
0x92: {  	_ =	strace s18  }
0x93: {  	s3 =	sld [smem:$0x3FFC];
	_ =	sdelay $0x3  }
0x94: {  	_ =	strace s3  }
0x95: {  	s3 =	sld [smem:$0x3FFD];
	_ =	sdelay $0x3  }
0x96: {  	_ =	strace s3  }
0x97: {  	_ =	strace $0x8FFFFFFF  }
0x98: {  	s19 =	sld [smem:$0x3FDB];
	_ =	sdelay $0x1  }
0x99: {  	s4 =	simm.s32 $_scs_section_size  }
0x9a: {  	s5 =	simm.s32 $_size__tile_overlayer_lowered;
	s6 =	simm.s32 $_tile_overlayer_lowered  }
0x9b: {  	s22 =	simm.s32 $0x1BFF;
	s21 =	sshll.u32 s6, $0x1;
	s3 =	sadd.s32 s4, s19  }
0x9c: {  	s7 =	simm.s32 $0x0;
	s20 =	sshll.u32 s5, $0x1;
	s5 =	sadd.s32 s21, s3  }
0x9d: {  	[timem:s7], [sflag:s22] =	dma.local [hbm:s5], s20  }
0x9e: {  	_ =	swait.ge [sflag:s22], s20  }
0x9f: {  	s4 =	ssub.s32 $0x0, s20;
	[sflag:s22] =	ssyncset.done $0x0  }
0xa0: {  	[sflag:s22] =	ssyncadd.s32 s4;
	_ =	sdelay $0x1  }
0xa1: {  	s23 =	simm.s32 $0x1B8B  }
0xa2: {  	_ =	swait.ge [sflag:s23], $0x1  }
0xa3: {  	[sflag:s23] =	ssyncset.done $0x0  }
0xa4: {  	s25 =	simm.s32 $0x1B8E;
	s24 =	sld [smem:$0x3FFE];
	[sflag:s23] =	ssyncadd.s32 $0xFFFFFFFF  }
0xa5: {  	s26 =	simm.s32 $execute0_lowered;
	[smem:$0x3FD2] =	sst s25  }
0xa6: {  	s5 =	sshll.u32 s26, $0x1;
	_ =	strace $0x80000046;
	[dreg:$0x1] =	wrdreg $0xFFFFFFFF  }
0xa7: {  	s28 =	simm.s32 $_size_execute0_lowered;
	s3 =	sadd.s32 s3, s5;
	[dreg:$0x0] =	wrdreg $0x0  }
0xa8: {  	s5 =	sshll.u32 s28, $0x1;
	[dreg:$0x2] =	wrdreg s3  }
0xa9: {  	[dreg:$0x3] =	wrdreg s5  }
0xaa: {  	[dreg:$0x4] =	wrdreg $0xC0  }
0xab: {  	_ =	task [dreg:s7], $0x5FFFF  }
0xac: {  	[dreg:$0x1] =	wrdreg $0xFFFFFFFF  }
0xad: {  	[dreg:$0x0] =	wrdreg $0x60  }
0xae: {  	[dreg:$0x2] =	wrdreg s24  }
0xaf: {  	[dreg:$0x3] =	wrdreg s2  }
0xb0: {  	[dreg:$0x4] =	wrdreg $0x136100  }
0xb1: {  	[dreg:$0x5] =	wrdreg $0x9  }
0xb2: {  	_ =	task.clear_ibuf [dreg:s7], $0x6FFFF;
	_ =	strace $0x90000046  }
0xb3: {  	s29 =	simm.s32 $0x9;
	_ =	strace $0x80000048  }
0xb4: {  	_ =	swait.ge [sflag:s29], $0x1  }
0xb5: {  	[sflag:s29] =	ssyncadd.s32 $0xFFFFFFFF  }
0xb6: {  	_ =	strace $0x90000048  }
0xb7: {  	_ =	sfence  }
0xb8: {  	s30 =	sld [smem:$0x0];
	_ =	sdelay $0x2  }
0xb9: {  	s31 =	sshll.u32 s1, $0xD;
	s1 =	sshrl.u32 s1, $0x2  }
0xba: {  	s3 =	sand.u32 $0x4000, s31;
	s1 =	sadd.s32 s1, s30  }
0xbb: {  	s0 =	sor.u32 s3, s0;
	s1 =	sshll.u32 s1, $0x11  }
0xbc: {  	s0 =	sor.u32 s1, s0  }
0xbd: {  	s0 =	sadd.s32 $0x8F2B, s0  }
0xbe: {  	[sflag:s0] =	ssyncadd.remote.s32 $0x1  }
0xbf: {  	_ =	sfence.sel $0xFFFF  }
0xc0: {  	[dreg:$0x0] =	wrdreg $0xFFFFFFFF;
	(pc) =	sbr.abs _section_cstart, $3  }
0xc1: {  	[dreg:$0x1] =	wrdreg $0xFFFFFFFF  }
0xc2: {  	_ =	task.clear_ibuf [dreg:s7], $0x2FFFF;
	_ =	strace $0x9FFFFFFF  }
0xc3: {  	(tm) =	ssettm $0x7FFFFFFF  }
tec
execute0_lowered:
.L_overlay_start_1:
0x0: {  	(tag) =	ssettag $0x1  }
0x1: {  	s0 =	rddreg [dreg:$0x0]  }
0x2: {  	s1 =	rddreg [dreg:$0x1]  }
0x3: {  	s3 =	srdreg.scid;
	s20 =	stileid.u32  }
0x4: {  	s2 =	rddreg [dreg:$0x2];
	s30 =	simm.s32 $0x2;
	s4 =	smul.u32 $0xC350, s20  }
0x5: {  	s31 =	simm.s32 $0x100;
	s29 =	simm.s32 $0x5100;
	s10 =	smul.u32 $0x1900, s20  }
0x6: {  	s5 =	sand.u32 $0x1, s3;
	s3 =	simm.s32 $0x0;
	s28 =	smul.u32 $0xC400, s20  }
0x7: {  	s6 =	smul.u32 $0xC3500, s5;
	[smem:$0x7FF] =	sst s3;
	s7 =	ssub.s32 $0x2, s5  }
0x8: {  	p0 =	seq.s32 s5, $0x1;
	_ =	strace $0x80000047;
	s9 =	sshrl.u32 s7, $0x1  }
0x9: {  	s11 =	sadd.s32 $0x32000, s10;
	s12 =	sadd.s32 $0x4B000, s10;
	s16 =	sadd.s32 $0x64000, s10  }
0xa: {  	s17 =	sadd.s32 $0x7D000, s10;
	s18 =	sadd.s32 $0x96000, s10;
	s4 =	sadd.s32 s4, s6  }
0xb: {  	s7 =	ssub.s32 s7, s9;
	s9 =	sadd.s32 $0x19000, s10;
	s26 =	sadd.s32 s10, s6  }
0xc: {  	s14 =	sadd.s32 s6, s11;
	s19 =	sadd.s32 s6, s12;
	s21 =	sadd.s32 s6, s16  }
0xd: {  	s22 =	sadd.s32 s6, s17;
	s25 =	sadd.s32 s6, s18;
	s11 =	sadd.s32 s11, s2  }
0xe: {  	s12 =	sadd.s32 s12, s2;
	s16 =	sadd.s32 s16, s2;
	s8 =	sshrl.u32 s4, $0x3  }
0xf: {  	s4 =	sadd.s32 $0x6E1C00, s0;
	s13 =	sadd.s32 s6, s9;
	[dreg:$0xe] =	wrdreg s11  }
0x10: {  	s5 =	sshrl.u32 s26, $0x3;
	s15 =	sshrl.u32 s14, $0x3;
	[dreg:$0xf] =	wrdreg s12  }
0x11: {  	[dreg:$0x10] =	wrdreg s16;
	s13 =	sshrl.u32 s13, $0x3;
	s5 =	sadd.s32 s1, s5  }
0x12: {  	s24 =	sshrl.u32 s22, $0x3;
	[dreg:$0x4] =	wrdreg s5;
	s13 =	sadd.s32 s1, s13  }
0x13: {  	s14 =	sadd.s32 $0x65C00, s0;
	s5 =	sadd.s32 s1, s15;
	[dreg:$0x5] =	wrdreg s13  }
0x14: {  	s8 =	sadd.s32 s8, s0;
	s15 =	sadd.s32 $0xC7C00, s0;
	[dreg:$0x6] =	wrdreg s5  }
0x15: {  	s5 =	sshrl.u32 s19, $0x3;
	s13 =	sshrl.u32 s21, $0x3;
	s19 =	sadd.s32 $0xAF000, s10  }
0x16: {  	s10 =	sadd.s32 s10, s2;
	s5 =	sadd.s32 s1, s5;
	s23 =	sadd.s32 s1, s13  }
0x17: {  	s6 =	sadd.s32 s6, s19;
	s13 =	simm.s32 $0x3C00;
	[dreg:$0xc] =	wrdreg s10  }
0x18: {  	s22 =	sadd.s32 s19, s2;
	s19 =	simm.s32 $0x1;
	[dreg:$0x7] =	wrdreg s5  }
0x19: {  	[dreg:$0x8] =	wrdreg s23;
	s5 =	sadd.s32 s1, s24;
	s26 =	sshrl.u32 s6, $0x3  }
0x1a: {  	s13 =	simm.s32 @!p0 $0x129C00;
	s6 =	smul.u32 $0x6400, s20;
	s23 =	sadd.s32 s9, s2  }
0x1b: {  	s24 =	sadd.s32 s17, s2;
	[dreg:$0x14] =	wrdreg s22;
	p0 =	sgt.u32 s20, $0xC  }
0x1c: {  	s17 =	simm.s32 $0x380;
	s20 =	simm.s32 $0x5900;
	[dreg:$0x9] =	wrdreg s5  }
0x1d: {  	s22 =	simm.s32 $0x880;
	s5 =	sshrl.u32 s25, $0x3;
	[dreg:$0xd] =	wrdreg s23  }
0x1e: {  	s13 =	sadd.s32 s13, s0;
	s25 =	sadd.s32 s18, s2;
	[dreg:$0x11] =	wrdreg s24  }
0x1f: {  	s18 =	simm.s32 $0x4100;
	s5 =	sadd.s32 s1, s5;
	[dreg:$0x12] =	wrdreg s25  }
0x20: {  	s1 =	sadd.s32 s1, s26;
	s21 =	sshrl.u32 s6, $0x2;
	[dreg:$0xa] =	wrdreg s5  }
0x21: {  	s26 =	smax.u32 s7, $0x1;
	s6 =	simm.s32 $0x80;
	[dreg:$0xb] =	wrdreg s1  }
0x22: {  	s7 =	simm.s32 $0x0;
	s0 =	sadd.s32 s21, s2;
	[dreg:$0x15] =	wrdreg s26  }
0x23: {  	s26 =	sadd.s32 $0xE0400, s8;
	s5 =	simm.s32 $0x800;
	s0 =	sadd.s32 $0xAF000, s0  }
0x24: {  	v0 =	vimm.f32 $0.0e+00;
	v1 =	vimm.f32 $1.000000000e+00;
	s21 =	simm.s32 $0x4900;
	[dreg:$0x13] =	wrdreg s0;
	s0 =	simm.s32 $0xC4000  }
.LBB2_1:
0x25: {  	[dreg:$0x16] =	wrdreg s7;
	s1 =	simm.s32 $0x0  }
.LBB2_2:
0x26: {  	p1 =	sne.s32 s1, $0x63C0  }
.Ltmp0:
0x27: {  	_ = 	snop;
	(pc) =	sbr.rel @p1 .LBB2_2-.Ltmp0, $3  }
0x28: {  	_ =	sdelay $0x1  }
0x29: {  	s7 =	sshra.s32 s1, $0x2  }
0x2a: {  	s1 =	sadd.s32 $0x40, s1;
	[tilespmem:s7+$0x11D10] =	vst v0  }
0x2b: {  	s1 =	simm.s32 $0x40;
	s7 =	simm.s32 $0x0  }
.LBB2_4:
0x2c: {  	p1 =	sne.s32 s1, $0x31000;
	[tilespmem:s7+$0x5900] =	vst v0;
	s7 =	smov.u32 s1;
	s1 =	sadd.s32 $0x40, s1  }
.Ltmp1:
0x2d: {  	(pc) =	sbr.rel @p1 .LBB2_4-.Ltmp1, $2  }
0x2e: {  	_ =	sdelay $0x2  }
0x2f: {  	s7 =	sshra.s32 s7, $0x2  }
0x30: {  	[tilespmem:s7+$0x5900] =	vst v0;
	s1 =	simm.s32 $0x11D10  }
0x31: {  	[spmem:s10] =	stream.linear.scatter [tilespmem:s1], [sflag:$0x2], $0x1900, $0x38;
	[tilespmem:$0x1F968] =	vst v63  }
0x32: {  	_ =	swait.ge [sflag:s30], $0x1900  }
0x33: {  	[sflag:s30] =	ssyncset.done $0x0  }
0x34: {  	[sflag:s30] =	ssyncadd.s32 $0xFFFFE700  }
0x35: {  	[spmem:s23] =	stream.linear.scatter [tilespmem:s1], [sflag:$0x2], $0x1900, $0x38;
	[tilespmem:$0x1F968] =	vst v63  }
0x36: {  	_ =	swait.ge [sflag:s30], $0x1900  }
0x37: {  	[sflag:s30] =	ssyncset.done $0x0  }
0x38: {  	[sflag:s30] =	ssyncadd.s32 $0xFFFFE700  }
0x39: {  	[spmem:s11] =	stream.linear.scatter [tilespmem:s1], [sflag:$0x2], $0x1900, $0x38;
	[tilespmem:$0x1F968] =	vst v63  }
0x3a: {  	_ =	swait.ge [sflag:s30], $0x1900  }
0x3b: {  	[sflag:s30] =	ssyncset.done $0x0  }
0x3c: {  	[sflag:s30] =	ssyncadd.s32 $0xFFFFE700  }
0x3d: {  	[spmem:s12] =	stream.linear.scatter [tilespmem:s1], [sflag:$0x2], $0x1900, $0x38;
	[tilespmem:$0x1F968] =	vst v63  }
0x3e: {  	_ =	swait.ge [sflag:s30], $0x1900  }
0x3f: {  	[sflag:s30] =	ssyncset.done $0x0  }
0x40: {  	[sflag:s30] =	ssyncadd.s32 $0xFFFFE700  }
0x41: {  	[spmem:s16] =	stream.linear.scatter [tilespmem:s1], [sflag:$0x2], $0x1900, $0x38;
	[tilespmem:$0x1F968] =	vst v63  }
0x42: {  	_ =	swait.ge [sflag:s30], $0x1900  }
0x43: {  	[sflag:s30] =	ssyncset.done $0x0  }
0x44: {  	[sflag:s30] =	ssyncadd.s32 $0xFFFFE700  }
0x45: {  	[spmem:s24] =	stream.linear.scatter [tilespmem:s1], [sflag:$0x2], $0x1900, $0x38;
	[tilespmem:$0x1F968] =	vst v63  }
0x46: {  	_ =	swait.ge [sflag:s30], $0x1900  }
0x47: {  	[sflag:s30] =	ssyncset.done $0x0  }
0x48: {  	[sflag:s30] =	ssyncadd.s32 $0xFFFFE700  }
0x49: {  	[spmem:s25] =	stream.linear.scatter [tilespmem:s1], [sflag:$0x2], $0x1900, $0x38;
	[tilespmem:$0x1F968] =	vst v63  }
0x4a: {  	_ =	swait.ge [sflag:s30], $0x1900  }
0x4b: {  	[sflag:s30] =	ssyncset.done $0x0  }
0x4c: {  	s1 =	simm.s32 @!p0 $0x11D10;
	s7 =	rddreg [dreg:$0x13];
	[sflag:s30] =	ssyncadd.s32 $0xFFFFE700  }
0x4d: {  	[spmem:s7] =	stream.linear.scatter @!p0 [tilespmem:s1], [sflag:$0x2], $0x1900, $0x38;
	[tilespmem:$0x1F968] =	vst v63  }
0x4e: {  	s1 =	simm.s32 @!p0 $0x2  }
0x4f: {  	_ =	swait.ge @!p0 [sflag:s1], $0x1900  }
0x50: {  	[sflag:s1] =	ssyncset.done @!p0 $0x0  }
0x51: {  	[sflag:s1] =	ssyncadd.s32 @!p0 $0xFFFFE700  }
0x52: {  	s7 =	simm.s32 $0x0;
	s1 =	simm.s32 $0x0;
	[bflag:$0x0] =	sbarrier.arrive $0xFFFF  }
.LBB2_6:
0x53: {  	s8 =	sshll.u32 s7, $0x8  }
0x54: {  	s8 =	sadd.s32 s28, s8  }
0x55: {  	s8 =	sshrl.u32 s8, $0x3  }
0x56: {  	s9 =	sadd.s32 s13, s8  }
0x57: {  	[tilespmem:s1], [sflag:$0x2] =	stream.strided.gather [hbm4b:s9+s31], $0x400, s0, s31, $0x38;
	[tilespmem:$0x1F968] =	vst v63  }
0x58: {  	_ =	swait.ge [sflag:s30], $0x400  }
0x59: {  	[sflag:s30] =	ssyncset.done $0x0  }
0x5a: {  	s10 =	simm.s32 $0x400;
	s25 =	sadd.s32 s14, s8;
	[sflag:s30] =	ssyncadd.s32 $0xFFFFFC00  }
0x5b: {  	[tilespmem:s10], [sflag:$0x2] =	stream.strided.gather [hbm4b:s25+s31], $0x400, s0, s31, $0x38;
	[tilespmem:$0x1F968] =	vst v63  }
0x5c: {  	_ =	swait.ge [sflag:s30], $0x400  }
0x5d: {  	[sflag:s30] =	ssyncset.done $0x0  }
0x5e: {  	s8 =	sadd.s32 s15, s8;
	[sflag:s30] =	ssyncadd.s32 $0xFFFFFC00  }
0x5f: {  	[tilespmem:s5], [sflag:$0x2] =	stream.linear.gather [hbm4b:s8+s1], $0x100, $0x38;
	[tilespmem:$0x1F968] =	vst v63  }
0x60: {  	_ =	swait.ge [sflag:s30], $0x100  }
0x61: {  	[sflag:s30] =	ssyncset.done $0x0  }
0x62: {  	s11 =	simm.s32 $0x900;
	[sflag:s30] =	ssyncadd.s32 $0xFFFFFF00  }
0x63: {  	[tilespmem:s11], [sflag:$0x1] =	stream.indirect.gather [hbm4b:s4+s6], $0x10, s1, s6, $0xb8;
	[tilespmem:$0x1F968] =	vst v63  }
0x64: {  	s12 =	simm.s32 $0x1100  }
0x65: {  	[tilespmem:s12], [sflag:$0x1] =	stream.indirect.gather [hbm4b:s4+s6], $0x10, s6, s6, $0xb8;
	[tilespmem:$0x1F968] =	vst v63  }
0x66: {  	s16 =	simm.s32 $0x1900  }
0x67: {  	[tilespmem:s16], [sflag:$0x1] =	stream.indirect.gather [hbm4b:s4+s6], $0x10, s31, s6, $0xb8;
	[tilespmem:$0x1F968] =	vst v63  }
0x68: {  	s23 =	simm.s32 $0x180;
	s24 =	simm.s32 $0x2100  }
0x69: {  	[tilespmem:s24], [sflag:$0x1] =	stream.indirect.gather [hbm4b:s4+s6], $0x10, s23, s6, $0xb8;
	[tilespmem:$0x1F968] =	vst v63  }
0x6a: {  	s25 =	simm.s32 $0x200;
	s8 =	simm.s32 $0x2900  }
0x6b: {  	[tilespmem:s8], [sflag:$0x1] =	stream.indirect.gather [hbm4b:s4+s6], $0x10, s25, s6, $0xb8;
	[tilespmem:$0x1F968] =	vst v63  }
0x6c: {  	s10 =	simm.s32 $0x280;
	s11 =	simm.s32 $0x3100  }
0x6d: {  	[tilespmem:s11], [sflag:$0x1] =	stream.indirect.gather [hbm4b:s4+s6], $0x10, s10, s6, $0xb8;
	[tilespmem:$0x1F968] =	vst v63  }
0x6e: {  	s12 =	simm.s32 $0x300;
	s16 =	simm.s32 $0x3900  }
0x6f: {  	[tilespmem:s16], [sflag:$0x1] =	stream.indirect.gather [hbm4b:s4+s6], $0x10, s12, s6, $0xb8;
	[tilespmem:$0x1F968] =	vst v63  }
0x70: {  	_ = 	snop  }
0x71: {  	[tilespmem:s18], [sflag:$0x1] =	stream.indirect.gather [hbm4b:s4+s6], $0x10, s17, s6, $0xb8;
	[tilespmem:$0x1F968] =	vst v63  }
0x72: {  	_ =	swait.ge [sflag:s19], $0x800  }
0x73: {  	[sflag:s19] =	ssyncset.done $0x0  }
0x74: {  	[sflag:s19] =	ssyncadd.s32 $0xFFFFF800  }
0x75: {  	_ =	swait.ge [sflag:s19], $0x800  }
0x76: {  	[sflag:s19] =	ssyncset.done $0x0  }
0x77: {  	[sflag:s19] =	ssyncadd.s32 $0xFFFFF800  }
0x78: {  	_ =	swait.ge [sflag:s19], $0x800  }
0x79: {  	[sflag:s19] =	ssyncset.done $0x0  }
0x7a: {  	[sflag:s19] =	ssyncadd.s32 $0xFFFFF800  }
0x7b: {  	_ =	swait.ge [sflag:s19], $0x800  }
0x7c: {  	[sflag:s19] =	ssyncset.done $0x0  }
0x7d: {  	[sflag:s19] =	ssyncadd.s32 $0xFFFFF800  }
0x7e: {  	_ =	swait.ge [sflag:s19], $0x800  }
0x7f: {  	[sflag:s19] =	ssyncset.done $0x0  }
0x80: {  	[sflag:s19] =	ssyncadd.s32 $0xFFFFF800  }
0x81: {  	_ =	swait.ge [sflag:s19], $0x800  }
0x82: {  	[sflag:s19] =	ssyncset.done $0x0  }
0x83: {  	[sflag:s19] =	ssyncadd.s32 $0xFFFFF800  }
0x84: {  	_ =	swait.ge [sflag:s19], $0x800  }
0x85: {  	[sflag:s19] =	ssyncset.done $0x0  }
0x86: {  	[sflag:s19] =	ssyncadd.s32 $0xFFFFF800  }
0x87: {  	s23 =	sand.u32 $0x200, s1;
	_ =	swait.ge [sflag:s19], $0x800  }
0x88: {  	s24 =	sand.u32 $0x70, s1;
	s9 =	sshrl.u32 s23, $0x2;
	[sflag:s19] =	ssyncset.done $0x0  }
0x89: {  	s9 =	sor.u32 s24, s9;
	[sflag:s19] =	ssyncadd.s32 $0xFFFFF800  }
0x8a: {  	v6 =	vld [tilespmem:s9+$0x800];
	_ =	sdelay $0x2  }
0x8b: {  	s25 =	simm.s32 $0x0  }
0x8c: {  	v2 =	vld [tilespmem:s25+$0x700]  }
0x8d: {  	v3 =	vld [tilespmem:s25+$0x600]  }
0x8e: {  	v5 =	vld [tilespmem:s25+$0x500]  }
0x8f: {  	v4 =	vld [tilespmem:s25+$0x400]  }
0x90: {  	[tilespmem:v6+s20+$0x0] =	vst.idx.add.f32.msk $0xffff, v1  }
0x91: {  	v6 =	vld [tilespmem:s8+$0xFFFFE000]  }
0x92: {  	v7 =	vld [tilespmem:s8+$0xFFFFF000];
	_ =	sdelay $0x1  }
0x93: {  	v8 =	vld [tilespmem:s8+$0x0]  }
0x94: {  	v9 =	vbroadcast v4, $0x0;
	v10 =	vbroadcast v5, $0x0  }
0x95: {  	v63 =	vbroadcast v3, $0x0;
	v11 =	vld [tilespmem:s8+$0x1000]  }
0x96: {  	v6 =	vmul.f32 v6, v9;
	v7 =	vmul.f32 v7, v10;
	_ =	sdelay $0x1  }
0x97: {  	v12 =	vbroadcast v2, $0x0;
	v8 =	vmul.f32 v8, v63;
	v6 =	vadd.f32 v7, v6;
	_ =	sdelay $0x1  }
0x98: {  	v7 =	vmul.f32 v11, v12;
	v6 =	vadd.f32 v8, v6;
	_ =	sdelay $0x1  }
0x99: {  	v6 =	vadd.f32 v7, v6  }
0x9a: {  	s9 =	simm.s32 $0x4980  }
0x9b: {  	[tilespmem:s9+$0xFFFFFF80] =	vst v6  }
0x9c: {  	v6 =	vld [tilespmem:s8+$0xFFFFE010]  }
0x9d: {  	v7 =	vld [tilespmem:s8+$0xFFFFF010];
	_ =	sdelay $0x1  }
0x9e: {  	v8 =	vbroadcast v4, $0x1;
	v13 =	vld [tilespmem:s8+$0x10]  }
0x9f: {  	v14 =	vbroadcast v5, $0x1  }
0xa0: {  	v6 =	vmul.f32 v6, v8;
	v8 =	vld [tilespmem:s8+$0x1010]  }
0xa1: {  	v15 =	vbroadcast v3, $0x1;
	v7 =	vmul.f32 v7, v14;
	_ =	sdelay $0x1  }
0xa2: {  	v16 =	vbroadcast v2, $0x1;
	v6 =	vadd.f32 v7, v6;
	v7 =	vmul.f32 v13, v15;
	_ =	sdelay $0x1  }
0xa3: {  	v6 =	vadd.f32 v7, v6;
	v7 =	vmul.f32 v8, v16;
	_ =	sdelay $0x1  }
0xa4: {  	v6 =	vadd.f32 v7, v6;
	_ =	sdelay $0x1  }
0xa5: {  	[tilespmem:s9+$0xFFFFFF90] =	vst v6  }
0xa6: {  	v6 =	vld [tilespmem:s8+$0xFFFFE020]  }
0xa7: {  	v7 =	vld [tilespmem:s8+$0xFFFFF020];
	_ =	sdelay $0x1  }
0xa8: {  	v8 =	vbroadcast v4, $0x2;
	v17 =	vld [tilespmem:s8+$0x20]  }
0xa9: {  	v18 =	vbroadcast v5, $0x2  }
0xaa: {  	v6 =	vmul.f32 v6, v8;
	v8 =	vld [tilespmem:s8+$0x1020]  }
0xab: {  	v19 =	vbroadcast v3, $0x2;
	v7 =	vmul.f32 v7, v18;
	_ =	sdelay $0x1  }
0xac: {  	v20 =	vbroadcast v2, $0x2;
	v6 =	vadd.f32 v7, v6;
	v7 =	vmul.f32 v17, v19;
	_ =	sdelay $0x1  }
0xad: {  	v6 =	vadd.f32 v7, v6;
	v7 =	vmul.f32 v8, v20;
	_ =	sdelay $0x1  }
0xae: {  	v6 =	vadd.f32 v7, v6;
	_ =	sdelay $0x1  }
0xaf: {  	[tilespmem:s9+$0xFFFFFFA0] =	vst v6  }
0xb0: {  	v6 =	vld [tilespmem:s8+$0xFFFFF030]  }
0xb1: {  	v7 =	vld [tilespmem:s8+$0xFFFFE030];
	_ =	sdelay $0x1  }
0xb2: {  	v8 =	vld [tilespmem:s8+$0x30]  }
0xb3: {  	v21 =	vbroadcast v5, $0x3;
	v22 =	vbroadcast v4, $0x3  }
0xb4: {  	v24 =	vbroadcast v3, $0x3;
	v23 =	vld [tilespmem:s8+$0x1030]  }
0xb5: {  	v6 =	vmul.f32 v6, v21;
	v7 =	vmul.f32 v7, v22;
	_ =	sdelay $0x1  }
0xb6: {  	v6 =	vadd.f32 v6, v7;
	v7 =	vmul.f32 v8, v24;
	v8 =	vbroadcast v2, $0x3;
	_ =	sdelay $0x1  }
0xb7: {  	v6 =	vadd.f32 v7, v6;
	v7 =	vmul.f32 v23, v8;
	_ =	sdelay $0x1  }
0xb8: {  	v6 =	vadd.f32 v7, v6;
	_ =	sdelay $0x1  }
0xb9: {  	[tilespmem:s9+$0xFFFFFFB0] =	vst v6  }
0xba: {  	v6 =	vld [tilespmem:s8+$0xFFFFE040]  }
0xbb: {  	v7 =	vld [tilespmem:s8+$0xFFFFF040];
	_ =	sdelay $0x1  }
0xbc: {  	v8 =	vld [tilespmem:s8+$0x40]  }
0xbd: {  	v25 =	vbroadcast v4, $0x4;
	v26 =	vbroadcast v5, $0x4  }
0xbe: {  	v28 =	vbroadcast v3, $0x4;
	v27 =	vld [tilespmem:s8+$0x1040]  }
0xbf: {  	v6 =	vmul.f32 v6, v25;
	v7 =	vmul.f32 v7, v26;
	_ =	sdelay $0x1  }
0xc0: {  	v6 =	vadd.f32 v7, v6;
	v7 =	vmul.f32 v8, v28;
	v8 =	vbroadcast v2, $0x4;
	_ =	sdelay $0x1  }
0xc1: {  	v6 =	vadd.f32 v7, v6;
	v7 =	vmul.f32 v27, v8;
	_ =	sdelay $0x1  }
0xc2: {  	v6 =	vadd.f32 v7, v6;
	_ =	sdelay $0x1  }
0xc3: {  	[tilespmem:s9+$0xFFFFFFC0] =	vst v6  }
0xc4: {  	v6 =	vld [tilespmem:s8+$0xFFFFE050]  }
0xc5: {  	v7 =	vld [tilespmem:s8+$0xFFFFF050];
	_ =	sdelay $0x1  }
0xc6: {  	v8 =	vld [tilespmem:s8+$0x50]  }
0xc7: {  	v29 =	vbroadcast v4, $0x5;
	v30 =	vbroadcast v5, $0x5  }
0xc8: {  	v12 =	vbroadcast v3, $0x5;
	v31 =	vld [tilespmem:s8+$0x1050]  }
0xc9: {  	v6 =	vmul.f32 v6, v29;
	v7 =	vmul.f32 v7, v30;
	_ =	sdelay $0x1  }
0xca: {  	v6 =	vadd.f32 v7, v6;
	v7 =	vmul.f32 v8, v12;
	v8 =	vbroadcast v2, $0x5;
	_ =	sdelay $0x1  }
0xcb: {  	v6 =	vadd.f32 v7, v6;
	v7 =	vmul.f32 v31, v8;
	_ =	sdelay $0x1  }
0xcc: {  	v6 =	vadd.f32 v7, v6;
	_ =	sdelay $0x1  }
0xcd: {  	[tilespmem:s9+$0xFFFFFFD0] =	vst v6  }
0xce: {  	v6 =	vld [tilespmem:s8+$0xFFFFE060]  }
0xcf: {  	v7 =	vld [tilespmem:s8+$0xFFFFF060];
	_ =	sdelay $0x1  }
0xd0: {  	v8 =	vld [tilespmem:s8+$0x60]  }
0xd1: {  	v32 =	vbroadcast v4, $0x6;
	v33 =	vbroadcast v5, $0x6  }
0xd2: {  	v35 =	vbroadcast v3, $0x6;
	v34 =	vld [tilespmem:s8+$0x1060]  }
0xd3: {  	v6 =	vmul.f32 v6, v32;
	v7 =	vmul.f32 v7, v33;
	_ =	sdelay $0x1  }
0xd4: {  	v6 =	vadd.f32 v7, v6;
	v7 =	vmul.f32 v8, v35;
	v8 =	vbroadcast v2, $0x6;
	_ =	sdelay $0x1  }
0xd5: {  	v6 =	vadd.f32 v7, v6;
	v7 =	vmul.f32 v34, v8;
	_ =	sdelay $0x1  }
0xd6: {  	v6 =	vadd.f32 v7, v6;
	_ =	sdelay $0x1  }
0xd7: {  	[tilespmem:s9+$0xFFFFFFE0] =	vst v6  }
0xd8: {  	v6 =	vld [tilespmem:s8+$0xFFFFE070]  }
0xd9: {  	v7 =	vld [tilespmem:s8+$0xFFFFF070];
	_ =	sdelay $0x1  }
0xda: {  	v8 =	vld [tilespmem:s8+$0x70]  }
0xdb: {  	v36 =	vbroadcast v4, $0x7;
	v37 =	vbroadcast v5, $0x7  }
0xdc: {  	v39 =	vbroadcast v3, $0x7;
	v38 =	vld [tilespmem:s8+$0x1070]  }
0xdd: {  	v6 =	vmul.f32 v6, v36;
	v7 =	vmul.f32 v7, v37;
	_ =	sdelay $0x1  }
0xde: {  	v6 =	vadd.f32 v7, v6;
	v7 =	vmul.f32 v8, v39;
	v8 =	vbroadcast v2, $0x7;
	_ =	sdelay $0x1  }
0xdf: {  	v6 =	vadd.f32 v7, v6;
	v7 =	vmul.f32 v38, v8;
	_ =	sdelay $0x1  }
0xe0: {  	v6 =	vadd.f32 v7, v6;
	_ =	sdelay $0x1  }
0xe1: {  	[tilespmem:s9+$0xFFFFFFF0] =	vst v6  }
0xe2: {  	v6 =	vld [tilespmem:s8+$0xFFFFE080]  }
0xe3: {  	v7 =	vld [tilespmem:s8+$0xFFFFF080];
	_ =	sdelay $0x1  }
0xe4: {  	v8 =	vld [tilespmem:s8+$0x80]  }
0xe5: {  	v40 =	vbroadcast v4, $0x8;
	v41 =	vbroadcast v5, $0x8  }
0xe6: {  	v43 =	vbroadcast v3, $0x8;
	v42 =	vld [tilespmem:s8+$0x1080]  }
0xe7: {  	v6 =	vmul.f32 v6, v40;
	v7 =	vmul.f32 v7, v41;
	_ =	sdelay $0x1  }
0xe8: {  	v6 =	vadd.f32 v7, v6;
	v7 =	vmul.f32 v8, v43;
	v8 =	vbroadcast v2, $0x8;
	_ =	sdelay $0x1  }
0xe9: {  	v6 =	vadd.f32 v7, v6;
	v7 =	vmul.f32 v42, v8;
	_ =	sdelay $0x1  }
0xea: {  	v6 =	vadd.f32 v7, v6;
	_ =	sdelay $0x1  }
0xeb: {  	[tilespmem:s9+$0x0] =	vst v6  }
0xec: {  	v6 =	vld [tilespmem:s8+$0xFFFFE090]  }
0xed: {  	v7 =	vld [tilespmem:s8+$0xFFFFF090];
	_ =	sdelay $0x1  }
0xee: {  	v8 =	vld [tilespmem:s8+$0x90]  }
0xef: {  	v44 =	vbroadcast v4, $0x9;
	v45 =	vbroadcast v5, $0x9  }
0xf0: {  	v47 =	vbroadcast v3, $0x9;
	v46 =	vld [tilespmem:s8+$0x1090]  }
0xf1: {  	v6 =	vmul.f32 v6, v44;
	v7 =	vmul.f32 v7, v45;
	_ =	sdelay $0x1  }
0xf2: {  	v6 =	vadd.f32 v7, v6;
	v7 =	vmul.f32 v8, v47;
	v8 =	vbroadcast v2, $0x9;
	_ =	sdelay $0x1  }
0xf3: {  	v6 =	vadd.f32 v7, v6;
	v7 =	vmul.f32 v46, v8;
	_ =	sdelay $0x1  }
0xf4: {  	v6 =	vadd.f32 v7, v6;
	_ =	sdelay $0x1  }
0xf5: {  	[tilespmem:s9+$0x10] =	vst v6  }
0xf6: {  	v6 =	vld [tilespmem:s8+$0xFFFFE0A0]  }
0xf7: {  	v7 =	vld [tilespmem:s8+$0xFFFFF0A0];
	_ =	sdelay $0x1  }
0xf8: {  	v8 =	vld [tilespmem:s8+$0xA0]  }
0xf9: {  	v48 =	vbroadcast v4, $0xA;
	v49 =	vbroadcast v5, $0xA  }
0xfa: {  	v51 =	vbroadcast v3, $0xA;
	v50 =	vld [tilespmem:s8+$0x10A0]  }
0xfb: {  	v6 =	vmul.f32 v6, v48;
	v7 =	vmul.f32 v7, v49;
	_ =	sdelay $0x1  }
0xfc: {  	v6 =	vadd.f32 v7, v6;
	v7 =	vmul.f32 v8, v51;
	v8 =	vbroadcast v2, $0xA;
	_ =	sdelay $0x1  }
0xfd: {  	v6 =	vadd.f32 v7, v6;
	v7 =	vmul.f32 v50, v8;
	_ =	sdelay $0x1  }
0xfe: {  	v6 =	vadd.f32 v7, v6;
	_ =	sdelay $0x1  }
0xff: {  	[tilespmem:s9+$0x20] =	vst v6  }
0x100: {  	v6 =	vld [tilespmem:s8+$0xFFFFE0B0]  }
0x101: {  	v7 =	vld [tilespmem:s8+$0xFFFFF0B0];
	_ =	sdelay $0x1  }
0x102: {  	v8 =	vld [tilespmem:s8+$0xB0]  }
0x103: {  	v52 =	vbroadcast v4, $0xB;
	v53 =	vbroadcast v5, $0xB  }
0x104: {  	v55 =	vbroadcast v3, $0xB;
	v54 =	vld [tilespmem:s8+$0x10B0]  }
0x105: {  	v6 =	vmul.f32 v6, v52;
	v7 =	vmul.f32 v7, v53;
	_ =	sdelay $0x1  }
0x106: {  	v6 =	vadd.f32 v7, v6;
	v7 =	vmul.f32 v8, v55;
	v8 =	vbroadcast v2, $0xB;
	_ =	sdelay $0x1  }
0x107: {  	v6 =	vadd.f32 v7, v6;
	v7 =	vmul.f32 v54, v8;
	_ =	sdelay $0x1  }
0x108: {  	v6 =	vadd.f32 v7, v6;
	_ =	sdelay $0x1  }
0x109: {  	[tilespmem:s9+$0x30] =	vst v6  }
0x10a: {  	v6 =	vld [tilespmem:s8+$0xFFFFE0C0]  }
0x10b: {  	v7 =	vld [tilespmem:s8+$0xFFFFF0C0];
	_ =	sdelay $0x1  }
0x10c: {  	v8 =	vld [tilespmem:s8+$0xC0]  }
0x10d: {  	v56 =	vbroadcast v4, $0xC;
	v57 =	vbroadcast v5, $0xC  }
0x10e: {  	v59 =	vbroadcast v3, $0xC;
	v58 =	vld [tilespmem:s8+$0x10C0]  }
0x10f: {  	v6 =	vmul.f32 v6, v56;
	v7 =	vmul.f32 v7, v57;
	_ =	sdelay $0x1  }
0x110: {  	v6 =	vadd.f32 v7, v6;
	v7 =	vmul.f32 v8, v59;
	v8 =	vbroadcast v2, $0xC;
	_ =	sdelay $0x1  }
0x111: {  	v6 =	vadd.f32 v7, v6;
	v7 =	vmul.f32 v58, v8;
	_ =	sdelay $0x1  }
0x112: {  	v6 =	vadd.f32 v7, v6;
	_ =	sdelay $0x1  }
0x113: {  	[tilespmem:s9+$0x40] =	vst v6  }
0x114: {  	v6 =	vld [tilespmem:s8+$0xFFFFE0D0]  }
0x115: {  	v7 =	vld [tilespmem:s8+$0xFFFFF0D0];
	_ =	sdelay $0x1  }
0x116: {  	v8 =	vld [tilespmem:s8+$0xD0]  }
0x117: {  	v60 =	vbroadcast v4, $0xD;
	v61 =	vbroadcast v5, $0xD  }
0x118: {  	v63 =	vbroadcast v3, $0xD;
	v62 =	vld [tilespmem:s8+$0x10D0]  }
0x119: {  	v6 =	vmul.f32 v6, v60;
	v7 =	vmul.f32 v7, v61;
	_ =	sdelay $0x1  }
0x11a: {  	v6 =	vadd.f32 v7, v6;
	v7 =	vmul.f32 v8, v63;
	v8 =	vbroadcast v2, $0xD;
	_ =	sdelay $0x1  }
0x11b: {  	v6 =	vadd.f32 v7, v6;
	v7 =	vmul.f32 v62, v8;
	_ =	sdelay $0x1  }
0x11c: {  	v6 =	vadd.f32 v7, v6;
	_ =	sdelay $0x1  }
0x11d: {  	s23 =	simm.s32 $0x2900;
	[tilespmem:s9+$0x50] =	vst v6  }
0x11e: {  	s11 =	simm.s32 $0x40;
	s10 =	simm.s32 $0x4980;
	s12 =	simm.s32 $0x0;
	v6 =	vld [tilespmem:s8+$0xFFFFE0E0]  }
.LBB2_7:
0x11f: {  	v7 =	vld [tilespmem:s8+$0xFFFFF0E0];
	s12 =	sadd.s32 $0x10, s12;
	s23 =	sadd.s32 $0x100, s23;
	s9 =	sadd.s32 $0x100, s9  }
0x120: {  	p1 =	sne.s32 s11, $0x3C0;
	s24 =	smov.u32 s11;
	s11 =	sadd.s32 $0x40, s11;
	v8 =	vld [tilespmem:s8+$0xE0]  }
0x121: {  	v9 =	vbroadcast v4, $0xE;
	v10 =	vld [tilespmem:s8+$0x10E0]  }
0x122: {  	v11 =	vbroadcast v5, $0xE  }
0x123: {  	v6 =	vmul.f32 v6, v9  }
0x124: {  	v9 =	vbroadcast v3, $0xE;
	v7 =	vmul.f32 v7, v11;
	_ =	sdelay $0x1  }
0x125: {  	v6 =	vadd.f32 v7, v6;
	v7 =	vmul.f32 v8, v9;
	v8 =	vbroadcast v2, $0xE;
	_ =	sdelay $0x1  }
0x126: {  	v6 =	vadd.f32 v7, v6;
	v7 =	vmul.f32 v10, v8;
	_ =	sdelay $0x1  }
0x127: {  	v6 =	vadd.f32 v7, v6;
	_ =	sdelay $0x1  }
0x128: {  	[tilespmem:s10+$0x60] =	vst v6  }
0x129: {  	s25 =	sand.u32 $0x200, s24;
	v6 =	vld [tilespmem:s8+$0xFFFFF0F0]  }
0x12a: {  	s16 =	sand.u32 $0x70, s12;
	s25 =	sshrl.u32 s25, $0x2;
	v7 =	vld [tilespmem:s8+$0xFFFFE0F0]  }
0x12b: {  	s16 =	sor.u32 s16, s25;
	v8 =	vld [tilespmem:s8+$0xF0]  }
0x12c: {  	v5 =	vbroadcast v5, $0xF;
	v9 =	vld [tilespmem:s8+$0x10F0];
	s8 =	smov.u32 s23  }
0x12d: {  	v4 =	vbroadcast v4, $0xF  }
0x12e: {  	v5 =	vmul.f32 v6, v5  }
0x12f: {  	v3 =	vbroadcast v3, $0xF;
	v4 =	vmul.f32 v7, v4  }
0x130: {  	v2 =	vbroadcast v2, $0xF  }
0x131: {  	v3 =	vmul.f32 v8, v3;
	v4 =	vadd.f32 v5, v4  }
0x132: {  	v2 =	vmul.f32 v9, v2  }
0x133: {  	v3 =	vadd.f32 v3, v4;
	_ =	sdelay $0x1  }
0x134: {  	v2 =	vadd.f32 v2, v3;
	_ =	sdelay $0x1  }
0x135: {  	[tilespmem:s10+$0x70] =	vst v2;
	s10 =	smov.u32 s9  }
0x136: {  	v6 =	vld [tilespmem:s16+$0x800]  }
0x137: {  	s16 =	sshra.s32 s24, $0x2  }
0x138: {  	v2 =	vld [tilespmem:s16+$0x700];
	_ =	sdelay $0x2  }
0x139: {  	v3 =	vld [tilespmem:s16+$0x600]  }
0x13a: {  	v5 =	vld [tilespmem:s16+$0x500]  }
0x13b: {  	v4 =	vld [tilespmem:s16+$0x400];
	v7 =	vbroadcast v2, $0x0  }
0x13c: {  	[tilespmem:v6+s20+$0x0] =	vst.idx.add.f32.msk $0xffff, v1  }
0x13d: {  	v6 =	vld [tilespmem:s23+$0xFFFFE000]  }
0x13e: {  	v8 =	vld [tilespmem:s23+$0xFFFFF000]  }
0x13f: {  	v9 =	vld [tilespmem:s23+$0x0]  }
0x140: {  	v10 =	vbroadcast v4, $0x0  }
0x141: {  	v11 =	vbroadcast v5, $0x0;
	v12 =	vld [tilespmem:s23+$0x1000]  }
0x142: {  	v6 =	vmul.f32 v6, v10;
	v10 =	vbroadcast v3, $0x0  }
0x143: {  	v8 =	vmul.f32 v8, v11  }
0x144: {  	v9 =	vmul.f32 v9, v10  }
0x145: {  	v6 =	vadd.f32 v8, v6  }
0x146: {  	v7 =	vmul.f32 v12, v7  }
0x147: {  	v6 =	vadd.f32 v9, v6;
	_ =	sdelay $0x1  }
0x148: {  	v6 =	vadd.f32 v7, v6;
	_ =	sdelay $0x1  }
0x149: {  	[tilespmem:s9+$0xFFFFFF80] =	vst v6  }
0x14a: {  	v6 =	vld [tilespmem:s23+$0xFFFFE010]  }
0x14b: {  	v7 =	vld [tilespmem:s23+$0xFFFFF010];
	_ =	sdelay $0x1  }
0x14c: {  	v8 =	vbroadcast v4, $0x1;
	v9 =	vld [tilespmem:s23+$0x10]  }
0x14d: {  	v10 =	vbroadcast v5, $0x1  }
0x14e: {  	v6 =	vmul.f32 v6, v8;
	v8 =	vld [tilespmem:s23+$0x1010]  }
0x14f: {  	v7 =	vmul.f32 v7, v10;
	v10 =	vbroadcast v3, $0x1;
	_ =	sdelay $0x1  }
0x150: {  	v6 =	vadd.f32 v7, v6;
	v7 =	vmul.f32 v9, v10;
	v9 =	vbroadcast v2, $0x1;
	_ =	sdelay $0x1  }
0x151: {  	v6 =	vadd.f32 v7, v6;
	v7 =	vmul.f32 v8, v9;
	_ =	sdelay $0x1  }
0x152: {  	v6 =	vadd.f32 v7, v6;
	_ =	sdelay $0x1  }
0x153: {  	[tilespmem:s9+$0xFFFFFF90] =	vst v6  }
0x154: {  	v6 =	vld [tilespmem:s23+$0xFFFFE020]  }
0x155: {  	v7 =	vld [tilespmem:s23+$0xFFFFF020];
	_ =	sdelay $0x1  }
0x156: {  	v8 =	vbroadcast v4, $0x2;
	v9 =	vld [tilespmem:s23+$0x20]  }
0x157: {  	v10 =	vbroadcast v5, $0x2  }
0x158: {  	v6 =	vmul.f32 v6, v8;
	v8 =	vld [tilespmem:s23+$0x1020]  }
0x159: {  	v7 =	vmul.f32 v7, v10;
	v10 =	vbroadcast v3, $0x2;
	_ =	sdelay $0x1  }
0x15a: {  	v6 =	vadd.f32 v7, v6;
	v7 =	vmul.f32 v9, v10;
	v9 =	vbroadcast v2, $0x2;
	_ =	sdelay $0x1  }
0x15b: {  	v6 =	vadd.f32 v7, v6;
	v7 =	vmul.f32 v8, v9;
	_ =	sdelay $0x1  }
0x15c: {  	v6 =	vadd.f32 v7, v6;
	_ =	sdelay $0x1  }
0x15d: {  	[tilespmem:s9+$0xFFFFFFA0] =	vst v6  }
0x15e: {  	v6 =	vld [tilespmem:s23+$0xFFFFF030]  }
0x15f: {  	v7 =	vld [tilespmem:s23+$0xFFFFE030]  }
0x160: {  	v8 =	vld [tilespmem:s23+$0x30]  }
0x161: {  	v9 =	vbroadcast v5, $0x3;
	v10 =	vld [tilespmem:s23+$0x1030]  }
0x162: {  	v11 =	vbroadcast v4, $0x3  }
0x163: {  	v6 =	vmul.f32 v6, v9  }
0x164: {  	v9 =	vbroadcast v3, $0x3;
	v7 =	vmul.f32 v7, v11;
	_ =	sdelay $0x1  }
0x165: {  	v6 =	vadd.f32 v6, v7;
	v7 =	vmul.f32 v8, v9;
	v8 =	vbroadcast v2, $0x3;
	_ =	sdelay $0x1  }
0x166: {  	v6 =	vadd.f32 v7, v6;
	v7 =	vmul.f32 v10, v8;
	_ =	sdelay $0x1  }
0x167: {  	v6 =	vadd.f32 v7, v6;
	_ =	sdelay $0x1  }
0x168: {  	[tilespmem:s9+$0xFFFFFFB0] =	vst v6  }
0x169: {  	v6 =	vld [tilespmem:s23+$0xFFFFE040]  }
0x16a: {  	v7 =	vld [tilespmem:s23+$0xFFFFF040]  }
0x16b: {  	v8 =	vld [tilespmem:s23+$0x40]  }
0x16c: {  	v9 =	vbroadcast v4, $0x4;
	v10 =	vld [tilespmem:s23+$0x1040]  }
0x16d: {  	v11 =	vbroadcast v5, $0x4  }
0x16e: {  	v6 =	vmul.f32 v6, v9  }
0x16f: {  	v9 =	vbroadcast v3, $0x4;
	v7 =	vmul.f32 v7, v11;
	_ =	sdelay $0x1  }
0x170: {  	v6 =	vadd.f32 v7, v6;
	v7 =	vmul.f32 v8, v9;
	v8 =	vbroadcast v2, $0x4;
	_ =	sdelay $0x1  }
0x171: {  	v6 =	vadd.f32 v7, v6;
	v7 =	vmul.f32 v10, v8;
	_ =	sdelay $0x1  }
0x172: {  	v6 =	vadd.f32 v7, v6;
	_ =	sdelay $0x1  }
0x173: {  	[tilespmem:s9+$0xFFFFFFC0] =	vst v6  }
0x174: {  	v6 =	vld [tilespmem:s23+$0xFFFFE050]  }
0x175: {  	v7 =	vld [tilespmem:s23+$0xFFFFF050]  }
0x176: {  	v8 =	vld [tilespmem:s23+$0x50]  }
0x177: {  	v9 =	vld [tilespmem:s23+$0x1050]  }
0x178: {  	v11 =	vbroadcast v5, $0x5;
	v10 =	vbroadcast v4, $0x5  }
0x179: {  	v12 =	vbroadcast v3, $0x5  }
0x17a: {  	v6 =	vmul.f32 v6, v10;
	v7 =	vmul.f32 v7, v11;
	_ =	sdelay $0x1  }
0x17b: {  	v6 =	vadd.f32 v7, v6;
	v7 =	vmul.f32 v8, v12;
	v8 =	vbroadcast v2, $0x5;
	_ =	sdelay $0x1  }
0x17c: {  	v6 =	vadd.f32 v7, v6;
	v7 =	vmul.f32 v9, v8;
	_ =	sdelay $0x1  }
0x17d: {  	v6 =	vadd.f32 v7, v6;
	_ =	sdelay $0x1  }
0x17e: {  	[tilespmem:s9+$0xFFFFFFD0] =	vst v6  }
0x17f: {  	v6 =	vld [tilespmem:s23+$0xFFFFE060]  }
0x180: {  	v7 =	vld [tilespmem:s23+$0xFFFFF060]  }
0x181: {  	v8 =	vld [tilespmem:s23+$0x60]  }
0x182: {  	v9 =	vbroadcast v4, $0x6;
	v10 =	vld [tilespmem:s23+$0x1060]  }
0x183: {  	v11 =	vbroadcast v5, $0x6  }
0x184: {  	v6 =	vmul.f32 v6, v9  }
0x185: {  	v9 =	vbroadcast v3, $0x6;
	v7 =	vmul.f32 v7, v11;
	_ =	sdelay $0x1  }
0x186: {  	v6 =	vadd.f32 v7, v6;
	v7 =	vmul.f32 v8, v9;
	v8 =	vbroadcast v2, $0x6;
	_ =	sdelay $0x1  }
0x187: {  	v6 =	vadd.f32 v7, v6;
	v7 =	vmul.f32 v10, v8;
	_ =	sdelay $0x1  }
0x188: {  	v6 =	vadd.f32 v7, v6;
	_ =	sdelay $0x1  }
0x189: {  	[tilespmem:s9+$0xFFFFFFE0] =	vst v6  }
0x18a: {  	v6 =	vld [tilespmem:s23+$0xFFFFE070]  }
0x18b: {  	v7 =	vld [tilespmem:s23+$0xFFFFF070]  }
0x18c: {  	v8 =	vld [tilespmem:s23+$0x70]  }
0x18d: {  	v9 =	vbroadcast v4, $0x7;
	v10 =	vld [tilespmem:s23+$0x1070]  }
0x18e: {  	v11 =	vbroadcast v5, $0x7  }
0x18f: {  	v6 =	vmul.f32 v6, v9  }
0x190: {  	v9 =	vbroadcast v3, $0x7;
	v7 =	vmul.f32 v7, v11;
	_ =	sdelay $0x1  }
0x191: {  	v6 =	vadd.f32 v7, v6;
	v7 =	vmul.f32 v8, v9;
	v8 =	vbroadcast v2, $0x7;
	_ =	sdelay $0x1  }
0x192: {  	v6 =	vadd.f32 v7, v6;
	v7 =	vmul.f32 v10, v8;
	_ =	sdelay $0x1  }
0x193: {  	v6 =	vadd.f32 v7, v6;
	_ =	sdelay $0x1  }
0x194: {  	[tilespmem:s9+$0xFFFFFFF0] =	vst v6  }
0x195: {  	v6 =	vld [tilespmem:s23+$0xFFFFE080]  }
0x196: {  	v7 =	vld [tilespmem:s23+$0xFFFFF080]  }
0x197: {  	v8 =	vld [tilespmem:s23+$0x80]  }
0x198: {  	v9 =	vld [tilespmem:s23+$0x1080]  }
0x199: {  	v11 =	vbroadcast v5, $0x8;
	v10 =	vbroadcast v4, $0x8  }
0x19a: {  	v12 =	vbroadcast v3, $0x8  }
0x19b: {  	v6 =	vmul.f32 v6, v10;
	v7 =	vmul.f32 v7, v11;
	_ =	sdelay $0x1  }
0x19c: {  	v6 =	vadd.f32 v7, v6;
	v7 =	vmul.f32 v8, v12;
	v8 =	vbroadcast v2, $0x8;
	_ =	sdelay $0x1  }
0x19d: {  	v6 =	vadd.f32 v7, v6;
	v7 =	vmul.f32 v9, v8;
	_ =	sdelay $0x1  }
0x19e: {  	v6 =	vadd.f32 v7, v6;
	_ =	sdelay $0x1  }
0x19f: {  	[tilespmem:s9+$0x0] =	vst v6  }
0x1a0: {  	v6 =	vld [tilespmem:s23+$0xFFFFE090]  }
0x1a1: {  	v7 =	vld [tilespmem:s23+$0xFFFFF090]  }
0x1a2: {  	v8 =	vld [tilespmem:s23+$0x90]  }
0x1a3: {  	v9 =	vbroadcast v4, $0x9;
	v10 =	vld [tilespmem:s23+$0x1090]  }
0x1a4: {  	v11 =	vbroadcast v5, $0x9  }
0x1a5: {  	v6 =	vmul.f32 v6, v9  }
0x1a6: {  	v9 =	vbroadcast v3, $0x9;
	v7 =	vmul.f32 v7, v11;
	_ =	sdelay $0x1  }
0x1a7: {  	v6 =	vadd.f32 v7, v6;
	v7 =	vmul.f32 v8, v9;
	v8 =	vbroadcast v2, $0x9;
	_ =	sdelay $0x1  }
0x1a8: {  	v6 =	vadd.f32 v7, v6;
	v7 =	vmul.f32 v10, v8;
	_ =	sdelay $0x1  }
0x1a9: {  	v6 =	vadd.f32 v7, v6;
	_ =	sdelay $0x1  }
0x1aa: {  	[tilespmem:s9+$0x10] =	vst v6  }
0x1ab: {  	v6 =	vld [tilespmem:s23+$0xFFFFE0A0]  }
0x1ac: {  	v7 =	vld [tilespmem:s23+$0xFFFFF0A0]  }
0x1ad: {  	v8 =	vld [tilespmem:s23+$0xA0]  }
0x1ae: {  	v9 =	vbroadcast v4, $0xA;
	v10 =	vld [tilespmem:s23+$0x10A0]  }
0x1af: {  	v11 =	vbroadcast v5, $0xA  }
0x1b0: {  	v6 =	vmul.f32 v6, v9  }
0x1b1: {  	v9 =	vbroadcast v3, $0xA;
	v7 =	vmul.f32 v7, v11;
	_ =	sdelay $0x1  }
0x1b2: {  	v6 =	vadd.f32 v7, v6;
	v7 =	vmul.f32 v8, v9;
	v8 =	vbroadcast v2, $0xA;
	_ =	sdelay $0x1  }
0x1b3: {  	v6 =	vadd.f32 v7, v6;
	v7 =	vmul.f32 v10, v8;
	_ =	sdelay $0x1  }
0x1b4: {  	v6 =	vadd.f32 v7, v6;
	_ =	sdelay $0x1  }
0x1b5: {  	[tilespmem:s9+$0x20] =	vst v6  }
0x1b6: {  	v6 =	vld [tilespmem:s23+$0xFFFFE0B0]  }
0x1b7: {  	v7 =	vld [tilespmem:s23+$0xFFFFF0B0]  }
0x1b8: {  	v8 =	vld [tilespmem:s23+$0xB0]  }
0x1b9: {  	v9 =	vld [tilespmem:s23+$0x10B0]  }
0x1ba: {  	v11 =	vbroadcast v5, $0xB;
	v10 =	vbroadcast v4, $0xB  }
0x1bb: {  	v12 =	vbroadcast v3, $0xB  }
0x1bc: {  	v6 =	vmul.f32 v6, v10;
	v7 =	vmul.f32 v7, v11;
	_ =	sdelay $0x1  }
0x1bd: {  	v6 =	vadd.f32 v7, v6;
	v7 =	vmul.f32 v8, v12;
	v8 =	vbroadcast v2, $0xB;
	_ =	sdelay $0x1  }
0x1be: {  	v6 =	vadd.f32 v7, v6;
	v7 =	vmul.f32 v9, v8;
	_ =	sdelay $0x1  }
0x1bf: {  	v6 =	vadd.f32 v7, v6;
	_ =	sdelay $0x1  }
0x1c0: {  	[tilespmem:s9+$0x30] =	vst v6  }
0x1c1: {  	v6 =	vld [tilespmem:s23+$0xFFFFE0C0]  }
0x1c2: {  	v7 =	vld [tilespmem:s23+$0xFFFFF0C0]  }
0x1c3: {  	v8 =	vld [tilespmem:s23+$0xC0]  }
0x1c4: {  	v9 =	vbroadcast v4, $0xC;
	v10 =	vld [tilespmem:s23+$0x10C0]  }
0x1c5: {  	v11 =	vbroadcast v5, $0xC  }
0x1c6: {  	v6 =	vmul.f32 v6, v9  }
0x1c7: {  	v9 =	vbroadcast v3, $0xC;
	v7 =	vmul.f32 v7, v11;
	_ =	sdelay $0x1  }
0x1c8: {  	v6 =	vadd.f32 v7, v6;
	v7 =	vmul.f32 v8, v9;
	v8 =	vbroadcast v2, $0xC;
	_ =	sdelay $0x1  }
0x1c9: {  	v6 =	vadd.f32 v7, v6;
	v7 =	vmul.f32 v10, v8;
	_ =	sdelay $0x1  }
0x1ca: {  	v6 =	vadd.f32 v7, v6;
	_ =	sdelay $0x1  }
0x1cb: {  	[tilespmem:s9+$0x40] =	vst v6  }
0x1cc: {  	v6 =	vld [tilespmem:s23+$0xFFFFE0D0]  }
0x1cd: {  	v7 =	vld [tilespmem:s23+$0xFFFFF0D0]  }
0x1ce: {  	v8 =	vld [tilespmem:s23+$0xD0]  }
0x1cf: {  	v9 =	vld [tilespmem:s23+$0x10D0]  }
0x1d0: {  	v11 =	vbroadcast v5, $0xD;
	v10 =	vbroadcast v4, $0xD  }
0x1d1: {  	v12 =	vbroadcast v3, $0xD  }
0x1d2: {  	v6 =	vmul.f32 v6, v10;
	v7 =	vmul.f32 v7, v11;
	_ =	sdelay $0x1  }
0x1d3: {  	v6 =	vadd.f32 v7, v6;
	v7 =	vmul.f32 v8, v12;
	v8 =	vbroadcast v2, $0xD;
	_ =	sdelay $0x1  }
0x1d4: {  	v6 =	vadd.f32 v7, v6;
	v7 =	vmul.f32 v9, v8  }
.Ltmp2:
0x1d5: {  	(pc) =	sbr.rel @p1 .LBB2_7-.Ltmp2, $3  }
0x1d6: {  	v6 =	vadd.f32 v7, v6;
	_ =	sdelay $0x1  }
0x1d7: {  	[tilespmem:s9+$0x50] =	vst v6  }
0x1d8: {  	v6 =	vld [tilespmem:s23+$0xFFFFE0E0]  }
0x1d9: {  	v7 =	vld [tilespmem:s8+$0xFFFFF0E0];
	_ =	sdelay $0x1  }
0x1da: {  	v8 =	vld [tilespmem:s8+$0xE0]  }
0x1db: {  	v9 =	vbroadcast v4, $0xE;
	v10 =	vbroadcast v5, $0xE  }
0x1dc: {  	v11 =	vld [tilespmem:s8+$0x10E0];
	v55 =	vbroadcast v3, $0xE  }
0x1dd: {  	v6 =	vmul.f32 v6, v9;
	v7 =	vmul.f32 v7, v10;
	_ =	sdelay $0x1  }
0x1de: {  	v57 =	vbroadcast v2, $0xE;
	v56 =	vmul.f32 v8, v55;
	v6 =	vadd.f32 v7, v6;
	_ =	sdelay $0x1  }
0x1df: {  	v58 =	vmul.f32 v11, v57;
	v6 =	vadd.f32 v56, v6;
	_ =	sdelay $0x1  }
0x1e0: {  	v6 =	vadd.f32 v58, v6;
	_ =	sdelay $0x1  }
0x1e1: {  	[tilespmem:s10+$0x60] =	vst v6  }
0x1e2: {  	v6 =	vld [tilespmem:s8+$0xFFFFF0F0]  }
0x1e3: {  	v59 =	vld [tilespmem:s8+$0xFFFFE0F0];
	_ =	sdelay $0x1  }
0x1e4: {  	v60 =	vld [tilespmem:s8+$0xF0]  }
0x1e5: {  	v61 =	vbroadcast v5, $0xF;
	v62 =	vbroadcast v4, $0xF  }
0x1e6: {  	v3 =	vbroadcast v3, $0xF;
	v63 =	vld [tilespmem:s8+$0x10F0]  }
0x1e7: {  	v5 =	vmul.f32 v6, v61;
	v4 =	vmul.f32 v59, v62;
	_ =	sdelay $0x1  }
0x1e8: {  	v2 =	vbroadcast v2, $0xF;
	v3 =	vmul.f32 v60, v3;
	v4 =	vadd.f32 v5, v4;
	_ =	sdelay $0x1  }
0x1e9: {  	v2 =	vmul.f32 v63, v2;
	v3 =	vadd.f32 v3, v4;
	_ =	sdelay $0x1  }
0x1ea: {  	v2 =	vadd.f32 v2, v3;
	_ =	sdelay $0x1  }
0x1eb: {  	[tilespmem:s10+$0x70] =	vst v2  }
0x1ec: {  	[spmem:s2] =	stream.indirect.scatter.add.f32 [tilespmem:s21], [sflag:$0x2], $0x10, s5, s6, $0xb8;
	[tilespmem:$0x1F968] =	vst v63  }
0x1ed: {  	s7 =	sadd.s32 $0x1, s7;
	_ =	swait.ge [sflag:s30], $0x800  }
0x1ee: {  	p1 =	sne.s32 s7, $0xC4;
	[sflag:s30] =	ssyncset.done $0x0  }
.Ltmp3:
0x1ef: {  	[sflag:s30] =	ssyncadd.s32 $0xFFFFF800;
	(pc) =	sbr.rel @p1 .LBB2_6-.Ltmp3, $4  }
0x1f0: {  	[spmem:s2] =	stream.indirect.scatter.add.f32 [tilespmem:s29], [sflag:$0x2], $0x10, s22, s6, $0xb8;
	[tilespmem:$0x1F968] =	vst v63  }
0x1f1: {  	_ =	swait.ge [sflag:s30], $0x800  }
0x1f2: {  	[sflag:s30] =	ssyncset.done $0x0  }
0x1f3: {  	[sflag:s30] =	ssyncadd.s32 $0xFFFFF800  }
0x1f4: {  	[bflag:$0x0] =	sbarrier.arrive $0xFFFF  }
0x1f5: {  	s7 =	simm.s32 $0x11D10;
	s10 =	rddreg [dreg:$0xc]  }
0x1f6: {  	[tilespmem:s7], [sflag:$0x2] =	stream.linear.gather [spmem:s10], $0x1900, $0x38;
	[tilespmem:$0x1F968] =	vst v63  }
0x1f7: {  	_ =	swait.ge [sflag:s30], $0x1900  }
0x1f8: {  	[sflag:s30] =	ssyncset.done $0x0  }
0x1f9: {  	s1 =	rddreg [dreg:$0x4];
	[sflag:s30] =	ssyncadd.s32 $0xFFFFE700  }
0x1fa: {  	[hbm4b:s1+s3] =	stream.linear.scatter [tilespmem:s7], [sflag:$0x2], $0x1900, $0x38;
	[tilespmem:$0x1F968] =	vst v63  }
0x1fb: {  	_ =	swait.ge [sflag:s30], $0x1900  }
0x1fc: {  	[sflag:s30] =	ssyncset.done $0x0  }
0x1fd: {  	s23 =	rddreg [dreg:$0xd];
	[sflag:s30] =	ssyncadd.s32 $0xFFFFE700  }
0x1fe: {  	[tilespmem:s7], [sflag:$0x2] =	stream.linear.gather [spmem:s23], $0x1900, $0x38;
	[tilespmem:$0x1F968] =	vst v63  }
0x1ff: {  	_ =	swait.ge [sflag:s30], $0x1900  }
0x200: {  	[sflag:s30] =	ssyncset.done $0x0  }
0x201: {  	s11 =	rddreg [dreg:$0x5];
	[sflag:s30] =	ssyncadd.s32 $0xFFFFE700  }
0x202: {  	[hbm4b:s11+s3] =	stream.linear.scatter [tilespmem:s7], [sflag:$0x2], $0x1900, $0x38;
	[tilespmem:$0x1F968] =	vst v63  }
0x203: {  	_ =	swait.ge [sflag:s30], $0x1900  }
0x204: {  	[sflag:s30] =	ssyncset.done $0x0  }
0x205: {  	s11 =	rddreg [dreg:$0xe];
	[sflag:s30] =	ssyncadd.s32 $0xFFFFE700  }
0x206: {  	[tilespmem:s7], [sflag:$0x2] =	stream.linear.gather [spmem:s11], $0x1900, $0x38;
	[tilespmem:$0x1F968] =	vst v63  }
0x207: {  	_ =	swait.ge [sflag:s30], $0x1900  }
0x208: {  	[sflag:s30] =	ssyncset.done $0x0  }
0x209: {  	s12 =	rddreg [dreg:$0x6];
	[sflag:s30] =	ssyncadd.s32 $0xFFFFE700  }
0x20a: {  	[hbm4b:s12+s3] =	stream.linear.scatter [tilespmem:s7], [sflag:$0x2], $0x1900, $0x38;
	[tilespmem:$0x1F968] =	vst v63  }
0x20b: {  	_ =	swait.ge [sflag:s30], $0x1900  }
0x20c: {  	[sflag:s30] =	ssyncset.done $0x0  }
0x20d: {  	s12 =	rddreg [dreg:$0xf];
	[sflag:s30] =	ssyncadd.s32 $0xFFFFE700  }
0x20e: {  	[tilespmem:s7], [sflag:$0x2] =	stream.linear.gather [spmem:s12], $0x1900, $0x38;
	[tilespmem:$0x1F968] =	vst v63  }
0x20f: {  	_ =	swait.ge [sflag:s30], $0x1900  }
0x210: {  	[sflag:s30] =	ssyncset.done $0x0  }
0x211: {  	s16 =	rddreg [dreg:$0x7];
	[sflag:s30] =	ssyncadd.s32 $0xFFFFE700  }
0x212: {  	[hbm4b:s16+s3] =	stream.linear.scatter [tilespmem:s7], [sflag:$0x2], $0x1900, $0x38;
	[tilespmem:$0x1F968] =	vst v63  }
0x213: {  	_ =	swait.ge [sflag:s30], $0x1900  }
0x214: {  	[sflag:s30] =	ssyncset.done $0x0  }
0x215: {  	s16 =	rddreg [dreg:$0x10];
	[sflag:s30] =	ssyncadd.s32 $0xFFFFE700  }
0x216: {  	[tilespmem:s7], [sflag:$0x2] =	stream.linear.gather [spmem:s16], $0x1900, $0x38;
	[tilespmem:$0x1F968] =	vst v63  }
0x217: {  	_ =	swait.ge [sflag:s30], $0x1900  }
0x218: {  	[sflag:s30] =	ssyncset.done $0x0  }
0x219: {  	s24 =	rddreg [dreg:$0x8];
	[sflag:s30] =	ssyncadd.s32 $0xFFFFE700  }
0x21a: {  	[hbm4b:s24+s3] =	stream.linear.scatter [tilespmem:s7], [sflag:$0x2], $0x1900, $0x38;
	[tilespmem:$0x1F968] =	vst v63  }
0x21b: {  	_ =	swait.ge [sflag:s30], $0x1900  }
0x21c: {  	[sflag:s30] =	ssyncset.done $0x0  }
0x21d: {  	s24 =	rddreg [dreg:$0x11];
	[sflag:s30] =	ssyncadd.s32 $0xFFFFE700  }
0x21e: {  	[tilespmem:s7], [sflag:$0x2] =	stream.linear.gather [spmem:s24], $0x1900, $0x38;
	[tilespmem:$0x1F968] =	vst v63  }
0x21f: {  	_ =	swait.ge [sflag:s30], $0x1900  }
0x220: {  	[sflag:s30] =	ssyncset.done $0x0  }
0x221: {  	s25 =	rddreg [dreg:$0x9];
	[sflag:s30] =	ssyncadd.s32 $0xFFFFE700  }
0x222: {  	[hbm4b:s25+s3] =	stream.linear.scatter [tilespmem:s7], [sflag:$0x2], $0x1900, $0x38;
	[tilespmem:$0x1F968] =	vst v63  }
0x223: {  	_ =	swait.ge [sflag:s30], $0x1900  }
0x224: {  	[sflag:s30] =	ssyncset.done $0x0  }
0x225: {  	s25 =	rddreg [dreg:$0x12];
	[sflag:s30] =	ssyncadd.s32 $0xFFFFE700  }
0x226: {  	[tilespmem:s7], [sflag:$0x2] =	stream.linear.gather [spmem:s25], $0x1900, $0x38;
	[tilespmem:$0x1F968] =	vst v63  }
0x227: {  	_ =	swait.ge [sflag:s30], $0x1900  }
0x228: {  	[sflag:s30] =	ssyncset.done $0x0  }
0x229: {  	s8 =	rddreg [dreg:$0xa];
	[sflag:s30] =	ssyncadd.s32 $0xFFFFE700  }
0x22a: {  	[hbm4b:s8+s3] =	stream.linear.scatter [tilespmem:s7], [sflag:$0x2], $0x1900, $0x38;
	[tilespmem:$0x1F968] =	vst v63  }
0x22b: {  	_ =	swait.ge [sflag:s30], $0x1900  }
0x22c: {  	[sflag:s30] =	ssyncset.done $0x0  }
0x22d: {  	s1 =	simm.s32 @!p0 $0x11D10;
	s7 =	rddreg [dreg:$0x14];
	[sflag:s30] =	ssyncadd.s32 $0xFFFFE700  }
0x22e: {  	[tilespmem:s1], [sflag:$0x2] =	stream.linear.gather @!p0 [spmem:s7], $0x1900, $0x38;
	[tilespmem:$0x1F968] =	vst v63  }
0x22f: {  	s7 =	simm.s32 @!p0 $0x2  }
0x230: {  	_ =	swait.ge @!p0 [sflag:s7], $0x1900  }
0x231: {  	[sflag:s7] =	ssyncset.done @!p0 $0x0  }
0x232: {  	s8 =	simm.s32 @!p0 $0x0;
	s9 =	rddreg [dreg:$0xb];
	[sflag:s7] =	ssyncadd.s32 @!p0 $0xFFFFE700  }
0x233: {  	[hbm4b:s9+s8] =	stream.linear.scatter @!p0 [tilespmem:s1], [sflag:$0x2], $0x1900, $0x38;
	[tilespmem:$0x1F968] =	vst v63  }
0x234: {  	_ =	swait.ge @!p0 [sflag:s7], $0x1900  }
0x235: {  	[sflag:s7] =	ssyncset.done @!p0 $0x0  }
0x236: {  	s1 =	simm.s32 $0x5900;
	s9 =	sadd.s32 $0x0, s26;
	[sflag:s7] =	ssyncadd.s32 @!p0 $0xFFFFE700  }
0x237: {  	[hbm4b:s9+s3] =	stream.linear.scatter [tilespmem:s1], [sflag:$0x2], $0x190, $0x38;
	[tilespmem:$0x1F968] =	vst v63  }
0x238: {  	_ =	swait.ge [sflag:s30], $0x190  }
0x239: {  	s7 =	simm.s32 $0x32;
	[sflag:s30] =	ssyncset.done $0x0  }
.LBB2_10:
0x23a: {  	s8 =	sadd.s32 s7, s26  }
0x23b: {  	[sflag:s30] =	ssyncadd.s32 $0xFFFFFE70;
	s1 =	sadd.s32 $0x190, s1;
	p1 =	sne.s32 s7, $0x1838  }
0x23c: {  	[hbm4b:s8+s3] =	stream.linear.scatter [tilespmem:s1], [sflag:$0x2], $0x190, $0x38;
	[tilespmem:$0x1F968] =	vst v63  }
.Ltmp4:
0x23d: {  	_ = 	snop;
	(pc) =	sbr.rel @p1 .LBB2_10-.Ltmp4, $4  }
0x23e: {  	_ = 	snop  }
0x23f: {  	s7 =	sadd.s32 $0x32, s7  }
0x240: {  	_ =	swait.ge [sflag:s30], $0x190  }
0x241: {  	[sflag:s30] =	ssyncset.done $0x0  }
0x242: {  	s7 =	rddreg [dreg:$0x16]  }
0x243: {  	s1 =	rddreg [dreg:$0x15];
	s7 =	sadd.s32 $0x1, s7  }
0x244: {  	p1 =	sne.s32 s7, s1  }
.Ltmp5:
0x245: {  	_ = 	snop;
	(pc) =	sbr.rel @p1 .LBB2_1-.Ltmp5, $2  }
0x246: {  	_ =	sdelay $0x2  }
0x247: {  	[sflag:s30] =	ssyncadd.s32 $0xFFFFFE70  }
0x248: {  	_ =	sfence.sel $0x180000  }
0x249: {  	[bflag:$0x0] =	sbarrier.arrive $0xFFFF  }
0x24a: {  	_ =	strace $0x90000047  }
0x24b: {  	s0 =	stileid.u32;
	[bflag:$0x2] =	sbarrier.arrive $0xFFFF  }
0x24c: {  	p0 =	sne.s32 s0, $0x0;
	s0 =	rddreg [dreg:$0x3]  }
0x24d: {  	s0 =	sadd.s32 @!p0 $0x100000, s0  }
0x24e: {  	[sflag:s0] =	ssyncadd.tile.s32 @!p0 $0x1;
	_ =	shalt  }
.Lfunc_end2:
_tile_overlayer_lowered:
.L_overlay_start_2:
0x24f: {  	(tag) =	ssettag $0x2  }
0x250: {  	s0 =	rddreg [dreg:$0x0];
	s2 =	stileid.u32  }
0x251: {  	s1 =	rddreg [dreg:$0x1];
	p0 =	sne.s32 s2, $0x0  }
0x252: {  	s3 =	rddreg [dreg:$0x2];
	[bflag:$0x3] =	sbarrier.arrive $0xFFFF;
	s2 =	simm.s32 @!p0 $0x1C02  }
0x253: {  	[timem:s3], [sflag:s2] =	dma.local @!p0 [hbm:s0], s1  }
0x254: {  	s0 =	simm.s32 @!p0 $0x2  }
0x255: {  	_ =	swait.ge @!p0 [sflag:s0], s1  }
0x256: {  	s1 =	ssub.s32 @!p0 $0x0, s1;
	[sflag:s0] =	ssyncset.done @!p0 $0x0  }
0x257: {  	[sflag:s0] =	ssyncadd.s32 @!p0 s1  }
0x258: {  	[bflag:$0x3] =	sbarrier.arrive $0xFFFF  }
0x259: {  	_ =	shalt  }

</sc_bundles>
